<compile_context>
chip_gen: v7x
topology: tpu7x:2x2x1
jax: 0.10.2.dev20260603
libtpu: 0.0.44.dev20260713+nightly
codegen_flags: <defaults>
</compile_context>

<pallas_src>
import functools

import jax
import jax.numpy as jnp
from jax import lax
from jax.experimental import pallas as pl
from jax.experimental.pallas import tpu as pltpu
from jax.experimental.pallas import tpu_sc as plsc

_LANES = 16


@functools.lru_cache(maxsize=None)
def _make_kernel(B, D):
    info = plsc.get_sparse_core_info()
    NC, NS = info.num_cores, info.num_subcores
    NW = NC * NS
    bpw = B // NW
    nchunk = bpw // _LANES

    mesh = plsc.VectorSubcoreMesh(core_axis_name="c", subcore_axis_name="s")

    @functools.partial(
        pl.kernel,
        mesh=mesh,
        out_type=jax.ShapeDtypeStruct((B,), jnp.float32),
        compiler_params=pltpu.CompilerParams(needs_layout_passes=False),
        scratch_types=[
            pltpu.VMEM((bpw,), jnp.int32),
            pltpu.VMEM((bpw,), jnp.int32),
            pltpu.VMEM((4 * _LANES, D), jnp.float32),
            pltpu.VMEM((4 * _LANES, D), jnp.float32),
            pltpu.VMEM((bpw,), jnp.float32),
            pltpu.SemaphoreType.DMA,
        ],
    )
    def kern(uidx_hbm, iidx_hbm, ut_hbm, it_hbm, out_hbm,
             uix, iix, urows, irows, outv, sem):
        wid = lax.axis_index("s") * NC + lax.axis_index("c")
        base = wid * bpw
        pltpu.sync_copy(uidx_hbm.at[pl.ds(base, bpw)], uix)
        pltpu.sync_copy(iidx_hbm.at[pl.ds(base, bpw)], iix)

        iota = lax.iota(jnp.int32, _LANES)

        def fire(i):
            slot = lax.bitwise_and(i, 3)
            uvec = uix[pl.ds(i * _LANES, _LANES)]
            ivec = iix[pl.ds(i * _LANES, _LANES)]
            for j in range(_LANES):
                dst = pl.ds(slot * _LANES + j, 1)
                pltpu.async_copy(ut_hbm.at[pl.ds(uvec[j], 1)], urows.at[dst], sem)
                pltpu.async_copy(it_hbm.at[pl.ds(ivec[j], 1)], irows.at[dst], sem)

        def drain_compute(i):
            slot = lax.bitwise_and(i, 3)
            for j in range(_LANES):
                dst = pl.ds(slot * _LANES + j, 1)
                pltpu.make_async_copy(ut_hbm.at[pl.ds(0, 1)], urows.at[dst], sem).wait()
                pltpu.make_async_copy(ut_hbm.at[pl.ds(0, 1)], irows.at[dst], sem).wait()
            srows = slot * _LANES + iota
            acc = jnp.zeros((_LANES,), jnp.float32)
            for d in range(D):
                dcol = jnp.full((_LANES,), d, jnp.int32)
                u = plsc.load_gather(urows, [srows, dcol])
                v = plsc.load_gather(irows, [srows, dcol])
                acc = acc + u * v
            plsc.store_scatter(outv, [i * _LANES + iota], acc)

        def body(i, carry):
            fire(i)

            @pl.when(i >= 2)
            def _():
                drain_compute(i - 2)

            return carry

        lax.fori_loop(0, nchunk, body, 0)
        drain_compute(nchunk - 2)
        drain_compute(nchunk - 1)
        pltpu.sync_copy(outv, out_hbm.at[pl.ds(base, bpw)])

    return kern


@jax.jit
def kernel(behavior, user_table, item_table):
    uidx = behavior[:, 0].astype(jnp.int32)
    iidx = behavior[:, 1].astype(jnp.int32)
    return _make_kernel(behavior.shape[0], item_table.shape[1])(
        uidx, iidx, user_table, item_table
    )

# --- scband reference (transcript-rebuilt; emitter-appended) ---
"""Pipeline reference for scband-pmfrating-network-21079699489329 (READ-ONLY COPY).

The authoritative reference and input builder live on the scoring server;
editing this copy changes nothing except your own understanding.
"""

import jax, jax.numpy as jnp
import numpy as np

NUM_USER = 1000000
NUM_ITEM = 1000000
DIM = 32
BATCH = 16384


def setup_inputs(seed: int = 0) -> dict:
    key = jax.random.key(seed)
    k1, k2, k3 = jax.random.split(key, 3)
    behavior = jax.random.randint(k1, (BATCH, 2), 0, NUM_USER, dtype=jnp.int64) if jax.config.jax_enable_x64 else jax.random.randint(k1, (BATCH, 2), 0, NUM_USER, dtype=jnp.int32)
    user_table = jax.random.normal(k2, (NUM_USER, DIM), dtype=jnp.float32)
    item_table = jax.random.normal(k3, (NUM_ITEM, DIM), dtype=jnp.float32)
    return {"behavior": behavior, "user_table": user_table, "item_table": item_table}


def reference(behavior, user_table, item_table):
    user_idx = behavior[:, 0].astype(jnp.int32)
    item_idx = behavior[:, 1].astype(jnp.int32)
    user_vector = jnp.take(user_table, user_idx, axis=0)
    item_vector = jnp.take(item_table, item_idx, axis=0)
    inferred_rating = jnp.sum(user_vector * item_vector, axis=-1)
    return inferred_rating

if __name__ == "__main__":
    import jax
    _d = setup_inputs()
    print(jax.jit(kernel)(*tuple(_d.values())))

</pallas_src>

<mosaic_0001>
#map = affine_map<(d0, d1) -> (0)>
#map1 = affine_map<(d0, d1) -> (0, 0)>
module attributes {stable_mosaic.version = 14 : i64} {
  func.func @kern(%arg0: i32, %arg1: i32, %arg2: memref<16384xi32, #tpu.memory_space<hbm>>, %arg3: memref<16384xi32, #tpu.memory_space<hbm>>, %arg4: memref<1000000x32xf32, #tpu.memory_space<hbm>>, %arg5: memref<1000000x32xf32, #tpu.memory_space<hbm>>, %arg6: memref<16384xf32, #tpu.memory_space<hbm>>, %arg7: memref<512xi32, #tpu.memory_space<vmem>>, %arg8: memref<512xi32, #tpu.memory_space<vmem>>, %arg9: memref<64x32xf32, #tpu.memory_space<vmem>>, %arg10: memref<64x32xf32, #tpu.memory_space<vmem>>, %arg11: memref<512xf32, #tpu.memory_space<vmem>>, %arg12: memref<!tpu.dma_semaphore, #tpu.memory_space<semaphore_mem>>) attributes {dimension_semantics = [#tpu.dimension_semantics<core_parallel>, #tpu.dimension_semantics<subcore_parallel>], iteration_bounds = array<i64: 2, 16>, scalar_prefetch = 0 : i64, scratch_operands = 6 : i64, tpu.core_type = #tpu.core_type<sc_vector_subcore>, window_params = [{transform_indices = #map}, {transform_indices = #map}, {transform_indices = #map1}, {transform_indices = #map1}, {transform_indices = #map}]} {
    %mul3A = arith.constant 2 : i32
    %mul3A_0 = arith.muli %arg1, %mul3A : i32
    %add3A = arith.addi %mul3A_0, %arg0 : i32
    %mul3A_1 = arith.constant 512 : i32
    %mul3A_2 = arith.muli %add3A, %mul3A_1 : i32
    "tpu.region"() ({
      %run_scoped3A = tpu.sem_alloc : memref<!tpu.dma_semaphore, #tpu.memory_space<semaphore_mem>>
      %dma_start3A = tpu.memref_slice %arg2[%mul3A_2] : memref<16384xi32, #tpu.memory_space<hbm>> -> memref<512xi32, #tpu.memory_space<hbm>>
      %dma_start3A_1180 = tpu.memref_slice %arg2[%mul3A_2] : memref<16384xi32, #tpu.memory_space<hbm>> -> memref<512xi32, #tpu.memory_space<hbm>>
      tpu.enqueue_dma source(%dma_start3A_1180 : memref<512xi32, #tpu.memory_space<hbm>>) target(%arg7 : memref<512xi32, #tpu.memory_space<vmem>>) target_semaphore(%run_scoped3A : memref<!tpu.dma_semaphore, #tpu.memory_space<semaphore_mem>>)
      %dma_wait3A_1181 = tpu.memref_slice %arg2[%mul3A_2] : memref<16384xi32, #tpu.memory_space<hbm>> -> memref<512xi32, #tpu.memory_space<hbm>>
      %dma_wait3A_1182 = tpu.memref_slice %arg2[%mul3A_2] : memref<16384xi32, #tpu.memory_space<hbm>> -> memref<512xi32, #tpu.memory_space<hbm>>
      tpu.wait_dma2 semaphore(%run_scoped3A : memref<!tpu.dma_semaphore, #tpu.memory_space<semaphore_mem>>) src(%dma_wait3A_1182 : memref<512xi32, #tpu.memory_space<hbm>>) dst(%arg7 : memref<512xi32, #tpu.memory_space<vmem>>)
      tpu.yield
    }) : () -> ()
    "tpu.region"() ({
      %run_scoped3A = tpu.sem_alloc : memref<!tpu.dma_semaphore, #tpu.memory_space<semaphore_mem>>
      %dma_start3A = tpu.memref_slice %arg3[%mul3A_2] : memref<16384xi32, #tpu.memory_space<hbm>> -> memref<512xi32, #tpu.memory_space<hbm>>
      %dma_start3A_1180 = tpu.memref_slice %arg3[%mul3A_2] : memref<16384xi32, #tpu.memory_space<hbm>> -> memref<512xi32, #tpu.memory_space<hbm>>
      tpu.enqueue_dma source(%dma_start3A_1180 : memref<512xi32, #tpu.memory_space<hbm>>) target(%arg8 : memref<512xi32, #tpu.memory_space<vmem>>) target_semaphore(%run_scoped3A : memref<!tpu.dma_semaphore, #tpu.memory_space<semaphore_mem>>)
      %dma_wait3A_1181 = tpu.memref_slice %arg3[%mul3A_2] : memref<16384xi32, #tpu.memory_space<hbm>> -> memref<512xi32, #tpu.memory_space<hbm>>
      %dma_wait3A_1182 = tpu.memref_slice %arg3[%mul3A_2] : memref<16384xi32, #tpu.memory_space<hbm>> -> memref<512xi32, #tpu.memory_space<hbm>>
      tpu.wait_dma2 semaphore(%run_scoped3A : memref<!tpu.dma_semaphore, #tpu.memory_space<semaphore_mem>>) src(%dma_wait3A_1182 : memref<512xi32, #tpu.memory_space<hbm>>) dst(%arg8 : memref<512xi32, #tpu.memory_space<vmem>>)
      tpu.yield
    }) : () -> ()
    %iota3A = tpu.iota {dimensions = array<i32: 0>} : vector<16xi32>
    %scan3A = arith.constant 0 : i32
    %scan3A_3 = arith.constant 0 : i32
    %scan3A_4 = arith.constant 32 : i32
    %scan3A_5 = arith.addi %scan3A_3, %scan3A_4 : i32
    %scan3A_6 = arith.constant 1 : i32
    scf.for %scan3A_1180 = %scan3A_3 to %scan3A_5 step %scan3A_6  : i32 {
      %and3A_1181 = arith.constant 3 : i32
      %and3A_1182 = arith.andi %scan3A_1180, %and3A_1181 : i32
      %mul3A_1183 = arith.constant 16 : i32
      %mul3A_1184 = arith.muli %scan3A_1180, %mul3A_1183 : i32
      %get3A = arith.index_cast %mul3A_1184 : i32 to index
      %get3A_1185 = tpu.vector_load %arg7[%get3A] {strides = array<i32>} : memref<512xi32, #tpu.memory_space<vmem>>, vector<16xi32>,
      %mul3A_1186 = arith.constant 16 : i32
      %mul3A_1187 = arith.muli %scan3A_1180, %mul3A_1186 : i32
      %get3A_1188 = arith.index_cast %mul3A_1187 : i32 to index
      %get3A_1189 = tpu.vector_load %arg8[%get3A_1188] {strides = array<i32>} : memref<512xi32, #tpu.memory_space<vmem>>, vector<16xi32>,
      %mul3A_1190 = arith.constant 16 : i32
      %mul3A_1191 = arith.muli %and3A_1182, %mul3A_1190 : i32
      %add3A_1192 = arith.constant 0 : i32
      %add3A_1193 = arith.addi %mul3A_1191, %add3A_1192 : i32
      %slice3A = vector.extract_strided_slice %get3A_1185 {offsets = [0], sizes = [1], strides = [1]} : vector<16xi32> to vector<1xi32>
      %squeeze3A = vector.extract %slice3A[0] : i32 from vector<1xi32>
      %dma_start3A = arith.constant 0 : i32
      %dma_start3A_1194 = tpu.memref_slice %arg9[%add3A_1193, %dma_start3A] : memref<64x32xf32, #tpu.memory_space<vmem>> -> memref<1x32xf32, #tpu.memory_space<vmem>>
      %dma_start3A_1195 = arith.constant 0 : i32
      %dma_start3A_1196 = tpu.memref_slice %arg4[%squeeze3A, %dma_start3A_1195] : memref<1000000x32xf32, #tpu.memory_space<hbm>> -> memref<1x32xf32, #tpu.memory_space<hbm>>
      %dma_start3A_1197 = arith.constant 0 : i32
      %dma_start3A_1198 = tpu.memref_slice %arg9[%add3A_1193, %dma_start3A_1197] : memref<64x32xf32, #tpu.memory_space<vmem>> -> memref<1x32xf32, #tpu.memory_space<vmem>>
      %dma_start3A_1199 = arith.constant 0 : i32
      %dma_start3A_1200 = tpu.memref_slice %arg4[%squeeze3A, %dma_start3A_1199] : memref<1000000x32xf32, #tpu.memory_space<hbm>> -> memref<1x32xf32, #tpu.memory_space<hbm>>
      tpu.enqueue_dma source(%dma_start3A_1200 : memref<1x32xf32, #tpu.memory_space<hbm>>) target(%dma_start3A_1198 : memref<1x32xf32, #tpu.memory_space<vmem>>) target_semaphore(%arg12 : memref<!tpu.dma_semaphore, #tpu.memory_space<semaphore_mem>>)
      %slice3A_1201 = vector.extract_strided_slice %get3A_1189 {offsets = [0], sizes = [1], strides = [1]} : vector<16xi32> to vector<1xi32>
      %squeeze3A_1202 = vector.extract %slice3A_1201[0] : i32 from vector<1xi32>
      %dma_start3A_1203 = arith.constant 0 : i32
      %dma_start3A_1204 = tpu.memref_slice %arg10[%add3A_1193, %dma_start3A_1203] : memref<64x32xf32, #tpu.memory_space<vmem>> -> memref<1x32xf32, #tpu.memory_space<vmem>>
      %dma_start3A_1205 = arith.constant 0 : i32
      %dma_start3A_1206 = tpu.memref_slice %arg5[%squeeze3A_1202, %dma_start3A_1205] : memref<1000000x32xf32, #tpu.memory_space<hbm>> -> memref<1x32xf32, #tpu.memory_space<hbm>>
      %dma_start3A_1207 = arith.constant 0 : i32
      %dma_start3A_1208 = tpu.memref_slice %arg10[%add3A_1193, %dma_start3A_1207] : memref<64x32xf32, #tpu.memory_space<vmem>> -> memref<1x32xf32, #tpu.memory_space<vmem>>
      %dma_start3A_1209 = arith.constant 0 : i32
      %dma_start3A_1210 = tpu.memref_slice %arg5[%squeeze3A_1202, %dma_start3A_1209] : memref<1000000x32xf32, #tpu.memory_space<hbm>> -> memref<1x32xf32, #tpu.memory_space<hbm>>
      tpu.enqueue_dma source(%dma_start3A_1210 : memref<1x32xf32, #tpu.memory_space<hbm>>) target(%dma_start3A_1208 : memref<1x32xf32, #tpu.memory_space<vmem>>) target_semaphore(%arg12 : memref<!tpu.dma_semaphore, #tpu.memory_space<semaphore_mem>>)
      %mul3A_1211 = arith.constant 16 : i32
      %mul3A_1212 = arith.muli %and3A_1182, %mul3A_1211 : i32
      %add3A_1213 = arith.constant 1 : i32
      %add3A_1214 = arith.addi %mul3A_1212, %add3A_1213 : i32
      %slice3A_1215 = vector.extract_strided_slice %get3A_1185 {offsets = [1], sizes = [1], strides = [1]} : vector<16xi32> to vector<1xi32>
      %squeeze3A_1216 = vector.extract %slice3A_1215[0] : i32 from vector<1xi32>
      %dma_start3A_1217 = arith.constant 0 : i32
      %dma_start3A_1218 = tpu.memref_slice %arg9[%add3A_1214, %dma_start3A_1217] : memref<64x32xf32, #tpu.memory_space<vmem>> -> memref<1x32xf32, #tpu.memory_space<vmem>>
      %dma_start3A_1219 = arith.constant 0 : i32
      %dma_start3A_1220 = tpu.memref_slice %arg4[%squeeze3A_1216, %dma_start3A_1219] : memref<1000000x32xf32, #tpu.memory_space<hbm>> -> memref<1x32xf32, #tpu.memory_space<hbm>>
      %dma_start3A_1221 = arith.constant 0 : i32
      %dma_start3A_1222 = tpu.memref_slice %arg9[%add3A_1214, %dma_start3A_1221] : memref<64x32xf32, #tpu.memory_space<vmem>> -> memref<1x32xf32, #tpu.memory_space<vmem>>
      %dma_start3A_1223 = arith.constant 0 : i32
      %dma_start3A_1224 = tpu.memref_slice %arg4[%squeeze3A_1216, %dma_start3A_1223] : memref<1000000x32xf32, #tpu.memory_space<hbm>> -> memref<1x32xf32, #tpu.memory_space<hbm>>
      tpu.enqueue_dma source(%dma_start3A_1224 : memref<1x32xf32, #tpu.memory_space<hbm>>) target(%dma_start3A_1222 : memref<1x32xf32, #tpu.memory_space<vmem>>) target_semaphore(%arg12 : memref<!tpu.dma_semaphore, #tpu.memory_space<semaphore_mem>>)
      %slice3A_1225 = vector.extract_strided_slice %get3A_1189 {offsets = [1], sizes = [1], strides = [1]} : vector<16xi32> to vector<1xi32>
      %squeeze3A_1226 = vector.extract %slice3A_1225[0] : i32 from vector<1xi32>
      %dma_start3A_1227 = arith.constant 0 : i32
      %dma_start3A_1228 = tpu.memref_slice %arg10[%add3A_1214, %dma_start3A_1227] : memref<64x32xf32, #tpu.memory_space<vmem>> -> memref<1x32xf32, #tpu.memory_space<vmem>>
      %dma_start3A_1229 = arith.constant 0 : i32
      %dma_start3A_1230 = tpu.memref_slice %arg5[%squeeze3A_1226, %dma_start3A_1229] : memref<1000000x32xf32, #tpu.memory_space<hbm>> -> memref<1x32xf32, #tpu.memory_space<hbm>>
      %dma_start3A_1231 = arith.constant 0 : i32
      %dma_start3A_1232 = tpu.memref_slice %arg10[%add3A_1214, %dma_start3A_1231] : memref<64x32xf32, #tpu.memory_space<vmem>> -> memref<1x32xf32, #tpu.memory_space<vmem>>
      %dma_start3A_1233 = arith.constant 0 : i32
      %dma_start3A_1234 = tpu.memref_slice %arg5[%squeeze3A_1226, %dma_start3A_1233] : memref<1000000x32xf32, #tpu.memory_space<hbm>> -> memref<1x32xf32, #tpu.memory_space<hbm>>
      tpu.enqueue_dma source(%dma_start3A_1234 : memref<1x32xf32, #tpu.memory_space<hbm>>) target(%dma_start3A_1232 : memref<1x32xf32, #tpu.memory_space<vmem>>) target_semaphore(%arg12 : memref<!tpu.dma_semaphore, #tpu.memory_space<semaphore_mem>>)
      %mul3A_1235 = arith.constant 16 : i32
      %mul3A_1236 = arith.muli %and3A_1182, %mul3A_1235 : i32
      %add3A_1237 = arith.constant 2 : i32
      %add3A_1238 = arith.addi %mul3A_1236, %add3A_1237 : i32
      %slice3A_1239 = vector.extract_strided_slice %get3A_1185 {offsets = [2], sizes = [1], strides = [1]} : vector<16xi32> to vector<1xi32>
      %squeeze3A_1240 = vector.extract %slice3A_1239[0] : i32 from vector<1xi32>
      %dma_start3A_1241 = arith.constant 0 : i32
      %dma_start3A_1242 = tpu.memref_slice %arg9[%add3A_1238, %dma_start3A_1241] : memref<64x32xf32, #tpu.memory_space<vmem>> -> memref<1x32xf32, #tpu.memory_space<vmem>>
      %dma_start3A_1243 = arith.constant 0 : i32
      %dma_start3A_1244 = tpu.memref_slice %arg4[%squeeze3A_1240, %dma_start3A_1243] : memref<1000000x32xf32, #tpu.memory_space<hbm>> -> memref<1x32xf32, #tpu.memory_space<hbm>>
      %dma_start3A_1245 = arith.constant 0 : i32
      %dma_start3A_1246 = tpu.memref_slice %arg9[%add3A_1238, %dma_start3A_1245] : memref<64x32xf32, #tpu.memory_space<vmem>> -> memref<1x32xf32, #tpu.memory_space<vmem>>
      %dma_start3A_1247 = arith.constant 0 : i32
      %dma_start3A_1248 = tpu.memref_slice %arg4[%squeeze3A_1240, %dma_start3A_1247] : memref<1000000x32xf32, #tpu.memory_space<hbm>> -> memref<1x32xf32, #tpu.memory_space<hbm>>
      tpu.enqueue_dma source(%dma_start3A_1248 : memref<1x32xf32, #tpu.memory_space<hbm>>) target(%dma_start3A_1246 : memref<1x32xf32, #tpu.memory_space<vmem>>) target_semaphore(%arg12 : memref<!tpu.dma_semaphore, #tpu.memory_space<semaphore_mem>>)
      %slice3A_1249 = vector.extract_strided_slice %get3A_1189 {offsets = [2], sizes = [1], strides = [1]} : vector<16xi32> to vector<1xi32>
      %squeeze3A_1250 = vector.extract %slice3A_1249[0] : i32 from vector<1xi32>
      %dma_start3A_1251 = arith.constant 0 : i32
      %dma_start3A_1252 = tpu.memref_slice %arg10[%add3A_1238, %dma_start3A_1251] : memref<64x32xf32, #tpu.memory_space<vmem>> -> memref<1x32xf32, #tpu.memory_space<vmem>>
      %dma_start3A_1253 = arith.constant 0 : i32
      %dma_start3A_1254 = tpu.memref_slice %arg5[%squeeze3A_1250, %dma_start3A_1253] : memref<1000000x32xf32, #tpu.memory_space<hbm>> -> memref<1x32xf32, #tpu.memory_space<hbm>>
      %dma_start3A_1255 = arith.constant 0 : i32
      %dma_start3A_1256 = tpu.memref_slice %arg10[%add3A_1238, %dma_start3A_1255] : memref<64x32xf32, #tpu.memory_space<vmem>> -> memref<1x32xf32, #tpu.memory_space<vmem>>
      %dma_start3A_1257 = arith.constant 0 : i32
      %dma_start3A_1258 = tpu.memref_slice %arg5[%squeeze3A_1250, %dma_start3A_1257] : memref<1000000x32xf32, #tpu.memory_space<hbm>> -> memref<1x32xf32, #tpu.memory_space<hbm>>
      tpu.enqueue_dma source(%dma_start3A_1258 : memref<1x32xf32, #tpu.memory_space<hbm>>) target(%dma_start3A_1256 : memref<1x32xf32, #tpu.memory_space<vmem>>) target_semaphore(%arg12 : memref<!tpu.dma_semaphore, #tpu.memory_space<semaphore_mem>>)
      %mul3A_1259 = arith.constant 16 : i32
      %mul3A_1260 = arith.muli %and3A_1182, %mul3A_1259 : i32
      %add3A_1261 = arith.constant 3 : i32
      %add3A_1262 = arith.addi %mul3A_1260, %add3A_1261 : i32
      %slice3A_1263 = vector.extract_strided_slice %get3A_1185 {offsets = [3], sizes = [1], strides = [1]} : vector<16xi32> to vector<1xi32>
      %squeeze3A_1264 = vector.extract %slice3A_1263[0] : i32 from vector<1xi32>
      %dma_start3A_1265 = arith.constant 0 : i32
      %dma_start3A_1266 = tpu.memref_slice %arg9[%add3A_1262, %dma_start3A_1265] : memref<64x32xf32, #tpu.memory_space<vmem>> -> memref<1x32xf32, #tpu.memory_space<vmem>>
      %dma_start3A_1267 = arith.constant 0 : i32
      %dma_start3A_1268 = tpu.memref_slice %arg4[%squeeze3A_1264, %dma_start3A_1267] : memref<1000000x32xf32, #tpu.memory_space<hbm>> -> memref<1x32xf32, #tpu.memory_space<hbm>>
      %dma_start3A_1269 = arith.constant 0 : i32
      %dma_start3A_1270 = tpu.memref_slice %arg9[%add3A_1262, %dma_start3A_1269] : memref<64x32xf32, #tpu.memory_space<vmem>> -> memref<1x32xf32, #tpu.memory_space<vmem>>
      %dma_start3A_1271 = arith.constant 0 : i32
      %dma_start3A_1272 = tpu.memref_slice %arg4[%squeeze3A_1264, %dma_start3A_1271] : memref<1000000x32xf32, #tpu.memory_space<hbm>> -> memref<1x32xf32, #tpu.memory_space<hbm>>
      tpu.enqueue_dma source(%dma_start3A_1272 : memref<1x32xf32, #tpu.memory_space<hbm>>) target(%dma_start3A_1270 : memref<1x32xf32, #tpu.memory_space<vmem>>) target_semaphore(%arg12 : memref<!tpu.dma_semaphore, #tpu.memory_space<semaphore_mem>>)
      %slice3A_1273 = vector.extract_strided_slice %get3A_1189 {offsets = [3], sizes = [1], strides = [1]} : vector<16xi32> to vector<1xi32>
      %squeeze3A_1274 = vector.extract %slice3A_1273[0] : i32 from vector<1xi32>
      %dma_start3A_1275 = arith.constant 0 : i32
      %dma_start3A_1276 = tpu.memref_slice %arg10[%add3A_1262, %dma_start3A_1275] : memref<64x32xf32, #tpu.memory_space<vmem>> -> memref<1x32xf32, #tpu.memory_space<vmem>>
      %dma_start3A_1277 = arith.constant 0 : i32
      %dma_start3A_1278 = tpu.memref_slice %arg5[%squeeze3A_1274, %dma_start3A_1277] : memref<1000000x32xf32, #tpu.memory_space<hbm>> -> memref<1x32xf32, #tpu.memory_space<hbm>>
      %dma_start3A_1279 = arith.constant 0 : i32
      %dma_start3A_1280 = tpu.memref_slice %arg10[%add3A_1262, %dma_start3A_1279] : memref<64x32xf32, #tpu.memory_space<vmem>> -> memref<1x32xf32, #tpu.memory_space<vmem>>
      %dma_start3A_1281 = arith.constant 0 : i32
      %dma_start3A_1282 = tpu.memref_slice %arg5[%squeeze3A_1274, %dma_start3A_1281] : memref<1000000x32xf32, #tpu.memory_space<hbm>> -> memref<1x32xf32, #tpu.memory_space<hbm>>
      tpu.enqueue_dma source(%dma_start3A_1282 : memref<1x32xf32, #tpu.memory_space<hbm>>) target(%dma_start3A_1280 : memref<1x32xf32, #tpu.memory_space<vmem>>) target_semaphore(%arg12 : memref<!tpu.dma_semaphore, #tpu.memory_space<semaphore_mem>>)
      %mul3A_1283 = arith.constant 16 : i32
      %mul3A_1284 = arith.muli %and3A_1182, %mul3A_1283 : i32
      %add3A_1285 = arith.constant 4 : i32
      %add3A_1286 = arith.addi %mul3A_1284, %add3A_1285 : i32
      %slice3A_1287 = vector.extract_strided_slice %get3A_1185 {offsets = [4], sizes = [1], strides = [1]} : vector<16xi32> to vector<1xi32>
      %squeeze3A_1288 = vector.extract %slice3A_1287[0] : i32 from vector<1xi32>
      %dma_start3A_1289 = arith.constant 0 : i32
      %dma_start3A_1290 = tpu.memref_slice %arg9[%add3A_1286, %dma_start3A_1289] : memref<64x32xf32, #tpu.memory_space<vmem>> -> memref<1x32xf32, #tpu.memory_space<vmem>>
      %dma_start3A_1291 = arith.constant 0 : i32
      %dma_start3A_1292 = tpu.memref_slice %arg4[%squeeze3A_1288, %dma_start3A_1291] : memref<1000000x32xf32, #tpu.memory_space<hbm>> -> memref<1x32xf32, #tpu.memory_space<hbm>>
      %dma_start3A_1293 = arith.constant 0 : i32
      %dma_start3A_1294 = tpu.memref_slice %arg9[%add3A_1286, %dma_start3A_1293] : memref<64x32xf32, #tpu.memory_space<vmem>> -> memref<1x32xf32, #tpu.memory_space<vmem>>
      %dma_start3A_1295 = arith.constant 0 : i32
      %dma_start3A_1296 = tpu.memref_slice %arg4[%squeeze3A_1288, %dma_start3A_1295] : memref<1000000x32xf32, #tpu.memory_space<hbm>> -> memref<1x32xf32, #tpu.memory_space<hbm>>
      tpu.enqueue_dma source(%dma_start3A_1296 : memref<1x32xf32, #tpu.memory_space<hbm>>) target(%dma_start3A_1294 : memref<1x32xf32, #tpu.memory_space<vmem>>) target_semaphore(%arg12 : memref<!tpu.dma_semaphore, #tpu.memory_space<semaphore_mem>>)
      %slice3A_1297 = vector.extract_strided_slice %get3A_1189 {offsets = [4], sizes = [1], strides = [1]} : vector<16xi32> to vector<1xi32>
      %squeeze3A_1298 = vector.extract %slice3A_1297[0] : i32 from vector<1xi32>
      %dma_start3A_1299 = arith.constant 0 : i32
      %dma_start3A_1300 = tpu.memref_slice %arg10[%add3A_1286, %dma_start3A_1299] : memref<64x32xf32, #tpu.memory_space<vmem>> -> memref<1x32xf32, #tpu.memory_space<vmem>>
      %dma_start3A_1301 = arith.constant 0 : i32
      %dma_start3A_1302 = tpu.memref_slice %arg5[%squeeze3A_1298, %dma_start3A_1301] : memref<1000000x32xf32, #tpu.memory_space<hbm>> -> memref<1x32xf32, #tpu.memory_space<hbm>>
      %dma_start3A_1303 = arith.constant 0 : i32
      %dma_start3A_1304 = tpu.memref_slice %arg10[%add3A_1286, %dma_start3A_1303] : memref<64x32xf32, #tpu.memory_space<vmem>> -> memref<1x32xf32, #tpu.memory_space<vmem>>
      %dma_start3A_1305 = arith.constant 0 : i32
      %dma_start3A_1306 = tpu.memref_slice %arg5[%squeeze3A_1298, %dma_start3A_1305] : memref<1000000x32xf32, #tpu.memory_space<hbm>> -> memref<1x32xf32, #tpu.memory_space<hbm>>
      tpu.enqueue_dma source(%dma_start3A_1306 : memref<1x32xf32, #tpu.memory_space<hbm>>) target(%dma_start3A_1304 : memref<1x32xf32, #tpu.memory_space<vmem>>) target_semaphore(%arg12 : memref<!tpu.dma_semaphore, #tpu.memory_space<semaphore_mem>>)
      %mul3A_1307 = arith.constant 16 : i32
      %mul3A_1308 = arith.muli %and3A_1182, %mul3A_1307 : i32
      %add3A_1309 = arith.constant 5 : i32
      %add3A_1310 = arith.addi %mul3A_1308, %add3A_1309 : i32
      %slice3A_1311 = vector.extract_strided_slice %get3A_1185 {offsets = [5], sizes = [1], strides = [1]} : vector<16xi32> to vector<1xi32>
      %squeeze3A_1312 = vector.extract %slice3A_1311[0] : i32 from vector<1xi32>
      %dma_start3A_1313 = arith.constant 0 : i32
      %dma_start3A_1314 = tpu.memref_slice %arg9[%add3A_1310, %dma_start3A_1313] : memref<64x32xf32, #tpu.memory_space<vmem>> -> memref<1x32xf32, #tpu.memory_space<vmem>>
      %dma_start3A_1315 = arith.constant 0 : i32
      %dma_start3A_1316 = tpu.memref_slice %arg4[%squeeze3A_1312, %dma_start3A_1315] : memref<1000000x32xf32, #tpu.memory_space<hbm>> -> memref<1x32xf32, #tpu.memory_space<hbm>>
      %dma_start3A_1317 = arith.constant 0 : i32
      %dma_start3A_1318 = tpu.memref_slice %arg9[%add3A_1310, %dma_start3A_1317] : memref<64x32xf32, #tpu.memory_space<vmem>> -> memref<1x32xf32, #tpu.memory_space<vmem>>
      %dma_start3A_1319 = arith.constant 0 : i32
      %dma_start3A_1320 = tpu.memref_slice %arg4[%squeeze3A_1312, %dma_start3A_1319] : memref<1000000x32xf32, #tpu.memory_space<hbm>> -> memref<1x32xf32, #tpu.memory_space<hbm>>
      tpu.enqueue_dma source(%dma_start3A_1320 : memref<1x32xf32, #tpu.memory_space<hbm>>) target(%dma_start3A_1318 : memref<1x32xf32, #tpu.memory_space<vmem>>) target_semaphore(%arg12 : memref<!tpu.dma_semaphore, #tpu.memory_space<semaphore_mem>>)
      %slice3A_1321 = vector.extract_strided_slice %get3A_1189 {offsets = [5], sizes = [1], strides = [1]} : vector<16xi32> to vector<1xi32>
      %squeeze3A_1322 = vector.extract %slice3A_1321[0] : i32 from vector<1xi32>
      %dma_start3A_1323 = arith.constant 0 : i32
      %dma_start3A_1324 = tpu.memref_slice %arg10[%add3A_1310, %dma_start3A_1323] : memref<64x32xf32, #tpu.memory_space<vmem>> -> memref<1x32xf32, #tpu.memory_space<vmem>>
      %dma_start3A_1325 = arith.constant 0 : i32
      %dma_start3A_1326 = tpu.memref_slice %arg5[%squeeze3A_1322, %dma_start3A_1325] : memref<1000000x32xf32, #tpu.memory_space<hbm>> -> memref<1x32xf32, #tpu.memory_space<hbm>>
      %dma_start3A_1327 = arith.constant 0 : i32
      %dma_start3A_1328 = tpu.memref_slice %arg10[%add3A_1310, %dma_start3A_1327] : memref<64x32xf32, #tpu.memory_space<vmem>> -> memref<1x32xf32, #tpu.memory_space<vmem>>
      %dma_start3A_1329 = arith.constant 0 : i32
      %dma_start3A_1330 = tpu.memref_slice %arg5[%squeeze3A_1322, %dma_start3A_1329] : memref<1000000x32xf32, #tpu.memory_space<hbm>> -> memref<1x32xf32, #tpu.memory_space<hbm>>
      tpu.enqueue_dma source(%dma_start3A_1330 : memref<1x32xf32, #tpu.memory_space<hbm>>) target(%dma_start3A_1328 : memref<1x32xf32, #tpu.memory_space<vmem>>) target_semaphore(%arg12 : memref<!tpu.dma_semaphore, #tpu.memory_space<semaphore_mem>>)
      %mul3A_1331 = arith.constant 16 : i32
      %mul3A_1332 = arith.muli %and3A_1182, %mul3A_1331 : i32
      %add3A_1333 = arith.constant 6 : i32
      %add3A_1334 = arith.addi %mul3A_1332, %add3A_1333 : i32
      %slice3A_1335 = vector.extract_strided_slice %get3A_1185 {offsets = [6], sizes = [1], strides = [1]} : vector<16xi32> to vector<1xi32>
      %squeeze3A_1336 = vector.extract %slice3A_1335[0] : i32 from vector<1xi32>
      %dma_start3A_1337 = arith.constant 0 : i32
      %dma_start3A_1338 = tpu.memref_slice %arg9[%add3A_1334, %dma_start3A_1337] : memref<64x32xf32, #tpu.memory_space<vmem>> -> memref<1x32xf32, #tpu.memory_space<vmem>>
      %dma_start3A_1339 = arith.constant 0 : i32
      %dma_start3A_1340 = tpu.memref_slice %arg4[%squeeze3A_1336, %dma_start3A_1339] : memref<1000000x32xf32, #tpu.memory_space<hbm>> -> memref<1x32xf32, #tpu.memory_space<hbm>>
      %dma_start3A_1341 = arith.constant 0 : i32
      %dma_start3A_1342 = tpu.memref_slice %arg9[%add3A_1334, %dma_start3A_1341] : memref<64x32xf32, #tpu.memory_space<vmem>> -> memref<1x32xf32, #tpu.memory_space<vmem>>
      %dma_start3A_1343 = arith.constant 0 : i32
      %dma_start3A_1344 = tpu.memref_slice %arg4[%squeeze3A_1336, %dma_start3A_1343] : memref<1000000x32xf32, #tpu.memory_space<hbm>> -> memref<1x32xf32, #tpu.memory_space<hbm>>
      tpu.enqueue_dma source(%dma_start3A_1344 : memref<1x32xf32, #tpu.memory_space<hbm>>) target(%dma_start3A_1342 : memref<1x32xf32, #tpu.memory_space<vmem>>) target_semaphore(%arg12 : memref<!tpu.dma_semaphore, #tpu.memory_space<semaphore_mem>>)
      %slice3A_1345 = vector.extract_strided_slice %get3A_1189 {offsets = [6], sizes = [1], strides = [1]} : vector<16xi32> to vector<1xi32>
      %squeeze3A_1346 = vector.extract %slice3A_1345[0] : i32 from vector<1xi32>
      %dma_start3A_1347 = arith.constant 0 : i32
      %dma_start3A_1348 = tpu.memref_slice %arg10[%add3A_1334, %dma_start3A_1347] : memref<64x32xf32, #tpu.memory_space<vmem>> -> memref<1x32xf32, #tpu.memory_space<vmem>>
      %dma_start3A_1349 = arith.constant 0 : i32
      %dma_start3A_1350 = tpu.memref_slice %arg5[%squeeze3A_1346, %dma_start3A_1349] : memref<1000000x32xf32, #tpu.memory_space<hbm>> -> memref<1x32xf32, #tpu.memory_space<hbm>>
      %dma_start3A_1351 = arith.constant 0 : i32
      %dma_start3A_1352 = tpu.memref_slice %arg10[%add3A_1334, %dma_start3A_1351] : memref<64x32xf32, #tpu.memory_space<vmem>> -> memref<1x32xf32, #tpu.memory_space<vmem>>
      %dma_start3A_1353 = arith.constant 0 : i32
      %dma_start3A_1354 = tpu.memref_slice %arg5[%squeeze3A_1346, %dma_start3A_1353] : memref<1000000x32xf32, #tpu.memory_space<hbm>> -> memref<1x32xf32, #tpu.memory_space<hbm>>
      tpu.enqueue_dma source(%dma_start3A_1354 : memref<1x32xf32, #tpu.memory_space<hbm>>) target(%dma_start3A_1352 : memref<1x32xf32, #tpu.memory_space<vmem>>) target_semaphore(%arg12 : memref<!tpu.dma_semaphore, #tpu.memory_space<semaphore_mem>>)
      %mul3A_1355 = arith.constant 16 : i32
      %mul3A_1356 = arith.muli %and3A_1182, %mul3A_1355 : i32
      %add3A_1357 = arith.constant 7 : i32
      %add3A_1358 = arith.addi %mul3A_1356, %add3A_1357 : i32
      %slice3A_1359 = vector.extract_strided_slice %get3A_1185 {offsets = [7], sizes = [1], strides = [1]} : vector<16xi32> to vector<1xi32>
      %squeeze3A_1360 = vector.extract %slice3A_1359[0] : i32 from vector<1xi32>
      %dma_start3A_1361 = arith.constant 0 : i32
      %dma_start3A_1362 = tpu.memref_slice %arg9[%add3A_1358, %dma_start3A_1361] : memref<64x32xf32, #tpu.memory_space<vmem>> -> memref<1x32xf32, #tpu.memory_space<vmem>>
      %dma_start3A_1363 = arith.constant 0 : i32
      %dma_start3A_1364 = tpu.memref_slice %arg4[%squeeze3A_1360, %dma_start3A_1363] : memref<1000000x32xf32, #tpu.memory_space<hbm>> -> memref<1x32xf32, #tpu.memory_space<hbm>>
      %dma_start3A_1365 = arith.constant 0 : i32
      %dma_start3A_1366 = tpu.memref_slice %arg9[%add3A_1358, %dma_start3A_1365] : memref<64x32xf32, #tpu.memory_space<vmem>> -> memref<1x32xf32, #tpu.memory_space<vmem>>
      %dma_start3A_1367 = arith.constant 0 : i32
      %dma_start3A_1368 = tpu.memref_slice %arg4[%squeeze3A_1360, %dma_start3A_1367] : memref<1000000x32xf32, #tpu.memory_space<hbm>> -> memref<1x32xf32, #tpu.memory_space<hbm>>
      tpu.enqueue_dma source(%dma_start3A_1368 : memref<1x32xf32, #tpu.memory_space<hbm>>) target(%dma_start3A_1366 : memref<1x32xf32, #tpu.memory_space<vmem>>) target_semaphore(%arg12 : memref<!tpu.dma_semaphore, #tpu.memory_space<semaphore_mem>>)
      %slice3A_1369 = vector.extract_strided_slice %get3A_1189 {offsets = [7], sizes = [1], strides = [1]} : vector<16xi32> to vector<1xi32>
      %squeeze3A_1370 = vector.extract %slice3A_1369[0] : i32 from vector<1xi32>
      %dma_start3A_1371 = arith.constant 0 : i32
      %dma_start3A_1372 = tpu.memref_slice %arg10[%add3A_1358, %dma_start3A_1371] : memref<64x32xf32, #tpu.memory_space<vmem>> -> memref<1x32xf32, #tpu.memory_space<vmem>>
      %dma_start3A_1373 = arith.constant 0 : i32
      %dma_start3A_1374 = tpu.memref_slice %arg5[%squeeze3A_1370, %dma_start3A_1373] : memref<1000000x32xf32, #tpu.memory_space<hbm>> -> memref<1x32xf32, #tpu.memory_space<hbm>>
      %dma_start3A_1375 = arith.constant 0 : i32
      %dma_start3A_1376 = tpu.memref_slice %arg10[%add3A_1358, %dma_start3A_1375] : memref<64x32xf32, #tpu.memory_space<vmem>> -> memref<1x32xf32, #tpu.memory_space<vmem>>
      %dma_start3A_1377 = arith.constant 0 : i32
      %dma_start3A_1378 = tpu.memref_slice %arg5[%squeeze3A_1370, %dma_start3A_1377] : memref<1000000x32xf32, #tpu.memory_space<hbm>> -> memref<1x32xf32, #tpu.memory_space<hbm>>
      tpu.enqueue_dma source(%dma_start3A_1378 : memref<1x32xf32, #tpu.memory_space<hbm>>) target(%dma_start3A_1376 : memref<1x32xf32, #tpu.memory_space<vmem>>) target_semaphore(%arg12 : memref<!tpu.dma_semaphore, #tpu.memory_space<semaphore_mem>>)
      %mul3A_1379 = arith.constant 16 : i32
      %mul3A_1380 = arith.muli %and3A_1182, %mul3A_1379 : i32
      %add3A_1381 = arith.constant 8 : i32
      %add3A_1382 = arith.addi %mul3A_1380, %add3A_1381 : i32
      %slice3A_1383 = vector.extract_strided_slice %get3A_1185 {offsets = [8], sizes = [1], strides = [1]} : vector<16xi32> to vector<1xi32>
      %squeeze3A_1384 = vector.extract %slice3A_1383[0] : i32 from vector<1xi32>
      %dma_start3A_1385 = arith.constant 0 : i32
      %dma_start3A_1386 = tpu.memref_slice %arg9[%add3A_1382, %dma_start3A_1385] : memref<64x32xf32, #tpu.memory_space<vmem>> -> memref<1x32xf32, #tpu.memory_space<vmem>>
      %dma_start3A_1387 = arith.constant 0 : i32
      %dma_start3A_1388 = tpu.memref_slice %arg4[%squeeze3A_1384, %dma_start3A_1387] : memref<1000000x32xf32, #tpu.memory_space<hbm>> -> memref<1x32xf32, #tpu.memory_space<hbm>>
      %dma_start3A_1389 = arith.constant 0 : i32
      %dma_start3A_1390 = tpu.memref_slice %arg9[%add3A_1382, %dma_start3A_1389] : memref<64x32xf32, #tpu.memory_space<vmem>> -> memref<1x32xf32, #tpu.memory_space<vmem>>
      %dma_start3A_1391 = arith.constant 0 : i32
      %dma_start3A_1392 = tpu.memref_slice %arg4[%squeeze3A_1384, %dma_start3A_1391] : memref<1000000x32xf32, #tpu.memory_space<hbm>> -> memref<1x32xf32, #tpu.memory_space<hbm>>
      tpu.enqueue_dma source(%dma_start3A_1392 : memref<1x32xf32, #tpu.memory_space<hbm>>) target(%dma_start3A_1390 : memref<1x32xf32, #tpu.memory_space<vmem>>) target_semaphore(%arg12 : memref<!tpu.dma_semaphore, #tpu.memory_space<semaphore_mem>>)
      %slice3A_1393 = vector.extract_strided_slice %get3A_1189 {offsets = [8], sizes = [1], strides = [1]} : vector<16xi32> to vector<1xi32>
      %squeeze3A_1394 = vector.extract %slice3A_1393[0] : i32 from vector<1xi32>
      %dma_start3A_1395 = arith.constant 0 : i32
      %dma_start3A_1396 = tpu.memref_slice %arg10[%add3A_1382, %dma_start3A_1395] : memref<64x32xf32, #tpu.memory_space<vmem>> -> memref<1x32xf32, #tpu.memory_space<vmem>>
      %dma_start3A_1397 = arith.constant 0 : i32
      %dma_start3A_1398 = tpu.memref_slice %arg5[%squeeze3A_1394, %dma_start3A_1397] : memref<1000000x32xf32, #tpu.memory_space<hbm>> -> memref<1x32xf32, #tpu.memory_space<hbm>>
      %dma_start3A_1399 = arith.constant 0 : i32
      %dma_start3A_1400 = tpu.memref_slice %arg10[%add3A_1382, %dma_start3A_1399] : memref<64x32xf32, #tpu.memory_space<vmem>> -> memref<1x32xf32, #tpu.memory_space<vmem>>
      %dma_start3A_1401 = arith.constant 0 : i32
      %dma_start3A_1402 = tpu.memref_slice %arg5[%squeeze3A_1394, %dma_start3A_1401] : memref<1000000x32xf32, #tpu.memory_space<hbm>> -> memref<1x32xf32, #tpu.memory_space<hbm>>
      tpu.enqueue_dma source(%dma_start3A_1402 : memref<1x32xf32, #tpu.memory_space<hbm>>) target(%dma_start3A_1400 : memref<1x32xf32, #tpu.memory_space<vmem>>) target_semaphore(%arg12 : memref<!tpu.dma_semaphore, #tpu.memory_space<semaphore_mem>>)
      %mul3A_1403 = arith.constant 16 : i32
      %mul3A_1404 = arith.muli %and3A_1182, %mul3A_1403 : i32
      %add3A_1405 = arith.constant 9 : i32
      %add3A_1406 = arith.addi %mul3A_1404, %add3A_1405 : i32
      %slice3A_1407 = vector.extract_strided_slice %get3A_1185 {offsets = [9], sizes = [1], strides = [1]} : vector<16xi32> to vector<1xi32>
      %squeeze3A_1408 = vector.extract %slice3A_1407[0] : i32 from vector<1xi32>
      %dma_start3A_1409 = arith.constant 0 : i32
      %dma_start3A_1410 = tpu.memref_slice %arg9[%add3A_1406, %dma_start3A_1409] : memref<64x32xf32, #tpu.memory_space<vmem>> -> memref<1x32xf32, #tpu.memory_space<vmem>>
      %dma_start3A_1411 = arith.constant 0 : i32
      %dma_start3A_1412 = tpu.memref_slice %arg4[%squeeze3A_1408, %dma_start3A_1411] : memref<1000000x32xf32, #tpu.memory_space<hbm>> -> memref<1x32xf32, #tpu.memory_space<hbm>>
      %dma_start3A_1413 = arith.constant 0 : i32
      %dma_start3A_1414 = tpu.memref_slice %arg9[%add3A_1406, %dma_start3A_1413] : memref<64x32xf32, #tpu.memory_space<vmem>> -> memref<1x32xf32, #tpu.memory_space<vmem>>
      %dma_start3A_1415 = arith.constant 0 : i32
      %dma_start3A_1416 = tpu.memref_slice %arg4[%squeeze3A_1408, %dma_start3A_1415] : memref<1000000x32xf32, #tpu.memory_space<hbm>> -> memref<1x32xf32, #tpu.memory_space<hbm>>
      tpu.enqueue_dma source(%dma_start3A_1416 : memref<1x32xf32, #tpu.memory_space<hbm>>) target(%dma_start3A_1414 : memref<1x32xf32, #tpu.memory_space<vmem>>) target_semaphore(%arg12 : memref<!tpu.dma_semaphore, #tpu.memory_space<semaphore_mem>>)
      %slice3A_1417 = vector.extract_strided_slice %get3A_1189 {offsets = [9], sizes = [1], strides = [1]} : vector<16xi32> to vector<1xi32>
      %squeeze3A_1418 = vector.extract %slice3A_1417[0] : i32 from vector<1xi32>
      %dma_start3A_1419 = arith.constant 0 : i32
      %dma_start3A_1420 = tpu.memref_slice %arg10[%add3A_1406, %dma_start3A_1419] : memref<64x32xf32, #tpu.memory_space<vmem>> -> memref<1x32xf32, #tpu.memory_space<vmem>>
      %dma_start3A_1421 = arith.constant 0 : i32
      %dma_start3A_1422 = tpu.memref_slice %arg5[%squeeze3A_1418, %dma_start3A_1421] : memref<1000000x32xf32, #tpu.memory_space<hbm>> -> memref<1x32xf32, #tpu.memory_space<hbm>>
      %dma_start3A_1423 = arith.constant 0 : i32
      %dma_start3A_1424 = tpu.memref_slice %arg10[%add3A_1406, %dma_start3A_1423] : memref<64x32xf32, #tpu.memory_space<vmem>> -> memref<1x32xf32, #tpu.memory_space<vmem>>
      %dma_start3A_1425 = arith.constant 0 : i32
      %dma_start3A_1426 = tpu.memref_slice %arg5[%squeeze3A_1418, %dma_start3A_1425] : memref<1000000x32xf32, #tpu.memory_space<hbm>> -> memref<1x32xf32, #tpu.memory_space<hbm>>
      tpu.enqueue_dma source(%dma_start3A_1426 : memref<1x32xf32, #tpu.memory_space<hbm>>) target(%dma_start3A_1424 : memref<1x32xf32, #tpu.memory_space<vmem>>) target_semaphore(%arg12 : memref<!tpu.dma_semaphore, #tpu.memory_space<semaphore_mem>>)
      %mul3A_1427 = arith.constant 16 : i32
      %mul3A_1428 = arith.muli %and3A_1182, %mul3A_1427 : i32
      %add3A_1429 = arith.constant 10 : i32
      %add3A_1430 = arith.addi %mul3A_1428, %add3A_1429 : i32
      %slice3A_1431 = vector.extract_strided_slice %get3A_1185 {offsets = [10], sizes = [1], strides = [1]} : vector<16xi32> to vector<1xi32>
      %squeeze3A_1432 = vector.extract %slice3A_1431[0] : i32 from vector<1xi32>
      %dma_start3A_1433 = arith.constant 0 : i32
      %dma_start3A_1434 = tpu.memref_slice %arg9[%add3A_1430, %dma_start3A_1433] : memref<64x32xf32, #tpu.memory_space<vmem>> -> memref<1x32xf32, #tpu.memory_space<vmem>>
      %dma_start3A_1435 = arith.constant 0 : i32
      %dma_start3A_1436 = tpu.memref_slice %arg4[%squeeze3A_1432, %dma_start3A_1435] : memref<1000000x32xf32, #tpu.memory_space<hbm>> -> memref<1x32xf32, #tpu.memory_space<hbm>>
      %dma_start3A_1437 = arith.constant 0 : i32
      %dma_start3A_1438 = tpu.memref_slice %arg9[%add3A_1430, %dma_start3A_1437] : memref<64x32xf32, #tpu.memory_space<vmem>> -> memref<1x32xf32, #tpu.memory_space<vmem>>
      %dma_start3A_1439 = arith.constant 0 : i32
      %dma_start3A_1440 = tpu.memref_slice %arg4[%squeeze3A_1432, %dma_start3A_1439] : memref<1000000x32xf32, #tpu.memory_space<hbm>> -> memref<1x32xf32, #tpu.memory_space<hbm>>
      tpu.enqueue_dma source(%dma_start3A_1440 : memref<1x32xf32, #tpu.memory_space<hbm>>) target(%dma_start3A_1438 : memref<1x32xf32, #tpu.memory_space<vmem>>) target_semaphore(%arg12 : memref<!tpu.dma_semaphore, #tpu.memory_space<semaphore_mem>>)
      %slice3A_1441 = vector.extract_strided_slice %get3A_1189 {offsets = [10], sizes = [1], strides = [1]} : vector<16xi32> to vector<1xi32>
      %squeeze3A_1442 = vector.extract %slice3A_1441[0] : i32 from vector<1xi32>
      %dma_start3A_1443 = arith.constant 0 : i32
      %dma_start3A_1444 = tpu.memref_slice %arg10[%add3A_1430, %dma_start3A_1443] : memref<64x32xf32, #tpu.memory_space<vmem>> -> memref<1x32xf32, #tpu.memory_space<vmem>>
      %dma_start3A_1445 = arith.constant 0 : i32
      %dma_start3A_1446 = tpu.memref_slice %arg5[%squeeze3A_1442, %dma_start3A_1445] : memref<1000000x32xf32, #tpu.memory_space<hbm>> -> memref<1x32xf32, #tpu.memory_space<hbm>>
      %dma_start3A_1447 = arith.constant 0 : i32
      %dma_start3A_1448 = tpu.memref_slice %arg10[%add3A_1430, %dma_start3A_1447] : memref<64x32xf32, #tpu.memory_space<vmem>> -> memref<1x32xf32, #tpu.memory_space<vmem>>
      %dma_start3A_1449 = arith.constant 0 : i32
      %dma_start3A_1450 = tpu.memref_slice %arg5[%squeeze3A_1442, %dma_start3A_1449] : memref<1000000x32xf32, #tpu.memory_space<hbm>> -> memref<1x32xf32, #tpu.memory_space<hbm>>
      tpu.enqueue_dma source(%dma_start3A_1450 : memref<1x32xf32, #tpu.memory_space<hbm>>) target(%dma_start3A_1448 : memref<1x32xf32, #tpu.memory_space<vmem>>) target_semaphore(%arg12 : memref<!tpu.dma_semaphore, #tpu.memory_space<semaphore_mem>>)
      %mul3A_1451 = arith.constant 16 : i32
      %mul3A_1452 = arith.muli %and3A_1182, %mul3A_1451 : i32
      %add3A_1453 = arith.constant 11 : i32
      %add3A_1454 = arith.addi %mul3A_1452, %add3A_1453 : i32
      %slice3A_1455 = vector.extract_strided_slice %get3A_1185 {offsets = [11], sizes = [1], strides = [1]} : vector<16xi32> to vector<1xi32>
      %squeeze3A_1456 = vector.extract %slice3A_1455[0] : i32 from vector<1xi32>
      %dma_start3A_1457 = arith.constant 0 : i32
      %dma_start3A_1458 = tpu.memref_slice %arg9[%add3A_1454, %dma_start3A_1457] : memref<64x32xf32, #tpu.memory_space<vmem>> -> memref<1x32xf32, #tpu.memory_space<vmem>>
      %dma_start3A_1459 = arith.constant 0 : i32
      %dma_start3A_1460 = tpu.memref_slice %arg4[%squeeze3A_1456, %dma_start3A_1459] : memref<1000000x32xf32, #tpu.memory_space<hbm>> -> memref<1x32xf32, #tpu.memory_space<hbm>>
      %dma_start3A_1461 = arith.constant 0 : i32
      %dma_start3A_1462 = tpu.memref_slice %arg9[%add3A_1454, %dma_start3A_1461] : memref<64x32xf32, #tpu.memory_space<vmem>> -> memref<1x32xf32, #tpu.memory_space<vmem>>
      %dma_start3A_1463 = arith.constant 0 : i32
      %dma_start3A_1464 = tpu.memref_slice %arg4[%squeeze3A_1456, %dma_start3A_1463] : memref<1000000x32xf32, #tpu.memory_space<hbm>> -> memref<1x32xf32, #tpu.memory_space<hbm>>
      tpu.enqueue_dma source(%dma_start3A_1464 : memref<1x32xf32, #tpu.memory_space<hbm>>) target(%dma_start3A_1462 : memref<1x32xf32, #tpu.memory_space<vmem>>) target_semaphore(%arg12 : memref<!tpu.dma_semaphore, #tpu.memory_space<semaphore_mem>>)
      %slice3A_1465 = vector.extract_strided_slice %get3A_1189 {offsets = [11], sizes = [1], strides = [1]} : vector<16xi32> to vector<1xi32>
      %squeeze3A_1466 = vector.extract %slice3A_1465[0] : i32 from vector<1xi32>
      %dma_start3A_1467 = arith.constant 0 : i32
      %dma_start3A_1468 = tpu.memref_slice %arg10[%add3A_1454, %dma_start3A_1467] : memref<64x32xf32, #tpu.memory_space<vmem>> -> memref<1x32xf32, #tpu.memory_space<vmem>>
      %dma_start3A_1469 = arith.constant 0 : i32
      %dma_start3A_1470 = tpu.memref_slice %arg5[%squeeze3A_1466, %dma_start3A_1469] : memref<1000000x32xf32, #tpu.memory_space<hbm>> -> memref<1x32xf32, #tpu.memory_space<hbm>>
      %dma_start3A_1471 = arith.constant 0 : i32
      %dma_start3A_1472 = tpu.memref_slice %arg10[%add3A_1454, %dma_start3A_1471] : memref<64x32xf32, #tpu.memory_space<vmem>> -> memref<1x32xf32, #tpu.memory_space<vmem>>
      %dma_start3A_1473 = arith.constant 0 : i32
      %dma_start3A_1474 = tpu.memref_slice %arg5[%squeeze3A_1466, %dma_start3A_1473] : memref<1000000x32xf32, #tpu.memory_space<hbm>> -> memref<1x32xf32, #tpu.memory_space<hbm>>
      tpu.enqueue_dma source(%dma_start3A_1474 : memref<1x32xf32, #tpu.memory_space<hbm>>) target(%dma_start3A_1472 : memref<1x32xf32, #tpu.memory_space<vmem>>) target_semaphore(%arg12 : memref<!tpu.dma_semaphore, #tpu.memory_space<semaphore_mem>>)
      %mul3A_1475 = arith.constant 16 : i32
      %mul3A_1476 = arith.muli %and3A_1182, %mul3A_1475 : i32
      %add3A_1477 = arith.constant 12 : i32
      %add3A_1478 = arith.addi %mul3A_1476, %add3A_1477 : i32
      %slice3A_1479 = vector.extract_strided_slice %get3A_1185 {offsets = [12], sizes = [1], strides = [1]} : vector<16xi32> to vector<1xi32>
      %squeeze3A_1480 = vector.extract %slice3A_1479[0] : i32 from vector<1xi32>
      %dma_start3A_1481 = arith.constant 0 : i32
      %dma_start3A_1482 = tpu.memref_slice %arg9[%add3A_1478, %dma_start3A_1481] : memref<64x32xf32, #tpu.memory_space<vmem>> -> memref<1x32xf32, #tpu.memory_space<vmem>>
      %dma_start3A_1483 = arith.constant 0 : i32
      %dma_start3A_1484 = tpu.memref_slice %arg4[%squeeze3A_1480, %dma_start3A_1483] : memref<1000000x32xf32, #tpu.memory_space<hbm>> -> memref<1x32xf32, #tpu.memory_space<hbm>>
      %dma_start3A_1485 = arith.constant 0 : i32
      %dma_start3A_1486 = tpu.memref_slice %arg9[%add3A_1478, %dma_start3A_1485] : memref<64x32xf32, #tpu.memory_space<vmem>> -> memref<1x32xf32, #tpu.memory_space<vmem>>
      %dma_start3A_1487 = arith.constant 0 : i32
      %dma_start3A_1488 = tpu.memref_slice %arg4[%squeeze3A_1480, %dma_start3A_1487] : memref<1000000x32xf32, #tpu.memory_space<hbm>> -> memref<1x32xf32, #tpu.memory_space<hbm>>
      tpu.enqueue_dma source(%dma_start3A_1488 : memref<1x32xf32, #tpu.memory_space<hbm>>) target(%dma_start3A_1486 : memref<1x32xf32, #tpu.memory_space<vmem>>) target_semaphore(%arg12 : memref<!tpu.dma_semaphore, #tpu.memory_space<semaphore_mem>>)
      %slice3A_1489 = vector.extract_strided_slice %get3A_1189 {offsets = [12], sizes = [1], strides = [1]} : vector<16xi32> to vector<1xi32>
      %squeeze3A_1490 = vector.extract %slice3A_1489[0] : i32 from vector<1xi32>
      %dma_start3A_1491 = arith.constant 0 : i32
      %dma_start3A_1492 = tpu.memref_slice %arg10[%add3A_1478, %dma_start3A_1491] : memref<64x32xf32, #tpu.memory_space<vmem>> -> memref<1x32xf32, #tpu.memory_space<vmem>>
      %dma_start3A_1493 = arith.constant 0 : i32
      %dma_start3A_1494 = tpu.memref_slice %arg5[%squeeze3A_1490, %dma_start3A_1493] : memref<1000000x32xf32, #tpu.memory_space<hbm>> -> memref<1x32xf32, #tpu.memory_space<hbm>>
      %dma_start3A_1495 = arith.constant 0 : i32
      %dma_start3A_1496 = tpu.memref_slice %arg10[%add3A_1478, %dma_start3A_1495] : memref<64x32xf32, #tpu.memory_space<vmem>> -> memref<1x32xf32, #tpu.memory_space<vmem>>
      %dma_start3A_1497 = arith.constant 0 : i32
      %dma_start3A_1498 = tpu.memref_slice %arg5[%squeeze3A_1490, %dma_start3A_1497] : memref<1000000x32xf32, #tpu.memory_space<hbm>> -> memref<1x32xf32, #tpu.memory_space<hbm>>
      tpu.enqueue_dma source(%dma_start3A_1498 : memref<1x32xf32, #tpu.memory_space<hbm>>) target(%dma_start3A_1496 : memref<1x32xf32, #tpu.memory_space<vmem>>) target_semaphore(%arg12 : memref<!tpu.dma_semaphore, #tpu.memory_space<semaphore_mem>>)
      %mul3A_1499 = arith.constant 16 : i32
      %mul3A_1500 = arith.muli %and3A_1182, %mul3A_1499 : i32
      %add3A_1501 = arith.constant 13 : i32
      %add3A_1502 = arith.addi %mul3A_1500, %add3A_1501 : i32
      %slice3A_1503 = vector.extract_strided_slice %get3A_1185 {offsets = [13], sizes = [1], strides = [1]} : vector<16xi32> to vector<1xi32>
      %squeeze3A_1504 = vector.extract %slice3A_1503[0] : i32 from vector<1xi32>
      %dma_start3A_1505 = arith.constant 0 : i32
      %dma_start3A_1506 = tpu.memref_slice %arg9[%add3A_1502, %dma_start3A_1505] : memref<64x32xf32, #tpu.memory_space<vmem>> -> memref<1x32xf32, #tpu.memory_space<vmem>>
      %dma_start3A_1507 = arith.constant 0 : i32
      %dma_start3A_1508 = tpu.memref_slice %arg4[%squeeze3A_1504, %dma_start3A_1507] : memref<1000000x32xf32, #tpu.memory_space<hbm>> -> memref<1x32xf32, #tpu.memory_space<hbm>>
      %dma_start3A_1509 = arith.constant 0 : i32
      %dma_start3A_1510 = tpu.memref_slice %arg9[%add3A_1502, %dma_start3A_1509] : memref<64x32xf32, #tpu.memory_space<vmem>> -> memref<1x32xf32, #tpu.memory_space<vmem>>
      %dma_start3A_1511 = arith.constant 0 : i32
      %dma_start3A_1512 = tpu.memref_slice %arg4[%squeeze3A_1504, %dma_start3A_1511] : memref<1000000x32xf32, #tpu.memory_space<hbm>> -> memref<1x32xf32, #tpu.memory_space<hbm>>
      tpu.enqueue_dma source(%dma_start3A_1512 : memref<1x32xf32, #tpu.memory_space<hbm>>) target(%dma_start3A_1510 : memref<1x32xf32, #tpu.memory_space<vmem>>) target_semaphore(%arg12 : memref<!tpu.dma_semaphore, #tpu.memory_space<semaphore_mem>>)
      %slice3A_1513 = vector.extract_strided_slice %get3A_1189 {offsets = [13], sizes = [1], strides = [1]} : vector<16xi32> to vector<1xi32>
      %squeeze3A_1514 = vector.extract %slice3A_1513[0] : i32 from vector<1xi32>
      %dma_start3A_1515 = arith.constant 0 : i32
      %dma_start3A_1516 = tpu.memref_slice %arg10[%add3A_1502, %dma_start3A_1515] : memref<64x32xf32, #tpu.memory_space<vmem>> -> memref<1x32xf32, #tpu.memory_space<vmem>>
      %dma_start3A_1517 = arith.constant 0 : i32
      %dma_start3A_1518 = tpu.memref_slice %arg5[%squeeze3A_1514, %dma_start3A_1517] : memref<1000000x32xf32, #tpu.memory_space<hbm>> -> memref<1x32xf32, #tpu.memory_space<hbm>>
      %dma_start3A_1519 = arith.constant 0 : i32
      %dma_start3A_1520 = tpu.memref_slice %arg10[%add3A_1502, %dma_start3A_1519] : memref<64x32xf32, #tpu.memory_space<vmem>> -> memref<1x32xf32, #tpu.memory_space<vmem>>
      %dma_start3A_1521 = arith.constant 0 : i32
      %dma_start3A_1522 = tpu.memref_slice %arg5[%squeeze3A_1514, %dma_start3A_1521] : memref<1000000x32xf32, #tpu.memory_space<hbm>> -> memref<1x32xf32, #tpu.memory_space<hbm>>
      tpu.enqueue_dma source(%dma_start3A_1522 : memref<1x32xf32, #tpu.memory_space<hbm>>) target(%dma_start3A_1520 : memref<1x32xf32, #tpu.memory_space<vmem>>) target_semaphore(%arg12 : memref<!tpu.dma_semaphore, #tpu.memory_space<semaphore_mem>>)
      %mul3A_1523 = arith.constant 16 : i32
      %mul3A_1524 = arith.muli %and3A_1182, %mul3A_1523 : i32
      %add3A_1525 = arith.constant 14 : i32
      %add3A_1526 = arith.addi %mul3A_1524, %add3A_1525 : i32
      %slice3A_1527 = vector.extract_strided_slice %get3A_1185 {offsets = [14], sizes = [1], strides = [1]} : vector<16xi32> to vector<1xi32>
      %squeeze3A_1528 = vector.extract %slice3A_1527[0] : i32 from vector<1xi32>
      %dma_start3A_1529 = arith.constant 0 : i32
      %dma_start3A_1530 = tpu.memref_slice %arg9[%add3A_1526, %dma_start3A_1529] : memref<64x32xf32, #tpu.memory_space<vmem>> -> memref<1x32xf32, #tpu.memory_space<vmem>>
      %dma_start3A_1531 = arith.constant 0 : i32
      %dma_start3A_1532 = tpu.memref_slice %arg4[%squeeze3A_1528, %dma_start3A_1531] : memref<1000000x32xf32, #tpu.memory_space<hbm>> -> memref<1x32xf32, #tpu.memory_space<hbm>>
      %dma_start3A_1533 = arith.constant 0 : i32
      %dma_start3A_1534 = tpu.memref_slice %arg9[%add3A_1526, %dma_start3A_1533] : memref<64x32xf32, #tpu.memory_space<vmem>> -> memref<1x32xf32, #tpu.memory_space<vmem>>
      %dma_start3A_1535 = arith.constant 0 : i32
      %dma_start3A_1536 = tpu.memref_slice %arg4[%squeeze3A_1528, %dma_start3A_1535] : memref<1000000x32xf32, #tpu.memory_space<hbm>> -> memref<1x32xf32, #tpu.memory_space<hbm>>
      tpu.enqueue_dma source(%dma_start3A_1536 : memref<1x32xf32, #tpu.memory_space<hbm>>) target(%dma_start3A_1534 : memref<1x32xf32, #tpu.memory_space<vmem>>) target_semaphore(%arg12 : memref<!tpu.dma_semaphore, #tpu.memory_space<semaphore_mem>>)
      %slice3A_1537 = vector.extract_strided_slice %get3A_1189 {offsets = [14], sizes = [1], strides = [1]} : vector<16xi32> to vector<1xi32>
      %squeeze3A_1538 = vector.extract %slice3A_1537[0] : i32 from vector<1xi32>
      %dma_start3A_1539 = arith.constant 0 : i32
      %dma_start3A_1540 = tpu.memref_slice %arg10[%add3A_1526, %dma_start3A_1539] : memref<64x32xf32, #tpu.memory_space<vmem>> -> memref<1x32xf32, #tpu.memory_space<vmem>>
      %dma_start3A_1541 = arith.constant 0 : i32
      %dma_start3A_1542 = tpu.memref_slice %arg5[%squeeze3A_1538, %dma_start3A_1541] : memref<1000000x32xf32, #tpu.memory_space<hbm>> -> memref<1x32xf32, #tpu.memory_space<hbm>>
      %dma_start3A_1543 = arith.constant 0 : i32
      %dma_start3A_1544 = tpu.memref_slice %arg10[%add3A_1526, %dma_start3A_1543] : memref<64x32xf32, #tpu.memory_space<vmem>> -> memref<1x32xf32, #tpu.memory_space<vmem>>
      %dma_start3A_1545 = arith.constant 0 : i32
      %dma_start3A_1546 = tpu.memref_slice %arg5[%squeeze3A_1538, %dma_start3A_1545] : memref<1000000x32xf32, #tpu.memory_space<hbm>> -> memref<1x32xf32, #tpu.memory_space<hbm>>
      tpu.enqueue_dma source(%dma_start3A_1546 : memref<1x32xf32, #tpu.memory_space<hbm>>) target(%dma_start3A_1544 : memref<1x32xf32, #tpu.memory_space<vmem>>) target_semaphore(%arg12 : memref<!tpu.dma_semaphore, #tpu.memory_space<semaphore_mem>>)
      %mul3A_1547 = arith.constant 16 : i32
      %mul3A_1548 = arith.muli %and3A_1182, %mul3A_1547 : i32
      %add3A_1549 = arith.constant 15 : i32
      %add3A_1550 = arith.addi %mul3A_1548, %add3A_1549 : i32
      %slice3A_1551 = vector.extract_strided_slice %get3A_1185 {offsets = [15], sizes = [1], strides = [1]} : vector<16xi32> to vector<1xi32>
      %squeeze3A_1552 = vector.extract %slice3A_1551[0] : i32 from vector<1xi32>
      %dma_start3A_1553 = arith.constant 0 : i32
      %dma_start3A_1554 = tpu.memref_slice %arg9[%add3A_1550, %dma_start3A_1553] : memref<64x32xf32, #tpu.memory_space<vmem>> -> memref<1x32xf32, #tpu.memory_space<vmem>>
      %dma_start3A_1555 = arith.constant 0 : i32
      %dma_start3A_1556 = tpu.memref_slice %arg4[%squeeze3A_1552, %dma_start3A_1555] : memref<1000000x32xf32, #tpu.memory_space<hbm>> -> memref<1x32xf32, #tpu.memory_space<hbm>>
      %dma_start3A_1557 = arith.constant 0 : i32
      %dma_start3A_1558 = tpu.memref_slice %arg9[%add3A_1550, %dma_start3A_1557] : memref<64x32xf32, #tpu.memory_space<vmem>> -> memref<1x32xf32, #tpu.memory_space<vmem>>
      %dma_start3A_1559 = arith.constant 0 : i32
      %dma_start3A_1560 = tpu.memref_slice %arg4[%squeeze3A_1552, %dma_start3A_1559] : memref<1000000x32xf32, #tpu.memory_space<hbm>> -> memref<1x32xf32, #tpu.memory_space<hbm>>
      tpu.enqueue_dma source(%dma_start3A_1560 : memref<1x32xf32, #tpu.memory_space<hbm>>) target(%dma_start3A_1558 : memref<1x32xf32, #tpu.memory_space<vmem>>) target_semaphore(%arg12 : memref<!tpu.dma_semaphore, #tpu.memory_space<semaphore_mem>>)
      %slice3A_1561 = vector.extract_strided_slice %get3A_1189 {offsets = [15], sizes = [1], strides = [1]} : vector<16xi32> to vector<1xi32>
      %squeeze3A_1562 = vector.extract %slice3A_1561[0] : i32 from vector<1xi32>
      %dma_start3A_1563 = arith.constant 0 : i32
      %dma_start3A_1564 = tpu.memref_slice %arg10[%add3A_1550, %dma_start3A_1563] : memref<64x32xf32, #tpu.memory_space<vmem>> -> memref<1x32xf32, #tpu.memory_space<vmem>>
      %dma_start3A_1565 = arith.constant 0 : i32
      %dma_start3A_1566 = tpu.memref_slice %arg5[%squeeze3A_1562, %dma_start3A_1565] : memref<1000000x32xf32, #tpu.memory_space<hbm>> -> memref<1x32xf32, #tpu.memory_space<hbm>>
      %dma_start3A_1567 = arith.constant 0 : i32
      %dma_start3A_1568 = tpu.memref_slice %arg10[%add3A_1550, %dma_start3A_1567] : memref<64x32xf32, #tpu.memory_space<vmem>> -> memref<1x32xf32, #tpu.memory_space<vmem>>
      %dma_start3A_1569 = arith.constant 0 : i32
      %dma_start3A_1570 = tpu.memref_slice %arg5[%squeeze3A_1562, %dma_start3A_1569] : memref<1000000x32xf32, #tpu.memory_space<hbm>> -> memref<1x32xf32, #tpu.memory_space<hbm>>
      tpu.enqueue_dma source(%dma_start3A_1570 : memref<1x32xf32, #tpu.memory_space<hbm>>) target(%dma_start3A_1568 : memref<1x32xf32, #tpu.memory_space<vmem>>) target_semaphore(%arg12 : memref<!tpu.dma_semaphore, #tpu.memory_space<semaphore_mem>>)
      %ge3A = arith.constant 2 : i32
      %ge3A_1571 = arith.cmpi sge, %scan3A_1180, %ge3A : i32
      %convert_element_type3A = arith.extui %ge3A_1571 : i1 to i32
      %cond3A = arith.constant 0 : i32
      %cond3A_1572 = arith.cmpi ne, %convert_element_type3A, %cond3A : i32
      scf.if %cond3A_1572 {
        %sub3A = arith.constant 2 : i32
        %sub3A_1573 = arith.subi %scan3A_1180, %sub3A : i32
        %and3A_1574 = arith.constant 3 : i32
        %and3A_1575 = arith.andi %sub3A_1573, %and3A_1574 : i32
        %mul3A_1576 = arith.constant 16 : i32
        %mul3A_1577 = arith.muli %and3A_1575, %mul3A_1576 : i32
        %add3A_1578 = arith.constant 0 : i32
        %add3A_1579 = arith.addi %mul3A_1577, %add3A_1578 : i32
        %dma_wait3A_1580 = arith.constant 0 : i32
        %dma_wait3A_1581 = tpu.memref_slice %arg9[%add3A_1579, %dma_wait3A_1580] : memref<64x32xf32, #tpu.memory_space<vmem>> -> memref<1x32xf32, #tpu.memory_space<vmem>>
        %dma_wait3A_1582 = arith.constant 0 : i32
        %dma_wait3A_1583 = arith.constant 0 : i32
        %dma_wait3A_1584 = tpu.memref_slice %arg4[%dma_wait3A_1582, %dma_wait3A_1583] : memref<1000000x32xf32, #tpu.memory_space<hbm>> -> memref<1x32xf32, #tpu.memory_space<hbm>>
        %dma_wait3A_1585 = arith.constant 0 : i32
        %dma_wait3A_1586 = tpu.memref_slice %arg9[%add3A_1579, %dma_wait3A_1585] : memref<64x32xf32, #tpu.memory_space<vmem>> -> memref<1x32xf32, #tpu.memory_space<vmem>>
        %dma_wait3A_1587 = arith.constant 0 : i32
        %dma_wait3A_1588 = arith.constant 0 : i32
        %dma_wait3A_1589 = tpu.memref_slice %arg4[%dma_wait3A_1587, %dma_wait3A_1588] : memref<1000000x32xf32, #tpu.memory_space<hbm>> -> memref<1x32xf32, #tpu.memory_space<hbm>>
        tpu.wait_dma2 semaphore(%arg12 : memref<!tpu.dma_semaphore, #tpu.memory_space<semaphore_mem>>) src(%dma_wait3A_1589 : memref<1x32xf32, #tpu.memory_space<hbm>>) dst(%dma_wait3A_1586 : memref<1x32xf32, #tpu.memory_space<vmem>>)
        %dma_wait3A_1590 = arith.constant 0 : i32
        %dma_wait3A_1591 = tpu.memref_slice %arg10[%add3A_1579, %dma_wait3A_1590] : memref<64x32xf32, #tpu.memory_space<vmem>> -> memref<1x32xf32, #tpu.memory_space<vmem>>
        %dma_wait3A_1592 = arith.constant 0 : i32
        %dma_wait3A_1593 = arith.constant 0 : i32
        %dma_wait3A_1594 = tpu.memref_slice %arg4[%dma_wait3A_1592, %dma_wait3A_1593] : memref<1000000x32xf32, #tpu.memory_space<hbm>> -> memref<1x32xf32, #tpu.memory_space<hbm>>
        %dma_wait3A_1595 = arith.constant 0 : i32
        %dma_wait3A_1596 = tpu.memref_slice %arg10[%add3A_1579, %dma_wait3A_1595] : memref<64x32xf32, #tpu.memory_space<vmem>> -> memref<1x32xf32, #tpu.memory_space<vmem>>
        %dma_wait3A_1597 = arith.constant 0 : i32
        %dma_wait3A_1598 = arith.constant 0 : i32
        %dma_wait3A_1599 = tpu.memref_slice %arg4[%dma_wait3A_1597, %dma_wait3A_1598] : memref<1000000x32xf32, #tpu.memory_space<hbm>> -> memref<1x32xf32, #tpu.memory_space<hbm>>
        tpu.wait_dma2 semaphore(%arg12 : memref<!tpu.dma_semaphore, #tpu.memory_space<semaphore_mem>>) src(%dma_wait3A_1599 : memref<1x32xf32, #tpu.memory_space<hbm>>) dst(%dma_wait3A_1596 : memref<1x32xf32, #tpu.memory_space<vmem>>)
        %mul3A_1600 = arith.constant 16 : i32
        %mul3A_1601 = arith.muli %and3A_1575, %mul3A_1600 : i32
        %add3A_1602 = arith.constant 1 : i32
        %add3A_1603 = arith.addi %mul3A_1601, %add3A_1602 : i32
        %dma_wait3A_1604 = arith.constant 0 : i32
        %dma_wait3A_1605 = tpu.memref_slice %arg9[%add3A_1603, %dma_wait3A_1604] : memref<64x32xf32, #tpu.memory_space<vmem>> -> memref<1x32xf32, #tpu.memory_space<vmem>>
        %dma_wait3A_1606 = arith.constant 0 : i32
        %dma_wait3A_1607 = arith.constant 0 : i32
        %dma_wait3A_1608 = tpu.memref_slice %arg4[%dma_wait3A_1606, %dma_wait3A_1607] : memref<1000000x32xf32, #tpu.memory_space<hbm>> -> memref<1x32xf32, #tpu.memory_space<hbm>>
        %dma_wait3A_1609 = arith.constant 0 : i32
        %dma_wait3A_1610 = tpu.memref_slice %arg9[%add3A_1603, %dma_wait3A_1609] : memref<64x32xf32, #tpu.memory_space<vmem>> -> memref<1x32xf32, #tpu.memory_space<vmem>>
        %dma_wait3A_1611 = arith.constant 0 : i32
        %dma_wait3A_1612 = arith.constant 0 : i32
        %dma_wait3A_1613 = tpu.memref_slice %arg4[%dma_wait3A_1611, %dma_wait3A_1612] : memref<1000000x32xf32, #tpu.memory_space<hbm>> -> memref<1x32xf32, #tpu.memory_space<hbm>>
        tpu.wait_dma2 semaphore(%arg12 : memref<!tpu.dma_semaphore, #tpu.memory_space<semaphore_mem>>) src(%dma_wait3A_1613 : memref<1x32xf32, #tpu.memory_space<hbm>>) dst(%dma_wait3A_1610 : memref<1x32xf32, #tpu.memory_space<vmem>>)
        %dma_wait3A_1614 = arith.constant 0 : i32
        %dma_wait3A_1615 = tpu.memref_slice %arg10[%add3A_1603, %dma_wait3A_1614] : memref<64x32xf32, #tpu.memory_space<vmem>> -> memref<1x32xf32, #tpu.memory_space<vmem>>
        %dma_wait3A_1616 = arith.constant 0 : i32
        %dma_wait3A_1617 = arith.constant 0 : i32
        %dma_wait3A_1618 = tpu.memref_slice %arg4[%dma_wait3A_1616, %dma_wait3A_1617] : memref<1000000x32xf32, #tpu.memory_space<hbm>> -> memref<1x32xf32, #tpu.memory_space<hbm>>
        %dma_wait3A_1619 = arith.constant 0 : i32
        %dma_wait3A_1620 = tpu.memref_slice %arg10[%add3A_1603, %dma_wait3A_1619] : memref<64x32xf32, #tpu.memory_space<vmem>> -> memref<1x32xf32, #tpu.memory_space<vmem>>
        %dma_wait3A_1621 = arith.constant 0 : i32
        %dma_wait3A_1622 = arith.constant 0 : i32
        %dma_wait3A_1623 = tpu.memref_slice %arg4[%dma_wait3A_1621, %dma_wait3A_1622] : memref<1000000x32xf32, #tpu.memory_space<hbm>> -> memref<1x32xf32, #tpu.memory_space<hbm>>
        tpu.wait_dma2 semaphore(%arg12 : memref<!tpu.dma_semaphore, #tpu.memory_space<semaphore_mem>>) src(%dma_wait3A_1623 : memref<1x32xf32, #tpu.memory_space<hbm>>) dst(%dma_wait3A_1620 : memref<1x32xf32, #tpu.memory_space<vmem>>)
        %mul3A_1624 = arith.constant 16 : i32
        %mul3A_1625 = arith.muli %and3A_1575, %mul3A_1624 : i32
        %add3A_1626 = arith.constant 2 : i32
        %add3A_1627 = arith.addi %mul3A_1625, %add3A_1626 : i32
        %dma_wait3A_1628 = arith.constant 0 : i32
        %dma_wait3A_1629 = tpu.memref_slice %arg9[%add3A_1627, %dma_wait3A_1628] : memref<64x32xf32, #tpu.memory_space<vmem>> -> memref<1x32xf32, #tpu.memory_space<vmem>>
        %dma_wait3A_1630 = arith.constant 0 : i32
        %dma_wait3A_1631 = arith.constant 0 : i32
        %dma_wait3A_1632 = tpu.memref_slice %arg4[%dma_wait3A_1630, %dma_wait3A_1631] : memref<1000000x32xf32, #tpu.memory_space<hbm>> -> memref<1x32xf32, #tpu.memory_space<hbm>>
        %dma_wait3A_1633 = arith.constant 0 : i32
        %dma_wait3A_1634 = tpu.memref_slice %arg9[%add3A_1627, %dma_wait3A_1633] : memref<64x32xf32, #tpu.memory_space<vmem>> -> memref<1x32xf32, #tpu.memory_space<vmem>>
        %dma_wait3A_1635 = arith.constant 0 : i32
        %dma_wait3A_1636 = arith.constant 0 : i32
        %dma_wait3A_1637 = tpu.memref_slice %arg4[%dma_wait3A_1635, %dma_wait3A_1636] : memref<1000000x32xf32, #tpu.memory_space<hbm>> -> memref<1x32xf32, #tpu.memory_space<hbm>>
        tpu.wait_dma2 semaphore(%arg12 : memref<!tpu.dma_semaphore, #tpu.memory_space<semaphore_mem>>) src(%dma_wait3A_1637 : memref<1x32xf32, #tpu.memory_space<hbm>>) dst(%dma_wait3A_1634 : memref<1x32xf32, #tpu.memory_space<vmem>>)
        %dma_wait3A_1638 = arith.constant 0 : i32
        %dma_wait3A_1639 = tpu.memref_slice %arg10[%add3A_1627, %dma_wait3A_1638] : memref<64x32xf32, #tpu.memory_space<vmem>> -> memref<1x32xf32, #tpu.memory_space<vmem>>
        %dma_wait3A_1640 = arith.constant 0 : i32
        %dma_wait3A_1641 = arith.constant 0 : i32
        %dma_wait3A_1642 = tpu.memref_slice %arg4[%dma_wait3A_1640, %dma_wait3A_1641] : memref<1000000x32xf32, #tpu.memory_space<hbm>> -> memref<1x32xf32, #tpu.memory_space<hbm>>
        %dma_wait3A_1643 = arith.constant 0 : i32
        %dma_wait3A_1644 = tpu.memref_slice %arg10[%add3A_1627, %dma_wait3A_1643] : memref<64x32xf32, #tpu.memory_space<vmem>> -> memref<1x32xf32, #tpu.memory_space<vmem>>
        %dma_wait3A_1645 = arith.constant 0 : i32
        %dma_wait3A_1646 = arith.constant 0 : i32
        %dma_wait3A_1647 = tpu.memref_slice %arg4[%dma_wait3A_1645, %dma_wait3A_1646] : memref<1000000x32xf32, #tpu.memory_space<hbm>> -> memref<1x32xf32, #tpu.memory_space<hbm>>
        tpu.wait_dma2 semaphore(%arg12 : memref<!tpu.dma_semaphore, #tpu.memory_space<semaphore_mem>>) src(%dma_wait3A_1647 : memref<1x32xf32, #tpu.memory_space<hbm>>) dst(%dma_wait3A_1644 : memref<1x32xf32, #tpu.memory_space<vmem>>)
        %mul3A_1648 = arith.constant 16 : i32
        %mul3A_1649 = arith.muli %and3A_1575, %mul3A_1648 : i32
        %add3A_1650 = arith.constant 3 : i32
        %add3A_1651 = arith.addi %mul3A_1649, %add3A_1650 : i32
        %dma_wait3A_1652 = arith.constant 0 : i32
        %dma_wait3A_1653 = tpu.memref_slice %arg9[%add3A_1651, %dma_wait3A_1652] : memref<64x32xf32, #tpu.memory_space<vmem>> -> memref<1x32xf32, #tpu.memory_space<vmem>>
        %dma_wait3A_1654 = arith.constant 0 : i32
        %dma_wait3A_1655 = arith.constant 0 : i32
        %dma_wait3A_1656 = tpu.memref_slice %arg4[%dma_wait3A_1654, %dma_wait3A_1655] : memref<1000000x32xf32, #tpu.memory_space<hbm>> -> memref<1x32xf32, #tpu.memory_space<hbm>>
        %dma_wait3A_1657 = arith.constant 0 : i32
        %dma_wait3A_1658 = tpu.memref_slice %arg9[%add3A_1651, %dma_wait3A_1657] : memref<64x32xf32, #tpu.memory_space<vmem>> -> memref<1x32xf32, #tpu.memory_space<vmem>>
        %dma_wait3A_1659 = arith.constant 0 : i32
        %dma_wait3A_1660 = arith.constant 0 : i32
        %dma_wait3A_1661 = tpu.memref_slice %arg4[%dma_wait3A_1659, %dma_wait3A_1660] : memref<1000000x32xf32, #tpu.memory_space<hbm>> -> memref<1x32xf32, #tpu.memory_space<hbm>>
        tpu.wait_dma2 semaphore(%arg12 : memref<!tpu.dma_semaphore, #tpu.memory_space<semaphore_mem>>) src(%dma_wait3A_1661 : memref<1x32xf32, #tpu.memory_space<hbm>>) dst(%dma_wait3A_1658 : memref<1x32xf32, #tpu.memory_space<vmem>>)
        %dma_wait3A_1662 = arith.constant 0 : i32
        %dma_wait3A_1663 = tpu.memref_slice %arg10[%add3A_1651, %dma_wait3A_1662] : memref<64x32xf32, #tpu.memory_space<vmem>> -> memref<1x32xf32, #tpu.memory_space<vmem>>
        %dma_wait3A_1664 = arith.constant 0 : i32
        %dma_wait3A_1665 = arith.constant 0 : i32
        %dma_wait3A_1666 = tpu.memref_slice %arg4[%dma_wait3A_1664, %dma_wait3A_1665] : memref<1000000x32xf32, #tpu.memory_space<hbm>> -> memref<1x32xf32, #tpu.memory_space<hbm>>
        %dma_wait3A_1667 = arith.constant 0 : i32
        %dma_wait3A_1668 = tpu.memref_slice %arg10[%add3A_1651, %dma_wait3A_1667] : memref<64x32xf32, #tpu.memory_space<vmem>> -> memref<1x32xf32, #tpu.memory_space<vmem>>
        %dma_wait3A_1669 = arith.constant 0 : i32
        %dma_wait3A_1670 = arith.constant 0 : i32
        %dma_wait3A_1671 = tpu.memref_slice %arg4[%dma_wait3A_1669, %dma_wait3A_1670] : memref<1000000x32xf32, #tpu.memory_space<hbm>> -> memref<1x32xf32, #tpu.memory_space<hbm>>
        tpu.wait_dma2 semaphore(%arg12 : memref<!tpu.dma_semaphore, #tpu.memory_space<semaphore_mem>>) src(%dma_wait3A_1671 : memref<1x32xf32, #tpu.memory_space<hbm>>) dst(%dma_wait3A_1668 : memref<1x32xf32, #tpu.memory_space<vmem>>)
        %mul3A_1672 = arith.constant 16 : i32
        %mul3A_1673 = arith.muli %and3A_1575, %mul3A_1672 : i32
        %add3A_1674 = arith.constant 4 : i32
        %add3A_1675 = arith.addi %mul3A_1673, %add3A_1674 : i32
        %dma_wait3A_1676 = arith.constant 0 : i32
        %dma_wait3A_1677 = tpu.memref_slice %arg9[%add3A_1675, %dma_wait3A_1676] : memref<64x32xf32, #tpu.memory_space<vmem>> -> memref<1x32xf32, #tpu.memory_space<vmem>>
        %dma_wait3A_1678 = arith.constant 0 : i32
        %dma_wait3A_1679 = arith.constant 0 : i32
        %dma_wait3A_1680 = tpu.memref_slice %arg4[%dma_wait3A_1678, %dma_wait3A_1679] : memref<1000000x32xf32, #tpu.memory_space<hbm>> -> memref<1x32xf32, #tpu.memory_space<hbm>>
        %dma_wait3A_1681 = arith.constant 0 : i32
        %dma_wait3A_1682 = tpu.memref_slice %arg9[%add3A_1675, %dma_wait3A_1681] : memref<64x32xf32, #tpu.memory_space<vmem>> -> memref<1x32xf32, #tpu.memory_space<vmem>>
        %dma_wait3A_1683 = arith.constant 0 : i32
        %dma_wait3A_1684 = arith.constant 0 : i32
        %dma_wait3A_1685 = tpu.memref_slice %arg4[%dma_wait3A_1683, %dma_wait3A_1684] : memref<1000000x32xf32, #tpu.memory_space<hbm>> -> memref<1x32xf32, #tpu.memory_space<hbm>>
        tpu.wait_dma2 semaphore(%arg12 : memref<!tpu.dma_semaphore, #tpu.memory_space<semaphore_mem>>) src(%dma_wait3A_1685 : memref<1x32xf32, #tpu.memory_space<hbm>>) dst(%dma_wait3A_1682 : memref<1x32xf32, #tpu.memory_space<vmem>>)
        %dma_wait3A_1686 = arith.constant 0 : i32
        %dma_wait3A_1687 = tpu.memref_slice %arg10[%add3A_1675, %dma_wait3A_1686] : memref<64x32xf32, #tpu.memory_space<vmem>> -> memref<1x32xf32, #tpu.memory_space<vmem>>
        %dma_wait3A_1688 = arith.constant 0 : i32
        %dma_wait3A_1689 = arith.constant 0 : i32
        %dma_wait3A_1690 = tpu.memref_slice %arg4[%dma_wait3A_1688, %dma_wait3A_1689] : memref<1000000x32xf32, #tpu.memory_space<hbm>> -> memref<1x32xf32, #tpu.memory_space<hbm>>
        %dma_wait3A_1691 = arith.constant 0 : i32
        %dma_wait3A_1692 = tpu.memref_slice %arg10[%add3A_1675, %dma_wait3A_1691] : memref<64x32xf32, #tpu.memory_space<vmem>> -> memref<1x32xf32, #tpu.memory_space<vmem>>
        %dma_wait3A_1693 = arith.constant 0 : i32
        %dma_wait3A_1694 = arith.constant 0 : i32
        %dma_wait3A_1695 = tpu.memref_slice %arg4[%dma_wait3A_1693, %dma_wait3A_1694] : memref<1000000x32xf32, #tpu.memory_space<hbm>> -> memref<1x32xf32, #tpu.memory_space<hbm>>
        tpu.wait_dma2 semaphore(%arg12 : memref<!tpu.dma_semaphore, #tpu.memory_space<semaphore_mem>>) src(%dma_wait3A_1695 : memref<1x32xf32, #tpu.memory_space<hbm>>) dst(%dma_wait3A_1692 : memref<1x32xf32, #tpu.memory_space<vmem>>)
        %mul3A_1696 = arith.constant 16 : i32
        %mul3A_1697 = arith.muli %and3A_1575, %mul3A_1696 : i32
        %add3A_1698 = arith.constant 5 : i32
        %add3A_1699 = arith.addi %mul3A_1697, %add3A_1698 : i32
        %dma_wait3A_1700 = arith.constant 0 : i32
        %dma_wait3A_1701 = tpu.memref_slice %arg9[%add3A_1699, %dma_wait3A_1700] : memref<64x32xf32, #tpu.memory_space<vmem>> -> memref<1x32xf32, #tpu.memory_space<vmem>>
        %dma_wait3A_1702 = arith.constant 0 : i32
        %dma_wait3A_1703 = arith.constant 0 : i32
        %dma_wait3A_1704 = tpu.memref_slice %arg4[%dma_wait3A_1702, %dma_wait3A_1703] : memref<1000000x32xf32, #tpu.memory_space<hbm>> -> memref<1x32xf32, #tpu.memory_space<hbm>>
        %dma_wait3A_1705 = arith.constant 0 : i32
        %dma_wait3A_1706 = tpu.memref_slice %arg9[%add3A_1699, %dma_wait3A_1705] : memref<64x32xf32, #tpu.memory_space<vmem>> -> memref<1x32xf32, #tpu.memory_space<vmem>>
        %dma_wait3A_1707 = arith.constant 0 : i32
        %dma_wait3A_1708 = arith.constant 0 : i32
        %dma_wait3A_1709 = tpu.memref_slice %arg4[%dma_wait3A_1707, %dma_wait3A_1708] : memref<1000000x32xf32, #tpu.memory_space<hbm>> -> memref<1x32xf32, #tpu.memory_space<hbm>>
        tpu.wait_dma2 semaphore(%arg12 : memref<!tpu.dma_semaphore, #tpu.memory_space<semaphore_mem>>) src(%dma_wait3A_1709 : memref<1x32xf32, #tpu.memory_space<hbm>>) dst(%dma_wait3A_1706 : memref<1x32xf32, #tpu.memory_space<vmem>>)
        %dma_wait3A_1710 = arith.constant 0 : i32
        %dma_wait3A_1711 = tpu.memref_slice %arg10[%add3A_1699, %dma_wait3A_1710] : memref<64x32xf32, #tpu.memory_space<vmem>> -> memref<1x32xf32, #tpu.memory_space<vmem>>
        %dma_wait3A_1712 = arith.constant 0 : i32
        %dma_wait3A_1713 = arith.constant 0 : i32
        %dma_wait3A_1714 = tpu.memref_slice %arg4[%dma_wait3A_1712, %dma_wait3A_1713] : memref<1000000x32xf32, #tpu.memory_space<hbm>> -> memref<1x32xf32, #tpu.memory_space<hbm>>
        %dma_wait3A_1715 = arith.constant 0 : i32
        %dma_wait3A_1716 = tpu.memref_slice %arg10[%add3A_1699, %dma_wait3A_1715] : memref<64x32xf32, #tpu.memory_space<vmem>> -> memref<1x32xf32, #tpu.memory_space<vmem>>
        %dma_wait3A_1717 = arith.constant 0 : i32
        %dma_wait3A_1718 = arith.constant 0 : i32
        %dma_wait3A_1719 = tpu.memref_slice %arg4[%dma_wait3A_1717, %dma_wait3A_1718] : memref<1000000x32xf32, #tpu.memory_space<hbm>> -> memref<1x32xf32, #tpu.memory_space<hbm>>
        tpu.wait_dma2 semaphore(%arg12 : memref<!tpu.dma_semaphore, #tpu.memory_space<semaphore_mem>>) src(%dma_wait3A_1719 : memref<1x32xf32, #tpu.memory_space<hbm>>) dst(%dma_wait3A_1716 : memref<1x32xf32, #tpu.memory_space<vmem>>)
        %mul3A_1720 = arith.constant 16 : i32
        %mul3A_1721 = arith.muli %and3A_1575, %mul3A_1720 : i32
        %add3A_1722 = arith.constant 6 : i32
        %add3A_1723 = arith.addi %mul3A_1721, %add3A_1722 : i32
        %dma_wait3A_1724 = arith.constant 0 : i32
        %dma_wait3A_1725 = tpu.memref_slice %arg9[%add3A_1723, %dma_wait3A_1724] : memref<64x32xf32, #tpu.memory_space<vmem>> -> memref<1x32xf32, #tpu.memory_space<vmem>>
        %dma_wait3A_1726 = arith.constant 0 : i32
        %dma_wait3A_1727 = arith.constant 0 : i32
        %dma_wait3A_1728 = tpu.memref_slice %arg4[%dma_wait3A_1726, %dma_wait3A_1727] : memref<1000000x32xf32, #tpu.memory_space<hbm>> -> memref<1x32xf32, #tpu.memory_space<hbm>>
        %dma_wait3A_1729 = arith.constant 0 : i32
        %dma_wait3A_1730 = tpu.memref_slice %arg9[%add3A_1723, %dma_wait3A_1729] : memref<64x32xf32, #tpu.memory_space<vmem>> -> memref<1x32xf32, #tpu.memory_space<vmem>>
        %dma_wait3A_1731 = arith.constant 0 : i32
        %dma_wait3A_1732 = arith.constant 0 : i32
        %dma_wait3A_1733 = tpu.memref_slice %arg4[%dma_wait3A_1731, %dma_wait3A_1732] : memref<1000000x32xf32, #tpu.memory_space<hbm>> -> memref<1x32xf32, #tpu.memory_space<hbm>>
        tpu.wait_dma2 semaphore(%arg12 : memref<!tpu.dma_semaphore, #tpu.memory_space<semaphore_mem>>) src(%dma_wait3A_1733 : memref<1x32xf32, #tpu.memory_space<hbm>>) dst(%dma_wait3A_1730 : memref<1x32xf32, #tpu.memory_space<vmem>>)
        %dma_wait3A_1734 = arith.constant 0 : i32
        %dma_wait3A_1735 = tpu.memref_slice %arg10[%add3A_1723, %dma_wait3A_1734] : memref<64x32xf32, #tpu.memory_space<vmem>> -> memref<1x32xf32, #tpu.memory_space<vmem>>
        %dma_wait3A_1736 = arith.constant 0 : i32
        %dma_wait3A_1737 = arith.constant 0 : i32
        %dma_wait3A_1738 = tpu.memref_slice %arg4[%dma_wait3A_1736, %dma_wait3A_1737] : memref<1000000x32xf32, #tpu.memory_space<hbm>> -> memref<1x32xf32, #tpu.memory_space<hbm>>
        %dma_wait3A_1739 = arith.constant 0 : i32
        %dma_wait3A_1740 = tpu.memref_slice %arg10[%add3A_1723, %dma_wait3A_1739] : memref<64x32xf32, #tpu.memory_space<vmem>> -> memref<1x32xf32, #tpu.memory_space<vmem>>
        %dma_wait3A_1741 = arith.constant 0 : i32
        %dma_wait3A_1742 = arith.constant 0 : i32
        %dma_wait3A_1743 = tpu.memref_slice %arg4[%dma_wait3A_1741, %dma_wait3A_1742] : memref<1000000x32xf32, #tpu.memory_space<hbm>> -> memref<1x32xf32, #tpu.memory_space<hbm>>
        tpu.wait_dma2 semaphore(%arg12 : memref<!tpu.dma_semaphore, #tpu.memory_space<semaphore_mem>>) src(%dma_wait3A_1743 : memref<1x32xf32, #tpu.memory_space<hbm>>) dst(%dma_wait3A_1740 : memref<1x32xf32, #tpu.memory_space<vmem>>)
        %mul3A_1744 = arith.constant 16 : i32
        %mul3A_1745 = arith.muli %and3A_1575, %mul3A_1744 : i32
        %add3A_1746 = arith.constant 7 : i32
        %add3A_1747 = arith.addi %mul3A_1745, %add3A_1746 : i32
        %dma_wait3A_1748 = arith.constant 0 : i32
        %dma_wait3A_1749 = tpu.memref_slice %arg9[%add3A_1747, %dma_wait3A_1748] : memref<64x32xf32, #tpu.memory_space<vmem>> -> memref<1x32xf32, #tpu.memory_space<vmem>>
        %dma_wait3A_1750 = arith.constant 0 : i32
        %dma_wait3A_1751 = arith.constant 0 : i32
        %dma_wait3A_1752 = tpu.memref_slice %arg4[%dma_wait3A_1750, %dma_wait3A_1751] : memref<1000000x32xf32, #tpu.memory_space<hbm>> -> memref<1x32xf32, #tpu.memory_space<hbm>>
        %dma_wait3A_1753 = arith.constant 0 : i32
        %dma_wait3A_1754 = tpu.memref_slice %arg9[%add3A_1747, %dma_wait3A_1753] : memref<64x32xf32, #tpu.memory_space<vmem>> -> memref<1x32xf32, #tpu.memory_space<vmem>>
        %dma_wait3A_1755 = arith.constant 0 : i32
        %dma_wait3A_1756 = arith.constant 0 : i32
        %dma_wait3A_1757 = tpu.memref_slice %arg4[%dma_wait3A_1755, %dma_wait3A_1756] : memref<1000000x32xf32, #tpu.memory_space<hbm>> -> memref<1x32xf32, #tpu.memory_space<hbm>>
        tpu.wait_dma2 semaphore(%arg12 : memref<!tpu.dma_semaphore, #tpu.memory_space<semaphore_mem>>) src(%dma_wait3A_1757 : memref<1x32xf32, #tpu.memory_space<hbm>>) dst(%dma_wait3A_1754 : memref<1x32xf32, #tpu.memory_space<vmem>>)
        %dma_wait3A_1758 = arith.constant 0 : i32
        %dma_wait3A_1759 = tpu.memref_slice %arg10[%add3A_1747, %dma_wait3A_1758] : memref<64x32xf32, #tpu.memory_space<vmem>> -> memref<1x32xf32, #tpu.memory_space<vmem>>
        %dma_wait3A_1760 = arith.constant 0 : i32
        %dma_wait3A_1761 = arith.constant 0 : i32
        %dma_wait3A_1762 = tpu.memref_slice %arg4[%dma_wait3A_1760, %dma_wait3A_1761] : memref<1000000x32xf32, #tpu.memory_space<hbm>> -> memref<1x32xf32, #tpu.memory_space<hbm>>
        %dma_wait3A_1763 = arith.constant 0 : i32
        %dma_wait3A_1764 = tpu.memref_slice %arg10[%add3A_1747, %dma_wait3A_1763] : memref<64x32xf32, #tpu.memory_space<vmem>> -> memref<1x32xf32, #tpu.memory_space<vmem>>
        %dma_wait3A_1765 = arith.constant 0 : i32
        %dma_wait3A_1766 = arith.constant 0 : i32
        %dma_wait3A_1767 = tpu.memref_slice %arg4[%dma_wait3A_1765, %dma_wait3A_1766] : memref<1000000x32xf32, #tpu.memory_space<hbm>> -> memref<1x32xf32, #tpu.memory_space<hbm>>
        tpu.wait_dma2 semaphore(%arg12 : memref<!tpu.dma_semaphore, #tpu.memory_space<semaphore_mem>>) src(%dma_wait3A_1767 : memref<1x32xf32, #tpu.memory_space<hbm>>) dst(%dma_wait3A_1764 : memref<1x32xf32, #tpu.memory_space<vmem>>)
        %mul3A_1768 = arith.constant 16 : i32
        %mul3A_1769 = arith.muli %and3A_1575, %mul3A_1768 : i32
        %add3A_1770 = arith.constant 8 : i32
        %add3A_1771 = arith.addi %mul3A_1769, %add3A_1770 : i32
        %dma_wait3A_1772 = arith.constant 0 : i32
        %dma_wait3A_1773 = tpu.memref_slice %arg9[%add3A_1771, %dma_wait3A_1772] : memref<64x32xf32, #tpu.memory_space<vmem>> -> memref<1x32xf32, #tpu.memory_space<vmem>>
        %dma_wait3A_1774 = arith.constant 0 : i32
        %dma_wait3A_1775 = arith.constant 0 : i32
        %dma_wait3A_1776 = tpu.memref_slice %arg4[%dma_wait3A_1774, %dma_wait3A_1775] : memref<1000000x32xf32, #tpu.memory_space<hbm>> -> memref<1x32xf32, #tpu.memory_space<hbm>>
        %dma_wait3A_1777 = arith.constant 0 : i32
        %dma_wait3A_1778 = tpu.memref_slice %arg9[%add3A_1771, %dma_wait3A_1777] : memref<64x32xf32, #tpu.memory_space<vmem>> -> memref<1x32xf32, #tpu.memory_space<vmem>>
        %dma_wait3A_1779 = arith.constant 0 : i32
        %dma_wait3A_1780 = arith.constant 0 : i32
        %dma_wait3A_1781 = tpu.memref_slice %arg4[%dma_wait3A_1779, %dma_wait3A_1780] : memref<1000000x32xf32, #tpu.memory_space<hbm>> -> memref<1x32xf32, #tpu.memory_space<hbm>>
        tpu.wait_dma2 semaphore(%arg12 : memref<!tpu.dma_semaphore, #tpu.memory_space<semaphore_mem>>) src(%dma_wait3A_1781 : memref<1x32xf32, #tpu.memory_space<hbm>>) dst(%dma_wait3A_1778 : memref<1x32xf32, #tpu.memory_space<vmem>>)
        %dma_wait3A_1782 = arith.constant 0 : i32
        %dma_wait3A_1783 = tpu.memref_slice %arg10[%add3A_1771, %dma_wait3A_1782] : memref<64x32xf32, #tpu.memory_space<vmem>> -> memref<1x32xf32, #tpu.memory_space<vmem>>
        %dma_wait3A_1784 = arith.constant 0 : i32
        %dma_wait3A_1785 = arith.constant 0 : i32
        %dma_wait3A_1786 = tpu.memref_slice %arg4[%dma_wait3A_1784, %dma_wait3A_1785] : memref<1000000x32xf32, #tpu.memory_space<hbm>> -> memref<1x32xf32, #tpu.memory_space<hbm>>
        %dma_wait3A_1787 = arith.constant 0 : i32
        %dma_wait3A_1788 = tpu.memref_slice %arg10[%add3A_1771, %dma_wait3A_1787] : memref<64x32xf32, #tpu.memory_space<vmem>> -> memref<1x32xf32, #tpu.memory_space<vmem>>
        %dma_wait3A_1789 = arith.constant 0 : i32
        %dma_wait3A_1790 = arith.constant 0 : i32
        %dma_wait3A_1791 = tpu.memref_slice %arg4[%dma_wait3A_1789, %dma_wait3A_1790] : memref<1000000x32xf32, #tpu.memory_space<hbm>> -> memref<1x32xf32, #tpu.memory_space<hbm>>
        tpu.wait_dma2 semaphore(%arg12 : memref<!tpu.dma_semaphore, #tpu.memory_space<semaphore_mem>>) src(%dma_wait3A_1791 : memref<1x32xf32, #tpu.memory_space<hbm>>) dst(%dma_wait3A_1788 : memref<1x32xf32, #tpu.memory_space<vmem>>)
        %mul3A_1792 = arith.constant 16 : i32
        %mul3A_1793 = arith.muli %and3A_1575, %mul3A_1792 : i32
        %add3A_1794 = arith.constant 9 : i32
        %add3A_1795 = arith.addi %mul3A_1793, %add3A_1794 : i32
        %dma_wait3A_1796 = arith.constant 0 : i32
        %dma_wait3A_1797 = tpu.memref_slice %arg9[%add3A_1795, %dma_wait3A_1796] : memref<64x32xf32, #tpu.memory_space<vmem>> -> memref<1x32xf32, #tpu.memory_space<vmem>>
        %dma_wait3A_1798 = arith.constant 0 : i32
        %dma_wait3A_1799 = arith.constant 0 : i32
        %dma_wait3A_1800 = tpu.memref_slice %arg4[%dma_wait3A_1798, %dma_wait3A_1799] : memref<1000000x32xf32, #tpu.memory_space<hbm>> -> memref<1x32xf32, #tpu.memory_space<hbm>>
        %dma_wait3A_1801 = arith.constant 0 : i32
        %dma_wait3A_1802 = tpu.memref_slice %arg9[%add3A_1795, %dma_wait3A_1801] : memref<64x32xf32, #tpu.memory_space<vmem>> -> memref<1x32xf32, #tpu.memory_space<vmem>>
        %dma_wait3A_1803 = arith.constant 0 : i32
        %dma_wait3A_1804 = arith.constant 0 : i32
        %dma_wait3A_1805 = tpu.memref_slice %arg4[%dma_wait3A_1803, %dma_wait3A_1804] : memref<1000000x32xf32, #tpu.memory_space<hbm>> -> memref<1x32xf32, #tpu.memory_space<hbm>>
        tpu.wait_dma2 semaphore(%arg12 : memref<!tpu.dma_semaphore, #tpu.memory_space<semaphore_mem>>) src(%dma_wait3A_1805 : memref<1x32xf32, #tpu.memory_space<hbm>>) dst(%dma_wait3A_1802 : memref<1x32xf32, #tpu.memory_space<vmem>>)
        %dma_wait3A_1806 = arith.constant 0 : i32
        %dma_wait3A_1807 = tpu.memref_slice %arg10[%add3A_1795, %dma_wait3A_1806] : memref<64x32xf32, #tpu.memory_space<vmem>> -> memref<1x32xf32, #tpu.memory_space<vmem>>
        %dma_wait3A_1808 = arith.constant 0 : i32
        %dma_wait3A_1809 = arith.constant 0 : i32
        %dma_wait3A_1810 = tpu.memref_slice %arg4[%dma_wait3A_1808, %dma_wait3A_1809] : memref<1000000x32xf32, #tpu.memory_space<hbm>> -> memref<1x32xf32, #tpu.memory_space<hbm>>
        %dma_wait3A_1811 = arith.constant 0 : i32
        %dma_wait3A_1812 = tpu.memref_slice %arg10[%add3A_1795, %dma_wait3A_1811] : memref<64x32xf32, #tpu.memory_space<vmem>> -> memref<1x32xf32, #tpu.memory_space<vmem>>
        %dma_wait3A_1813 = arith.constant 0 : i32
        %dma_wait3A_1814 = arith.constant 0 : i32
        %dma_wait3A_1815 = tpu.memref_slice %arg4[%dma_wait3A_1813, %dma_wait3A_1814] : memref<1000000x32xf32, #tpu.memory_space<hbm>> -> memref<1x32xf32, #tpu.memory_space<hbm>>
        tpu.wait_dma2 semaphore(%arg12 : memref<!tpu.dma_semaphore, #tpu.memory_space<semaphore_mem>>) src(%dma_wait3A_1815 : memref<1x32xf32, #tpu.memory_space<hbm>>) dst(%dma_wait3A_1812 : memref<1x32xf32, #tpu.memory_space<vmem>>)
        %mul3A_1816 = arith.constant 16 : i32
        %mul3A_1817 = arith.muli %and3A_1575, %mul3A_1816 : i32
        %add3A_1818 = arith.constant 10 : i32
        %add3A_1819 = arith.addi %mul3A_1817, %add3A_1818 : i32
        %dma_wait3A_1820 = arith.constant 0 : i32
        %dma_wait3A_1821 = tpu.memref_slice %arg9[%add3A_1819, %dma_wait3A_1820] : memref<64x32xf32, #tpu.memory_space<vmem>> -> memref<1x32xf32, #tpu.memory_space<vmem>>
        %dma_wait3A_1822 = arith.constant 0 : i32
        %dma_wait3A_1823 = arith.constant 0 : i32
        %dma_wait3A_1824 = tpu.memref_slice %arg4[%dma_wait3A_1822, %dma_wait3A_1823] : memref<1000000x32xf32, #tpu.memory_space<hbm>> -> memref<1x32xf32, #tpu.memory_space<hbm>>
        %dma_wait3A_1825 = arith.constant 0 : i32
        %dma_wait3A_1826 = tpu.memref_slice %arg9[%add3A_1819, %dma_wait3A_1825] : memref<64x32xf32, #tpu.memory_space<vmem>> -> memref<1x32xf32, #tpu.memory_space<vmem>>
        %dma_wait3A_1827 = arith.constant 0 : i32
        %dma_wait3A_1828 = arith.constant 0 : i32
        %dma_wait3A_1829 = tpu.memref_slice %arg4[%dma_wait3A_1827, %dma_wait3A_1828] : memref<1000000x32xf32, #tpu.memory_space<hbm>> -> memref<1x32xf32, #tpu.memory_space<hbm>>
        tpu.wait_dma2 semaphore(%arg12 : memref<!tpu.dma_semaphore, #tpu.memory_space<semaphore_mem>>) src(%dma_wait3A_1829 : memref<1x32xf32, #tpu.memory_space<hbm>>) dst(%dma_wait3A_1826 : memref<1x32xf32, #tpu.memory_space<vmem>>)
        %dma_wait3A_1830 = arith.constant 0 : i32
        %dma_wait3A_1831 = tpu.memref_slice %arg10[%add3A_1819, %dma_wait3A_1830] : memref<64x32xf32, #tpu.memory_space<vmem>> -> memref<1x32xf32, #tpu.memory_space<vmem>>
        %dma_wait3A_1832 = arith.constant 0 : i32
        %dma_wait3A_1833 = arith.constant 0 : i32
        %dma_wait3A_1834 = tpu.memref_slice %arg4[%dma_wait3A_1832, %dma_wait3A_1833] : memref<1000000x32xf32, #tpu.memory_space<hbm>> -> memref<1x32xf32, #tpu.memory_space<hbm>>
        %dma_wait3A_1835 = arith.constant 0 : i32
        %dma_wait3A_1836 = tpu.memref_slice %arg10[%add3A_1819, %dma_wait3A_1835] : memref<64x32xf32, #tpu.memory_space<vmem>> -> memref<1x32xf32, #tpu.memory_space<vmem>>
        %dma_wait3A_1837 = arith.constant 0 : i32
        %dma_wait3A_1838 = arith.constant 0 : i32
        %dma_wait3A_1839 = tpu.memref_slice %arg4[%dma_wait3A_1837, %dma_wait3A_1838] : memref<1000000x32xf32, #tpu.memory_space<hbm>> -> memref<1x32xf32, #tpu.memory_space<hbm>>
        tpu.wait_dma2 semaphore(%arg12 : memref<!tpu.dma_semaphore, #tpu.memory_space<semaphore_mem>>) src(%dma_wait3A_1839 : memref<1x32xf32, #tpu.memory_space<hbm>>) dst(%dma_wait3A_1836 : memref<1x32xf32, #tpu.memory_space<vmem>>)
        %mul3A_1840 = arith.constant 16 : i32
        %mul3A_1841 = arith.muli %and3A_1575, %mul3A_1840 : i32
        %add3A_1842 = arith.constant 11 : i32
        %add3A_1843 = arith.addi %mul3A_1841, %add3A_1842 : i32
        %dma_wait3A_1844 = arith.constant 0 : i32
        %dma_wait3A_1845 = tpu.memref_slice %arg9[%add3A_1843, %dma_wait3A_1844] : memref<64x32xf32, #tpu.memory_space<vmem>> -> memref<1x32xf32, #tpu.memory_space<vmem>>
        %dma_wait3A_1846 = arith.constant 0 : i32
        %dma_wait3A_1847 = arith.constant 0 : i32
        %dma_wait3A_1848 = tpu.memref_slice %arg4[%dma_wait3A_1846, %dma_wait3A_1847] : memref<1000000x32xf32, #tpu.memory_space<hbm>> -> memref<1x32xf32, #tpu.memory_space<hbm>>
        %dma_wait3A_1849 = arith.constant 0 : i32
        %dma_wait3A_1850 = tpu.memref_slice %arg9[%add3A_1843, %dma_wait3A_1849] : memref<64x32xf32, #tpu.memory_space<vmem>> -> memref<1x32xf32, #tpu.memory_space<vmem>>
        %dma_wait3A_1851 = arith.constant 0 : i32
        %dma_wait3A_1852 = arith.constant 0 : i32
        %dma_wait3A_1853 = tpu.memref_slice %arg4[%dma_wait3A_1851, %dma_wait3A_1852] : memref<1000000x32xf32, #tpu.memory_space<hbm>> -> memref<1x32xf32, #tpu.memory_space<hbm>>
        tpu.wait_dma2 semaphore(%arg12 : memref<!tpu.dma_semaphore, #tpu.memory_space<semaphore_mem>>) src(%dma_wait3A_1853 : memref<1x32xf32, #tpu.memory_space<hbm>>) dst(%dma_wait3A_1850 : memref<1x32xf32, #tpu.memory_space<vmem>>)
        %dma_wait3A_1854 = arith.constant 0 : i32
        %dma_wait3A_1855 = tpu.memref_slice %arg10[%add3A_1843, %dma_wait3A_1854] : memref<64x32xf32, #tpu.memory_space<vmem>> -> memref<1x32xf32, #tpu.memory_space<vmem>>
        %dma_wait3A_1856 = arith.constant 0 : i32
        %dma_wait3A_1857 = arith.constant 0 : i32
        %dma_wait3A_1858 = tpu.memref_slice %arg4[%dma_wait3A_1856, %dma_wait3A_1857] : memref<1000000x32xf32, #tpu.memory_space<hbm>> -> memref<1x32xf32, #tpu.memory_space<hbm>>
        %dma_wait3A_1859 = arith.constant 0 : i32
        %dma_wait3A_1860 = tpu.memref_slice %arg10[%add3A_1843, %dma_wait3A_1859] : memref<64x32xf32, #tpu.memory_space<vmem>> -> memref<1x32xf32, #tpu.memory_space<vmem>>
        %dma_wait3A_1861 = arith.constant 0 : i32
        %dma_wait3A_1862 = arith.constant 0 : i32
        %dma_wait3A_1863 = tpu.memref_slice %arg4[%dma_wait3A_1861, %dma_wait3A_1862] : memref<1000000x32xf32, #tpu.memory_space<hbm>> -> memref<1x32xf32, #tpu.memory_space<hbm>>
        tpu.wait_dma2 semaphore(%arg12 : memref<!tpu.dma_semaphore, #tpu.memory_space<semaphore_mem>>) src(%dma_wait3A_1863 : memref<1x32xf32, #tpu.memory_space<hbm>>) dst(%dma_wait3A_1860 : memref<1x32xf32, #tpu.memory_space<vmem>>)
        %mul3A_1864 = arith.constant 16 : i32
        %mul3A_1865 = arith.muli %and3A_1575, %mul3A_1864 : i32
        %add3A_1866 = arith.constant 12 : i32
        %add3A_1867 = arith.addi %mul3A_1865, %add3A_1866 : i32
        %dma_wait3A_1868 = arith.constant 0 : i32
        %dma_wait3A_1869 = tpu.memref_slice %arg9[%add3A_1867, %dma_wait3A_1868] : memref<64x32xf32, #tpu.memory_space<vmem>> -> memref<1x32xf32, #tpu.memory_space<vmem>>
        %dma_wait3A_1870 = arith.constant 0 : i32
        %dma_wait3A_1871 = arith.constant 0 : i32
        %dma_wait3A_1872 = tpu.memref_slice %arg4[%dma_wait3A_1870, %dma_wait3A_1871] : memref<1000000x32xf32, #tpu.memory_space<hbm>> -> memref<1x32xf32, #tpu.memory_space<hbm>>
        %dma_wait3A_1873 = arith.constant 0 : i32
        %dma_wait3A_1874 = tpu.memref_slice %arg9[%add3A_1867, %dma_wait3A_1873] : memref<64x32xf32, #tpu.memory_space<vmem>> -> memref<1x32xf32, #tpu.memory_space<vmem>>
        %dma_wait3A_1875 = arith.constant 0 : i32
        %dma_wait3A_1876 = arith.constant 0 : i32
        %dma_wait3A_1877 = tpu.memref_slice %arg4[%dma_wait3A_1875, %dma_wait3A_1876] : memref<1000000x32xf32, #tpu.memory_space<hbm>> -> memref<1x32xf32, #tpu.memory_space<hbm>>
        tpu.wait_dma2 semaphore(%arg12 : memref<!tpu.dma_semaphore, #tpu.memory_space<semaphore_mem>>) src(%dma_wait3A_1877 : memref<1x32xf32, #tpu.memory_space<hbm>>) dst(%dma_wait3A_1874 : memref<1x32xf32, #tpu.memory_space<vmem>>)
        %dma_wait3A_1878 = arith.constant 0 : i32
        %dma_wait3A_1879 = tpu.memref_slice %arg10[%add3A_1867, %dma_wait3A_1878] : memref<64x32xf32, #tpu.memory_space<vmem>> -> memref<1x32xf32, #tpu.memory_space<vmem>>
        %dma_wait3A_1880 = arith.constant 0 : i32
        %dma_wait3A_1881 = arith.constant 0 : i32
        %dma_wait3A_1882 = tpu.memref_slice %arg4[%dma_wait3A_1880, %dma_wait3A_1881] : memref<1000000x32xf32, #tpu.memory_space<hbm>> -> memref<1x32xf32, #tpu.memory_space<hbm>>
        %dma_wait3A_1883 = arith.constant 0 : i32
        %dma_wait3A_1884 = tpu.memref_slice %arg10[%add3A_1867, %dma_wait3A_1883] : memref<64x32xf32, #tpu.memory_space<vmem>> -> memref<1x32xf32, #tpu.memory_space<vmem>>
        %dma_wait3A_1885 = arith.constant 0 : i32
        %dma_wait3A_1886 = arith.constant 0 : i32
        %dma_wait3A_1887 = tpu.memref_slice %arg4[%dma_wait3A_1885, %dma_wait3A_1886] : memref<1000000x32xf32, #tpu.memory_space<hbm>> -> memref<1x32xf32, #tpu.memory_space<hbm>>
        tpu.wait_dma2 semaphore(%arg12 : memref<!tpu.dma_semaphore, #tpu.memory_space<semaphore_mem>>) src(%dma_wait3A_1887 : memref<1x32xf32, #tpu.memory_space<hbm>>) dst(%dma_wait3A_1884 : memref<1x32xf32, #tpu.memory_space<vmem>>)
        %mul3A_1888 = arith.constant 16 : i32
        %mul3A_1889 = arith.muli %and3A_1575, %mul3A_1888 : i32
        %add3A_1890 = arith.constant 13 : i32
        %add3A_1891 = arith.addi %mul3A_1889, %add3A_1890 : i32
        %dma_wait3A_1892 = arith.constant 0 : i32
        %dma_wait3A_1893 = tpu.memref_slice %arg9[%add3A_1891, %dma_wait3A_1892] : memref<64x32xf32, #tpu.memory_space<vmem>> -> memref<1x32xf32, #tpu.memory_space<vmem>>
        %dma_wait3A_1894 = arith.constant 0 : i32
        %dma_wait3A_1895 = arith.constant 0 : i32
        %dma_wait3A_1896 = tpu.memref_slice %arg4[%dma_wait3A_1894, %dma_wait3A_1895] : memref<1000000x32xf32, #tpu.memory_space<hbm>> -> memref<1x32xf32, #tpu.memory_space<hbm>>
        %dma_wait3A_1897 = arith.constant 0 : i32
        %dma_wait3A_1898 = tpu.memref_slice %arg9[%add3A_1891, %dma_wait3A_1897] : memref<64x32xf32, #tpu.memory_space<vmem>> -> memref<1x32xf32, #tpu.memory_space<vmem>>
        %dma_wait3A_1899 = arith.constant 0 : i32
        %dma_wait3A_1900 = arith.constant 0 : i32
        %dma_wait3A_1901 = tpu.memref_slice %arg4[%dma_wait3A_1899, %dma_wait3A_1900] : memref<1000000x32xf32, #tpu.memory_space<hbm>> -> memref<1x32xf32, #tpu.memory_space<hbm>>
        tpu.wait_dma2 semaphore(%arg12 : memref<!tpu.dma_semaphore, #tpu.memory_space<semaphore_mem>>) src(%dma_wait3A_1901 : memref<1x32xf32, #tpu.memory_space<hbm>>) dst(%dma_wait3A_1898 : memref<1x32xf32, #tpu.memory_space<vmem>>)
        %dma_wait3A_1902 = arith.constant 0 : i32
        %dma_wait3A_1903 = tpu.memref_slice %arg10[%add3A_1891, %dma_wait3A_1902] : memref<64x32xf32, #tpu.memory_space<vmem>> -> memref<1x32xf32, #tpu.memory_space<vmem>>
        %dma_wait3A_1904 = arith.constant 0 : i32
        %dma_wait3A_1905 = arith.constant 0 : i32
        %dma_wait3A_1906 = tpu.memref_slice %arg4[%dma_wait3A_1904, %dma_wait3A_1905] : memref<1000000x32xf32, #tpu.memory_space<hbm>> -> memref<1x32xf32, #tpu.memory_space<hbm>>
        %dma_wait3A_1907 = arith.constant 0 : i32
        %dma_wait3A_1908 = tpu.memref_slice %arg10[%add3A_1891, %dma_wait3A_1907] : memref<64x32xf32, #tpu.memory_space<vmem>> -> memref<1x32xf32, #tpu.memory_space<vmem>>
        %dma_wait3A_1909 = arith.constant 0 : i32
        %dma_wait3A_1910 = arith.constant 0 : i32
        %dma_wait3A_1911 = tpu.memref_slice %arg4[%dma_wait3A_1909, %dma_wait3A_1910] : memref<1000000x32xf32, #tpu.memory_space<hbm>> -> memref<1x32xf32, #tpu.memory_space<hbm>>
        tpu.wait_dma2 semaphore(%arg12 : memref<!tpu.dma_semaphore, #tpu.memory_space<semaphore_mem>>) src(%dma_wait3A_1911 : memref<1x32xf32, #tpu.memory_space<hbm>>) dst(%dma_wait3A_1908 : memref<1x32xf32, #tpu.memory_space<vmem>>)
        %mul3A_1912 = arith.constant 16 : i32
        %mul3A_1913 = arith.muli %and3A_1575, %mul3A_1912 : i32
        %add3A_1914 = arith.constant 14 : i32
        %add3A_1915 = arith.addi %mul3A_1913, %add3A_1914 : i32
        %dma_wait3A_1916 = arith.constant 0 : i32
        %dma_wait3A_1917 = tpu.memref_slice %arg9[%add3A_1915, %dma_wait3A_1916] : memref<64x32xf32, #tpu.memory_space<vmem>> -> memref<1x32xf32, #tpu.memory_space<vmem>>
        %dma_wait3A_1918 = arith.constant 0 : i32
        %dma_wait3A_1919 = arith.constant 0 : i32
        %dma_wait3A_1920 = tpu.memref_slice %arg4[%dma_wait3A_1918, %dma_wait3A_1919] : memref<1000000x32xf32, #tpu.memory_space<hbm>> -> memref<1x32xf32, #tpu.memory_space<hbm>>
        %dma_wait3A_1921 = arith.constant 0 : i32
        %dma_wait3A_1922 = tpu.memref_slice %arg9[%add3A_1915, %dma_wait3A_1921] : memref<64x32xf32, #tpu.memory_space<vmem>> -> memref<1x32xf32, #tpu.memory_space<vmem>>
        %dma_wait3A_1923 = arith.constant 0 : i32
        %dma_wait3A_1924 = arith.constant 0 : i32
        %dma_wait3A_1925 = tpu.memref_slice %arg4[%dma_wait3A_1923, %dma_wait3A_1924] : memref<1000000x32xf32, #tpu.memory_space<hbm>> -> memref<1x32xf32, #tpu.memory_space<hbm>>
        tpu.wait_dma2 semaphore(%arg12 : memref<!tpu.dma_semaphore, #tpu.memory_space<semaphore_mem>>) src(%dma_wait3A_1925 : memref<1x32xf32, #tpu.memory_space<hbm>>) dst(%dma_wait3A_1922 : memref<1x32xf32, #tpu.memory_space<vmem>>)
        %dma_wait3A_1926 = arith.constant 0 : i32
        %dma_wait3A_1927 = tpu.memref_slice %arg10[%add3A_1915, %dma_wait3A_1926] : memref<64x32xf32, #tpu.memory_space<vmem>> -> memref<1x32xf32, #tpu.memory_space<vmem>>
        %dma_wait3A_1928 = arith.constant 0 : i32
        %dma_wait3A_1929 = arith.constant 0 : i32
        %dma_wait3A_1930 = tpu.memref_slice %arg4[%dma_wait3A_1928, %dma_wait3A_1929] : memref<1000000x32xf32, #tpu.memory_space<hbm>> -> memref<1x32xf32, #tpu.memory_space<hbm>>
        %dma_wait3A_1931 = arith.constant 0 : i32
        %dma_wait3A_1932 = tpu.memref_slice %arg10[%add3A_1915, %dma_wait3A_1931] : memref<64x32xf32, #tpu.memory_space<vmem>> -> memref<1x32xf32, #tpu.memory_space<vmem>>
        %dma_wait3A_1933 = arith.constant 0 : i32
        %dma_wait3A_1934 = arith.constant 0 : i32
        %dma_wait3A_1935 = tpu.memref_slice %arg4[%dma_wait3A_1933, %dma_wait3A_1934] : memref<1000000x32xf32, #tpu.memory_space<hbm>> -> memref<1x32xf32, #tpu.memory_space<hbm>>
        tpu.wait_dma2 semaphore(%arg12 : memref<!tpu.dma_semaphore, #tpu.memory_space<semaphore_mem>>) src(%dma_wait3A_1935 : memref<1x32xf32, #tpu.memory_space<hbm>>) dst(%dma_wait3A_1932 : memref<1x32xf32, #tpu.memory_space<vmem>>)
        %mul3A_1936 = arith.constant 16 : i32
        %mul3A_1937 = arith.muli %and3A_1575, %mul3A_1936 : i32
        %add3A_1938 = arith.constant 15 : i32
        %add3A_1939 = arith.addi %mul3A_1937, %add3A_1938 : i32
        %dma_wait3A_1940 = arith.constant 0 : i32
        %dma_wait3A_1941 = tpu.memref_slice %arg9[%add3A_1939, %dma_wait3A_1940] : memref<64x32xf32, #tpu.memory_space<vmem>> -> memref<1x32xf32, #tpu.memory_space<vmem>>
        %dma_wait3A_1942 = arith.constant 0 : i32
        %dma_wait3A_1943 = arith.constant 0 : i32
        %dma_wait3A_1944 = tpu.memref_slice %arg4[%dma_wait3A_1942, %dma_wait3A_1943] : memref<1000000x32xf32, #tpu.memory_space<hbm>> -> memref<1x32xf32, #tpu.memory_space<hbm>>
        %dma_wait3A_1945 = arith.constant 0 : i32
        %dma_wait3A_1946 = tpu.memref_slice %arg9[%add3A_1939, %dma_wait3A_1945] : memref<64x32xf32, #tpu.memory_space<vmem>> -> memref<1x32xf32, #tpu.memory_space<vmem>>
        %dma_wait3A_1947 = arith.constant 0 : i32
        %dma_wait3A_1948 = arith.constant 0 : i32
        %dma_wait3A_1949 = tpu.memref_slice %arg4[%dma_wait3A_1947, %dma_wait3A_1948] : memref<1000000x32xf32, #tpu.memory_space<hbm>> -> memref<1x32xf32, #tpu.memory_space<hbm>>
        tpu.wait_dma2 semaphore(%arg12 : memref<!tpu.dma_semaphore, #tpu.memory_space<semaphore_mem>>) src(%dma_wait3A_1949 : memref<1x32xf32, #tpu.memory_space<hbm>>) dst(%dma_wait3A_1946 : memref<1x32xf32, #tpu.memory_space<vmem>>)
        %dma_wait3A_1950 = arith.constant 0 : i32
        %dma_wait3A_1951 = tpu.memref_slice %arg10[%add3A_1939, %dma_wait3A_1950] : memref<64x32xf32, #tpu.memory_space<vmem>> -> memref<1x32xf32, #tpu.memory_space<vmem>>
        %dma_wait3A_1952 = arith.constant 0 : i32
        %dma_wait3A_1953 = arith.constant 0 : i32
        %dma_wait3A_1954 = tpu.memref_slice %arg4[%dma_wait3A_1952, %dma_wait3A_1953] : memref<1000000x32xf32, #tpu.memory_space<hbm>> -> memref<1x32xf32, #tpu.memory_space<hbm>>
        %dma_wait3A_1955 = arith.constant 0 : i32
        %dma_wait3A_1956 = tpu.memref_slice %arg10[%add3A_1939, %dma_wait3A_1955] : memref<64x32xf32, #tpu.memory_space<vmem>> -> memref<1x32xf32, #tpu.memory_space<vmem>>
        %dma_wait3A_1957 = arith.constant 0 : i32
        %dma_wait3A_1958 = arith.constant 0 : i32
        %dma_wait3A_1959 = tpu.memref_slice %arg4[%dma_wait3A_1957, %dma_wait3A_1958] : memref<1000000x32xf32, #tpu.memory_space<hbm>> -> memref<1x32xf32, #tpu.memory_space<hbm>>
        tpu.wait_dma2 semaphore(%arg12 : memref<!tpu.dma_semaphore, #tpu.memory_space<semaphore_mem>>) src(%dma_wait3A_1959 : memref<1x32xf32, #tpu.memory_space<hbm>>) dst(%dma_wait3A_1956 : memref<1x32xf32, #tpu.memory_space<vmem>>)
        %mul3A_1960 = arith.constant 16 : i32
        %mul3A_1961 = arith.muli %and3A_1575, %mul3A_1960 : i32
        %add3A_1962 = vector.broadcast %mul3A_1961 : i32 to vector<16xi32>
        %add3A_1963 = arith.addi %add3A_1962, %iota3A : vector<16xi32>
        %broadcast_in_dim3A_1964 = arith.constant 0.000000e+00 : f32
        %broadcast_in_dim3A_1965 = vector.broadcast %broadcast_in_dim3A_1964 : f32 to vector<16xf32>
        %broadcast_in_dim3A_1966 = arith.constant 0 : i32
        %broadcast_in_dim3A_1967 = vector.broadcast %broadcast_in_dim3A_1966 : i32 to vector<16xi32>
        %gather3A_1968 = tpu.vector_load_idx %arg9[%add3A_1963, %broadcast_in_dim3A_1967] : memref<64x32xf32, #tpu.memory_space<vmem>>[vector<16xi32>, vector<16xi32>], vector<16xf32>,
        %gather3A_1969 = tpu.vector_load_idx %arg10[%add3A_1963, %broadcast_in_dim3A_1967] : memref<64x32xf32, #tpu.memory_space<vmem>>[vector<16xi32>, vector<16xi32>], vector<16xf32>,
        %mul3A_1970 = arith.mulf %gather3A_1968, %gather3A_1969 : vector<16xf32>
        %add3A_1971 = arith.addf %broadcast_in_dim3A_1965, %mul3A_1970 : vector<16xf32>
        %broadcast_in_dim3A_1972 = arith.constant 1 : i32
        %broadcast_in_dim3A_1973 = vector.broadcast %broadcast_in_dim3A_1972 : i32 to vector<16xi32>
        %gather3A_1974 = tpu.vector_load_idx %arg9[%add3A_1963, %broadcast_in_dim3A_1973] : memref<64x32xf32, #tpu.memory_space<vmem>>[vector<16xi32>, vector<16xi32>], vector<16xf32>,
        %gather3A_1975 = tpu.vector_load_idx %arg10[%add3A_1963, %broadcast_in_dim3A_1973] : memref<64x32xf32, #tpu.memory_space<vmem>>[vector<16xi32>, vector<16xi32>], vector<16xf32>,
        %mul3A_1976 = arith.mulf %gather3A_1974, %gather3A_1975 : vector<16xf32>
        %add3A_1977 = arith.addf %add3A_1971, %mul3A_1976 : vector<16xf32>
        %broadcast_in_dim3A_1978 = arith.constant 2 : i32
        %broadcast_in_dim3A_1979 = vector.broadcast %broadcast_in_dim3A_1978 : i32 to vector<16xi32>
        %gather3A_1980 = tpu.vector_load_idx %arg9[%add3A_1963, %broadcast_in_dim3A_1979] : memref<64x32xf32, #tpu.memory_space<vmem>>[vector<16xi32>, vector<16xi32>], vector<16xf32>,
        %gather3A_1981 = tpu.vector_load_idx %arg10[%add3A_1963, %broadcast_in_dim3A_1979] : memref<64x32xf32, #tpu.memory_space<vmem>>[vector<16xi32>, vector<16xi32>], vector<16xf32>,
        %mul3A_1982 = arith.mulf %gather3A_1980, %gather3A_1981 : vector<16xf32>
        %add3A_1983 = arith.addf %add3A_1977, %mul3A_1982 : vector<16xf32>
        %broadcast_in_dim3A_1984 = arith.constant 3 : i32
        %broadcast_in_dim3A_1985 = vector.broadcast %broadcast_in_dim3A_1984 : i32 to vector<16xi32>
        %gather3A_1986 = tpu.vector_load_idx %arg9[%add3A_1963, %broadcast_in_dim3A_1985] : memref<64x32xf32, #tpu.memory_space<vmem>>[vector<16xi32>, vector<16xi32>], vector<16xf32>,
        %gather3A_1987 = tpu.vector_load_idx %arg10[%add3A_1963, %broadcast_in_dim3A_1985] : memref<64x32xf32, #tpu.memory_space<vmem>>[vector<16xi32>, vector<16xi32>], vector<16xf32>,
        %mul3A_1988 = arith.mulf %gather3A_1986, %gather3A_1987 : vector<16xf32>
        %add3A_1989 = arith.addf %add3A_1983, %mul3A_1988 : vector<16xf32>
        %broadcast_in_dim3A_1990 = arith.constant 4 : i32
        %broadcast_in_dim3A_1991 = vector.broadcast %broadcast_in_dim3A_1990 : i32 to vector<16xi32>
        %gather3A_1992 = tpu.vector_load_idx %arg9[%add3A_1963, %broadcast_in_dim3A_1991] : memref<64x32xf32, #tpu.memory_space<vmem>>[vector<16xi32>, vector<16xi32>], vector<16xf32>,
        %gather3A_1993 = tpu.vector_load_idx %arg10[%add3A_1963, %broadcast_in_dim3A_1991] : memref<64x32xf32, #tpu.memory_space<vmem>>[vector<16xi32>, vector<16xi32>], vector<16xf32>,
        %mul3A_1994 = arith.mulf %gather3A_1992, %gather3A_1993 : vector<16xf32>
        %add3A_1995 = arith.addf %add3A_1989, %mul3A_1994 : vector<16xf32>
        %broadcast_in_dim3A_1996 = arith.constant 5 : i32
        %broadcast_in_dim3A_1997 = vector.broadcast %broadcast_in_dim3A_1996 : i32 to vector<16xi32>
        %gather3A_1998 = tpu.vector_load_idx %arg9[%add3A_1963, %broadcast_in_dim3A_1997] : memref<64x32xf32, #tpu.memory_space<vmem>>[vector<16xi32>, vector<16xi32>], vector<16xf32>,
        %gather3A_1999 = tpu.vector_load_idx %arg10[%add3A_1963, %broadcast_in_dim3A_1997] : memref<64x32xf32, #tpu.memory_space<vmem>>[vector<16xi32>, vector<16xi32>], vector<16xf32>,
        %mul3A_2000 = arith.mulf %gather3A_1998, %gather3A_1999 : vector<16xf32>
        %add3A_2001 = arith.addf %add3A_1995, %mul3A_2000 : vector<16xf32>
        %broadcast_in_dim3A_2002 = arith.constant 6 : i32
        %broadcast_in_dim3A_2003 = vector.broadcast %broadcast_in_dim3A_2002 : i32 to vector<16xi32>
        %gather3A_2004 = tpu.vector_load_idx %arg9[%add3A_1963, %broadcast_in_dim3A_2003] : memref<64x32xf32, #tpu.memory_space<vmem>>[vector<16xi32>, vector<16xi32>], vector<16xf32>,
        %gather3A_2005 = tpu.vector_load_idx %arg10[%add3A_1963, %broadcast_in_dim3A_2003] : memref<64x32xf32, #tpu.memory_space<vmem>>[vector<16xi32>, vector<16xi32>], vector<16xf32>,
        %mul3A_2006 = arith.mulf %gather3A_2004, %gather3A_2005 : vector<16xf32>
        %add3A_2007 = arith.addf %add3A_2001, %mul3A_2006 : vector<16xf32>
        %broadcast_in_dim3A_2008 = arith.constant 7 : i32
        %broadcast_in_dim3A_2009 = vector.broadcast %broadcast_in_dim3A_2008 : i32 to vector<16xi32>
        %gather3A_2010 = tpu.vector_load_idx %arg9[%add3A_1963, %broadcast_in_dim3A_2009] : memref<64x32xf32, #tpu.memory_space<vmem>>[vector<16xi32>, vector<16xi32>], vector<16xf32>,
        %gather3A_2011 = tpu.vector_load_idx %arg10[%add3A_1963, %broadcast_in_dim3A_2009] : memref<64x32xf32, #tpu.memory_space<vmem>>[vector<16xi32>, vector<16xi32>], vector<16xf32>,
        %mul3A_2012 = arith.mulf %gather3A_2010, %gather3A_2011 : vector<16xf32>
        %add3A_2013 = arith.addf %add3A_2007, %mul3A_2012 : vector<16xf32>
        %broadcast_in_dim3A_2014 = arith.constant 8 : i32
        %broadcast_in_dim3A_2015 = vector.broadcast %broadcast_in_dim3A_2014 : i32 to vector<16xi32>
        %gather3A_2016 = tpu.vector_load_idx %arg9[%add3A_1963, %broadcast_in_dim3A_2015] : memref<64x32xf32, #tpu.memory_space<vmem>>[vector<16xi32>, vector<16xi32>], vector<16xf32>,
        %gather3A_2017 = tpu.vector_load_idx %arg10[%add3A_1963, %broadcast_in_dim3A_2015] : memref<64x32xf32, #tpu.memory_space<vmem>>[vector<16xi32>, vector<16xi32>], vector<16xf32>,
        %mul3A_2018 = arith.mulf %gather3A_2016, %gather3A_2017 : vector<16xf32>
        %add3A_2019 = arith.addf %add3A_2013, %mul3A_2018 : vector<16xf32>
        %broadcast_in_dim3A_2020 = arith.constant 9 : i32
        %broadcast_in_dim3A_2021 = vector.broadcast %broadcast_in_dim3A_2020 : i32 to vector<16xi32>
        %gather3A_2022 = tpu.vector_load_idx %arg9[%add3A_1963, %broadcast_in_dim3A_2021] : memref<64x32xf32, #tpu.memory_space<vmem>>[vector<16xi32>, vector<16xi32>], vector<16xf32>,
        %gather3A_2023 = tpu.vector_load_idx %arg10[%add3A_1963, %broadcast_in_dim3A_2021] : memref<64x32xf32, #tpu.memory_space<vmem>>[vector<16xi32>, vector<16xi32>], vector<16xf32>,
        %mul3A_2024 = arith.mulf %gather3A_2022, %gather3A_2023 : vector<16xf32>
        %add3A_2025 = arith.addf %add3A_2019, %mul3A_2024 : vector<16xf32>
        %broadcast_in_dim3A_2026 = arith.constant 10 : i32
        %broadcast_in_dim3A_2027 = vector.broadcast %broadcast_in_dim3A_2026 : i32 to vector<16xi32>
        %gather3A_2028 = tpu.vector_load_idx %arg9[%add3A_1963, %broadcast_in_dim3A_2027] : memref<64x32xf32, #tpu.memory_space<vmem>>[vector<16xi32>, vector<16xi32>], vector<16xf32>,
        %gather3A_2029 = tpu.vector_load_idx %arg10[%add3A_1963, %broadcast_in_dim3A_2027] : memref<64x32xf32, #tpu.memory_space<vmem>>[vector<16xi32>, vector<16xi32>], vector<16xf32>,
        %mul3A_2030 = arith.mulf %gather3A_2028, %gather3A_2029 : vector<16xf32>
        %add3A_2031 = arith.addf %add3A_2025, %mul3A_2030 : vector<16xf32>
        %broadcast_in_dim3A_2032 = arith.constant 11 : i32
        %broadcast_in_dim3A_2033 = vector.broadcast %broadcast_in_dim3A_2032 : i32 to vector<16xi32>
        %gather3A_2034 = tpu.vector_load_idx %arg9[%add3A_1963, %broadcast_in_dim3A_2033] : memref<64x32xf32, #tpu.memory_space<vmem>>[vector<16xi32>, vector<16xi32>], vector<16xf32>,
        %gather3A_2035 = tpu.vector_load_idx %arg10[%add3A_1963, %broadcast_in_dim3A_2033] : memref<64x32xf32, #tpu.memory_space<vmem>>[vector<16xi32>, vector<16xi32>], vector<16xf32>,
        %mul3A_2036 = arith.mulf %gather3A_2034, %gather3A_2035 : vector<16xf32>
        %add3A_2037 = arith.addf %add3A_2031, %mul3A_2036 : vector<16xf32>
        %broadcast_in_dim3A_2038 = arith.constant 12 : i32
        %broadcast_in_dim3A_2039 = vector.broadcast %broadcast_in_dim3A_2038 : i32 to vector<16xi32>
        %gather3A_2040 = tpu.vector_load_idx %arg9[%add3A_1963, %broadcast_in_dim3A_2039] : memref<64x32xf32, #tpu.memory_space<vmem>>[vector<16xi32>, vector<16xi32>], vector<16xf32>,
        %gather3A_2041 = tpu.vector_load_idx %arg10[%add3A_1963, %broadcast_in_dim3A_2039] : memref<64x32xf32, #tpu.memory_space<vmem>>[vector<16xi32>, vector<16xi32>], vector<16xf32>,
        %mul3A_2042 = arith.mulf %gather3A_2040, %gather3A_2041 : vector<16xf32>
        %add3A_2043 = arith.addf %add3A_2037, %mul3A_2042 : vector<16xf32>
        %broadcast_in_dim3A_2044 = arith.constant 13 : i32
        %broadcast_in_dim3A_2045 = vector.broadcast %broadcast_in_dim3A_2044 : i32 to vector<16xi32>
        %gather3A_2046 = tpu.vector_load_idx %arg9[%add3A_1963, %broadcast_in_dim3A_2045] : memref<64x32xf32, #tpu.memory_space<vmem>>[vector<16xi32>, vector<16xi32>], vector<16xf32>,
        %gather3A_2047 = tpu.vector_load_idx %arg10[%add3A_1963, %broadcast_in_dim3A_2045] : memref<64x32xf32, #tpu.memory_space<vmem>>[vector<16xi32>, vector<16xi32>], vector<16xf32>,
        %mul3A_2048 = arith.mulf %gather3A_2046, %gather3A_2047 : vector<16xf32>
        %add3A_2049 = arith.addf %add3A_2043, %mul3A_2048 : vector<16xf32>
        %broadcast_in_dim3A_2050 = arith.constant 14 : i32
        %broadcast_in_dim3A_2051 = vector.broadcast %broadcast_in_dim3A_2050 : i32 to vector<16xi32>
        %gather3A_2052 = tpu.vector_load_idx %arg9[%add3A_1963, %broadcast_in_dim3A_2051] : memref<64x32xf32, #tpu.memory_space<vmem>>[vector<16xi32>, vector<16xi32>], vector<16xf32>,
        %gather3A_2053 = tpu.vector_load_idx %arg10[%add3A_1963, %broadcast_in_dim3A_2051] : memref<64x32xf32, #tpu.memory_space<vmem>>[vector<16xi32>, vector<16xi32>], vector<16xf32>,
        %mul3A_2054 = arith.mulf %gather3A_2052, %gather3A_2053 : vector<16xf32>
        %add3A_2055 = arith.addf %add3A_2049, %mul3A_2054 : vector<16xf32>
        %broadcast_in_dim3A_2056 = arith.constant 15 : i32
        %broadcast_in_dim3A_2057 = vector.broadcast %broadcast_in_dim3A_2056 : i32 to vector<16xi32>
        %gather3A_2058 = tpu.vector_load_idx %arg9[%add3A_1963, %broadcast_in_dim3A_2057] : memref<64x32xf32, #tpu.memory_space<vmem>>[vector<16xi32>, vector<16xi32>], vector<16xf32>,
        %gather3A_2059 = tpu.vector_load_idx %arg10[%add3A_1963, %broadcast_in_dim3A_2057] : memref<64x32xf32, #tpu.memory_space<vmem>>[vector<16xi32>, vector<16xi32>], vector<16xf32>,
        %mul3A_2060 = arith.mulf %gather3A_2058, %gather3A_2059 : vector<16xf32>
        %add3A_2061 = arith.addf %add3A_2055, %mul3A_2060 : vector<16xf32>
        %broadcast_in_dim3A_2062 = arith.constant 16 : i32
        %broadcast_in_dim3A_2063 = vector.broadcast %broadcast_in_dim3A_2062 : i32 to vector<16xi32>
        %gather3A_2064 = tpu.vector_load_idx %arg9[%add3A_1963, %broadcast_in_dim3A_2063] : memref<64x32xf32, #tpu.memory_space<vmem>>[vector<16xi32>, vector<16xi32>], vector<16xf32>,
        %gather3A_2065 = tpu.vector_load_idx %arg10[%add3A_1963, %broadcast_in_dim3A_2063] : memref<64x32xf32, #tpu.memory_space<vmem>>[vector<16xi32>, vector<16xi32>], vector<16xf32>,
        %mul3A_2066 = arith.mulf %gather3A_2064, %gather3A_2065 : vector<16xf32>
        %add3A_2067 = arith.addf %add3A_2061, %mul3A_2066 : vector<16xf32>
        %broadcast_in_dim3A_2068 = arith.constant 17 : i32
        %broadcast_in_dim3A_2069 = vector.broadcast %broadcast_in_dim3A_2068 : i32 to vector<16xi32>
        %gather3A_2070 = tpu.vector_load_idx %arg9[%add3A_1963, %broadcast_in_dim3A_2069] : memref<64x32xf32, #tpu.memory_space<vmem>>[vector<16xi32>, vector<16xi32>], vector<16xf32>,
        %gather3A_2071 = tpu.vector_load_idx %arg10[%add3A_1963, %broadcast_in_dim3A_2069] : memref<64x32xf32, #tpu.memory_space<vmem>>[vector<16xi32>, vector<16xi32>], vector<16xf32>,
        %mul3A_2072 = arith.mulf %gather3A_2070, %gather3A_2071 : vector<16xf32>
        %add3A_2073 = arith.addf %add3A_2067, %mul3A_2072 : vector<16xf32>
        %broadcast_in_dim3A_2074 = arith.constant 18 : i32
        %broadcast_in_dim3A_2075 = vector.broadcast %broadcast_in_dim3A_2074 : i32 to vector<16xi32>
        %gather3A_2076 = tpu.vector_load_idx %arg9[%add3A_1963, %broadcast_in_dim3A_2075] : memref<64x32xf32, #tpu.memory_space<vmem>>[vector<16xi32>, vector<16xi32>], vector<16xf32>,
        %gather3A_2077 = tpu.vector_load_idx %arg10[%add3A_1963, %broadcast_in_dim3A_2075] : memref<64x32xf32, #tpu.memory_space<vmem>>[vector<16xi32>, vector<16xi32>], vector<16xf32>,
        %mul3A_2078 = arith.mulf %gather3A_2076, %gather3A_2077 : vector<16xf32>
        %add3A_2079 = arith.addf %add3A_2073, %mul3A_2078 : vector<16xf32>
        %broadcast_in_dim3A_2080 = arith.constant 19 : i32
        %broadcast_in_dim3A_2081 = vector.broadcast %broadcast_in_dim3A_2080 : i32 to vector<16xi32>
        %gather3A_2082 = tpu.vector_load_idx %arg9[%add3A_1963, %broadcast_in_dim3A_2081] : memref<64x32xf32, #tpu.memory_space<vmem>>[vector<16xi32>, vector<16xi32>], vector<16xf32>,
        %gather3A_2083 = tpu.vector_load_idx %arg10[%add3A_1963, %broadcast_in_dim3A_2081] : memref<64x32xf32, #tpu.memory_space<vmem>>[vector<16xi32>, vector<16xi32>], vector<16xf32>,
        %mul3A_2084 = arith.mulf %gather3A_2082, %gather3A_2083 : vector<16xf32>
        %add3A_2085 = arith.addf %add3A_2079, %mul3A_2084 : vector<16xf32>
        %broadcast_in_dim3A_2086 = arith.constant 20 : i32
        %broadcast_in_dim3A_2087 = vector.broadcast %broadcast_in_dim3A_2086 : i32 to vector<16xi32>
        %gather3A_2088 = tpu.vector_load_idx %arg9[%add3A_1963, %broadcast_in_dim3A_2087] : memref<64x32xf32, #tpu.memory_space<vmem>>[vector<16xi32>, vector<16xi32>], vector<16xf32>,
        %gather3A_2089 = tpu.vector_load_idx %arg10[%add3A_1963, %broadcast_in_dim3A_2087] : memref<64x32xf32, #tpu.memory_space<vmem>>[vector<16xi32>, vector<16xi32>], vector<16xf32>,
        %mul3A_2090 = arith.mulf %gather3A_2088, %gather3A_2089 : vector<16xf32>
        %add3A_2091 = arith.addf %add3A_2085, %mul3A_2090 : vector<16xf32>
        %broadcast_in_dim3A_2092 = arith.constant 21 : i32
        %broadcast_in_dim3A_2093 = vector.broadcast %broadcast_in_dim3A_2092 : i32 to vector<16xi32>
        %gather3A_2094 = tpu.vector_load_idx %arg9[%add3A_1963, %broadcast_in_dim3A_2093] : memref<64x32xf32, #tpu.memory_space<vmem>>[vector<16xi32>, vector<16xi32>], vector<16xf32>,
        %gather3A_2095 = tpu.vector_load_idx %arg10[%add3A_1963, %broadcast_in_dim3A_2093] : memref<64x32xf32, #tpu.memory_space<vmem>>[vector<16xi32>, vector<16xi32>], vector<16xf32>,
        %mul3A_2096 = arith.mulf %gather3A_2094, %gather3A_2095 : vector<16xf32>
        %add3A_2097 = arith.addf %add3A_2091, %mul3A_2096 : vector<16xf32>
        %broadcast_in_dim3A_2098 = arith.constant 22 : i32
        %broadcast_in_dim3A_2099 = vector.broadcast %broadcast_in_dim3A_2098 : i32 to vector<16xi32>
        %gather3A_2100 = tpu.vector_load_idx %arg9[%add3A_1963, %broadcast_in_dim3A_2099] : memref<64x32xf32, #tpu.memory_space<vmem>>[vector<16xi32>, vector<16xi32>], vector<16xf32>,
        %gather3A_2101 = tpu.vector_load_idx %arg10[%add3A_1963, %broadcast_in_dim3A_2099] : memref<64x32xf32, #tpu.memory_space<vmem>>[vector<16xi32>, vector<16xi32>], vector<16xf32>,
        %mul3A_2102 = arith.mulf %gather3A_2100, %gather3A_2101 : vector<16xf32>
        %add3A_2103 = arith.addf %add3A_2097, %mul3A_2102 : vector<16xf32>
        %broadcast_in_dim3A_2104 = arith.constant 23 : i32
        %broadcast_in_dim3A_2105 = vector.broadcast %broadcast_in_dim3A_2104 : i32 to vector<16xi32>
        %gather3A_2106 = tpu.vector_load_idx %arg9[%add3A_1963, %broadcast_in_dim3A_2105] : memref<64x32xf32, #tpu.memory_space<vmem>>[vector<16xi32>, vector<16xi32>], vector<16xf32>,
        %gather3A_2107 = tpu.vector_load_idx %arg10[%add3A_1963, %broadcast_in_dim3A_2105] : memref<64x32xf32, #tpu.memory_space<vmem>>[vector<16xi32>, vector<16xi32>], vector<16xf32>,
        %mul3A_2108 = arith.mulf %gather3A_2106, %gather3A_2107 : vector<16xf32>
        %add3A_2109 = arith.addf %add3A_2103, %mul3A_2108 : vector<16xf32>
        %broadcast_in_dim3A_2110 = arith.constant 24 : i32
        %broadcast_in_dim3A_2111 = vector.broadcast %broadcast_in_dim3A_2110 : i32 to vector<16xi32>
        %gather3A_2112 = tpu.vector_load_idx %arg9[%add3A_1963, %broadcast_in_dim3A_2111] : memref<64x32xf32, #tpu.memory_space<vmem>>[vector<16xi32>, vector<16xi32>], vector<16xf32>,
        %gather3A_2113 = tpu.vector_load_idx %arg10[%add3A_1963, %broadcast_in_dim3A_2111] : memref<64x32xf32, #tpu.memory_space<vmem>>[vector<16xi32>, vector<16xi32>], vector<16xf32>,
        %mul3A_2114 = arith.mulf %gather3A_2112, %gather3A_2113 : vector<16xf32>
        %add3A_2115 = arith.addf %add3A_2109, %mul3A_2114 : vector<16xf32>
        %broadcast_in_dim3A_2116 = arith.constant 25 : i32
        %broadcast_in_dim3A_2117 = vector.broadcast %broadcast_in_dim3A_2116 : i32 to vector<16xi32>
        %gather3A_2118 = tpu.vector_load_idx %arg9[%add3A_1963, %broadcast_in_dim3A_2117] : memref<64x32xf32, #tpu.memory_space<vmem>>[vector<16xi32>, vector<16xi32>], vector<16xf32>,
        %gather3A_2119 = tpu.vector_load_idx %arg10[%add3A_1963, %broadcast_in_dim3A_2117] : memref<64x32xf32, #tpu.memory_space<vmem>>[vector<16xi32>, vector<16xi32>], vector<16xf32>,
        %mul3A_2120 = arith.mulf %gather3A_2118, %gather3A_2119 : vector<16xf32>
        %add3A_2121 = arith.addf %add3A_2115, %mul3A_2120 : vector<16xf32>
        %broadcast_in_dim3A_2122 = arith.constant 26 : i32
        %broadcast_in_dim3A_2123 = vector.broadcast %broadcast_in_dim3A_2122 : i32 to vector<16xi32>
        %gather3A_2124 = tpu.vector_load_idx %arg9[%add3A_1963, %broadcast_in_dim3A_2123] : memref<64x32xf32, #tpu.memory_space<vmem>>[vector<16xi32>, vector<16xi32>], vector<16xf32>,
        %gather3A_2125 = tpu.vector_load_idx %arg10[%add3A_1963, %broadcast_in_dim3A_2123] : memref<64x32xf32, #tpu.memory_space<vmem>>[vector<16xi32>, vector<16xi32>], vector<16xf32>,
        %mul3A_2126 = arith.mulf %gather3A_2124, %gather3A_2125 : vector<16xf32>
        %add3A_2127 = arith.addf %add3A_2121, %mul3A_2126 : vector<16xf32>
        %broadcast_in_dim3A_2128 = arith.constant 27 : i32
        %broadcast_in_dim3A_2129 = vector.broadcast %broadcast_in_dim3A_2128 : i32 to vector<16xi32>
        %gather3A_2130 = tpu.vector_load_idx %arg9[%add3A_1963, %broadcast_in_dim3A_2129] : memref<64x32xf32, #tpu.memory_space<vmem>>[vector<16xi32>, vector<16xi32>], vector<16xf32>,
        %gather3A_2131 = tpu.vector_load_idx %arg10[%add3A_1963, %broadcast_in_dim3A_2129] : memref<64x32xf32, #tpu.memory_space<vmem>>[vector<16xi32>, vector<16xi32>], vector<16xf32>,
        %mul3A_2132 = arith.mulf %gather3A_2130, %gather3A_2131 : vector<16xf32>
        %add3A_2133 = arith.addf %add3A_2127, %mul3A_2132 : vector<16xf32>
        %broadcast_in_dim3A_2134 = arith.constant 28 : i32
        %broadcast_in_dim3A_2135 = vector.broadcast %broadcast_in_dim3A_2134 : i32 to vector<16xi32>
        %gather3A_2136 = tpu.vector_load_idx %arg9[%add3A_1963, %broadcast_in_dim3A_2135] : memref<64x32xf32, #tpu.memory_space<vmem>>[vector<16xi32>, vector<16xi32>], vector<16xf32>,
        %gather3A_2137 = tpu.vector_load_idx %arg10[%add3A_1963, %broadcast_in_dim3A_2135] : memref<64x32xf32, #tpu.memory_space<vmem>>[vector<16xi32>, vector<16xi32>], vector<16xf32>,
        %mul3A_2138 = arith.mulf %gather3A_2136, %gather3A_2137 : vector<16xf32>
        %add3A_2139 = arith.addf %add3A_2133, %mul3A_2138 : vector<16xf32>
        %broadcast_in_dim3A_2140 = arith.constant 29 : i32
        %broadcast_in_dim3A_2141 = vector.broadcast %broadcast_in_dim3A_2140 : i32 to vector<16xi32>
        %gather3A_2142 = tpu.vector_load_idx %arg9[%add3A_1963, %broadcast_in_dim3A_2141] : memref<64x32xf32, #tpu.memory_space<vmem>>[vector<16xi32>, vector<16xi32>], vector<16xf32>,
        %gather3A_2143 = tpu.vector_load_idx %arg10[%add3A_1963, %broadcast_in_dim3A_2141] : memref<64x32xf32, #tpu.memory_space<vmem>>[vector<16xi32>, vector<16xi32>], vector<16xf32>,
        %mul3A_2144 = arith.mulf %gather3A_2142, %gather3A_2143 : vector<16xf32>
        %add3A_2145 = arith.addf %add3A_2139, %mul3A_2144 : vector<16xf32>
        %broadcast_in_dim3A_2146 = arith.constant 30 : i32
        %broadcast_in_dim3A_2147 = vector.broadcast %broadcast_in_dim3A_2146 : i32 to vector<16xi32>
        %gather3A_2148 = tpu.vector_load_idx %arg9[%add3A_1963, %broadcast_in_dim3A_2147] : memref<64x32xf32, #tpu.memory_space<vmem>>[vector<16xi32>, vector<16xi32>], vector<16xf32>,
        %gather3A_2149 = tpu.vector_load_idx %arg10[%add3A_1963, %broadcast_in_dim3A_2147] : memref<64x32xf32, #tpu.memory_space<vmem>>[vector<16xi32>, vector<16xi32>], vector<16xf32>,
        %mul3A_2150 = arith.mulf %gather3A_2148, %gather3A_2149 : vector<16xf32>
        %add3A_2151 = arith.addf %add3A_2145, %mul3A_2150 : vector<16xf32>
        %broadcast_in_dim3A_2152 = arith.constant 31 : i32
        %broadcast_in_dim3A_2153 = vector.broadcast %broadcast_in_dim3A_2152 : i32 to vector<16xi32>
        %gather3A_2154 = tpu.vector_load_idx %arg9[%add3A_1963, %broadcast_in_dim3A_2153] : memref<64x32xf32, #tpu.memory_space<vmem>>[vector<16xi32>, vector<16xi32>], vector<16xf32>,
        %gather3A_2155 = tpu.vector_load_idx %arg10[%add3A_1963, %broadcast_in_dim3A_2153] : memref<64x32xf32, #tpu.memory_space<vmem>>[vector<16xi32>, vector<16xi32>], vector<16xf32>,
        %mul3A_2156 = arith.mulf %gather3A_2154, %gather3A_2155 : vector<16xf32>
        %add3A_2157 = arith.addf %add3A_2151, %mul3A_2156 : vector<16xf32>
        %mul3A_2158 = arith.constant 16 : i32
        %mul3A_2159 = arith.muli %sub3A_1573, %mul3A_2158 : i32
        %add3A_2160 = vector.broadcast %mul3A_2159 : i32 to vector<16xi32>
        %add3A_2161 = arith.addi %add3A_2160, %iota3A : vector<16xi32>
        tpu.vector_store_idx %arg11[%add3A_2161], %add3A_2157 : memref<512xf32, #tpu.memory_space<vmem>>[vector<16xi32>], vector<16xf32>,
      } else {
      }
    }
    %scan3A_7 = arith.constant 32 : i32
    %and3A = arith.constant 30 : i32
    %and3A_8 = arith.constant 3 : i32
    %and3A_9 = arith.andi %and3A, %and3A_8 : i32
    %mul3A_10 = arith.constant 16 : i32
    %mul3A_11 = arith.muli %and3A_9, %mul3A_10 : i32
    %add3A_12 = arith.constant 0 : i32
    %add3A_13 = arith.addi %mul3A_11, %add3A_12 : i32
    %dma_wait3A = arith.constant 0 : i32
    %dma_wait3A_14 = tpu.memref_slice %arg9[%add3A_13, %dma_wait3A] : memref<64x32xf32, #tpu.memory_space<vmem>> -> memref<1x32xf32, #tpu.memory_space<vmem>>
    %dma_wait3A_15 = arith.constant 0 : i32
    %dma_wait3A_16 = arith.constant 0 : i32
    %dma_wait3A_17 = tpu.memref_slice %arg4[%dma_wait3A_15, %dma_wait3A_16] : memref<1000000x32xf32, #tpu.memory_space<hbm>> -> memref<1x32xf32, #tpu.memory_space<hbm>>
    %dma_wait3A_18 = arith.constant 0 : i32
    %dma_wait3A_19 = tpu.memref_slice %arg9[%add3A_13, %dma_wait3A_18] : memref<64x32xf32, #tpu.memory_space<vmem>> -> memref<1x32xf32, #tpu.memory_space<vmem>>
    %dma_wait3A_20 = arith.constant 0 : i32
    %dma_wait3A_21 = arith.constant 0 : i32
    %dma_wait3A_22 = tpu.memref_slice %arg4[%dma_wait3A_20, %dma_wait3A_21] : memref<1000000x32xf32, #tpu.memory_space<hbm>> -> memref<1x32xf32, #tpu.memory_space<hbm>>
    tpu.wait_dma2 semaphore(%arg12 : memref<!tpu.dma_semaphore, #tpu.memory_space<semaphore_mem>>) src(%dma_wait3A_22 : memref<1x32xf32, #tpu.memory_space<hbm>>) dst(%dma_wait3A_19 : memref<1x32xf32, #tpu.memory_space<vmem>>)
    %dma_wait3A_23 = arith.constant 0 : i32
    %dma_wait3A_24 = tpu.memref_slice %arg10[%add3A_13, %dma_wait3A_23] : memref<64x32xf32, #tpu.memory_space<vmem>> -> memref<1x32xf32, #tpu.memory_space<vmem>>
    %dma_wait3A_25 = arith.constant 0 : i32
    %dma_wait3A_26 = arith.constant 0 : i32
    %dma_wait3A_27 = tpu.memref_slice %arg4[%dma_wait3A_25, %dma_wait3A_26] : memref<1000000x32xf32, #tpu.memory_space<hbm>> -> memref<1x32xf32, #tpu.memory_space<hbm>>
    %dma_wait3A_28 = arith.constant 0 : i32
    %dma_wait3A_29 = tpu.memref_slice %arg10[%add3A_13, %dma_wait3A_28] : memref<64x32xf32, #tpu.memory_space<vmem>> -> memref<1x32xf32, #tpu.memory_space<vmem>>
    %dma_wait3A_30 = arith.constant 0 : i32
    %dma_wait3A_31 = arith.constant 0 : i32
    %dma_wait3A_32 = tpu.memref_slice %arg4[%dma_wait3A_30, %dma_wait3A_31] : memref<1000000x32xf32, #tpu.memory_space<hbm>> -> memref<1x32xf32, #tpu.memory_space<hbm>>
    tpu.wait_dma2 semaphore(%arg12 : memref<!tpu.dma_semaphore, #tpu.memory_space<semaphore_mem>>) src(%dma_wait3A_32 : memref<1x32xf32, #tpu.memory_space<hbm>>) dst(%dma_wait3A_29 : memref<1x32xf32, #tpu.memory_space<vmem>>)
    %mul3A_33 = arith.constant 16 : i32
    %mul3A_34 = arith.muli %and3A_9, %mul3A_33 : i32
    %add3A_35 = arith.constant 1 : i32
    %add3A_36 = arith.addi %mul3A_34, %add3A_35 : i32
    %dma_wait3A_37 = arith.constant 0 : i32
    %dma_wait3A_38 = tpu.memref_slice %arg9[%add3A_36, %dma_wait3A_37] : memref<64x32xf32, #tpu.memory_space<vmem>> -> memref<1x32xf32, #tpu.memory_space<vmem>>
    %dma_wait3A_39 = arith.constant 0 : i32
    %dma_wait3A_40 = arith.constant 0 : i32
    %dma_wait3A_41 = tpu.memref_slice %arg4[%dma_wait3A_39, %dma_wait3A_40] : memref<1000000x32xf32, #tpu.memory_space<hbm>> -> memref<1x32xf32, #tpu.memory_space<hbm>>
    %dma_wait3A_42 = arith.constant 0 : i32
    %dma_wait3A_43 = tpu.memref_slice %arg9[%add3A_36, %dma_wait3A_42] : memref<64x32xf32, #tpu.memory_space<vmem>> -> memref<1x32xf32, #tpu.memory_space<vmem>>
    %dma_wait3A_44 = arith.constant 0 : i32
    %dma_wait3A_45 = arith.constant 0 : i32
    %dma_wait3A_46 = tpu.memref_slice %arg4[%dma_wait3A_44, %dma_wait3A_45] : memref<1000000x32xf32, #tpu.memory_space<hbm>> -> memref<1x32xf32, #tpu.memory_space<hbm>>
    tpu.wait_dma2 semaphore(%arg12 : memref<!tpu.dma_semaphore, #tpu.memory_space<semaphore_mem>>) src(%dma_wait3A_46 : memref<1x32xf32, #tpu.memory_space<hbm>>) dst(%dma_wait3A_43 : memref<1x32xf32, #tpu.memory_space<vmem>>)
    %dma_wait3A_47 = arith.constant 0 : i32
    %dma_wait3A_48 = tpu.memref_slice %arg10[%add3A_36, %dma_wait3A_47] : memref<64x32xf32, #tpu.memory_space<vmem>> -> memref<1x32xf32, #tpu.memory_space<vmem>>
    %dma_wait3A_49 = arith.constant 0 : i32
    %dma_wait3A_50 = arith.constant 0 : i32
    %dma_wait3A_51 = tpu.memref_slice %arg4[%dma_wait3A_49, %dma_wait3A_50] : memref<1000000x32xf32, #tpu.memory_space<hbm>> -> memref<1x32xf32, #tpu.memory_space<hbm>>
    %dma_wait3A_52 = arith.constant 0 : i32
    %dma_wait3A_53 = tpu.memref_slice %arg10[%add3A_36, %dma_wait3A_52] : memref<64x32xf32, #tpu.memory_space<vmem>> -> memref<1x32xf32, #tpu.memory_space<vmem>>
    %dma_wait3A_54 = arith.constant 0 : i32
    %dma_wait3A_55 = arith.constant 0 : i32
    %dma_wait3A_56 = tpu.memref_slice %arg4[%dma_wait3A_54, %dma_wait3A_55] : memref<1000000x32xf32, #tpu.memory_space<hbm>> -> memref<1x32xf32, #tpu.memory_space<hbm>>
    tpu.wait_dma2 semaphore(%arg12 : memref<!tpu.dma_semaphore, #tpu.memory_space<semaphore_mem>>) src(%dma_wait3A_56 : memref<1x32xf32, #tpu.memory_space<hbm>>) dst(%dma_wait3A_53 : memref<1x32xf32, #tpu.memory_space<vmem>>)
    %mul3A_57 = arith.constant 16 : i32
    %mul3A_58 = arith.muli %and3A_9, %mul3A_57 : i32
    %add3A_59 = arith.constant 2 : i32
    %add3A_60 = arith.addi %mul3A_58, %add3A_59 : i32
    %dma_wait3A_61 = arith.constant 0 : i32
    %dma_wait3A_62 = tpu.memref_slice %arg9[%add3A_60, %dma_wait3A_61] : memref<64x32xf32, #tpu.memory_space<vmem>> -> memref<1x32xf32, #tpu.memory_space<vmem>>
    %dma_wait3A_63 = arith.constant 0 : i32
    %dma_wait3A_64 = arith.constant 0 : i32
    %dma_wait3A_65 = tpu.memref_slice %arg4[%dma_wait3A_63, %dma_wait3A_64] : memref<1000000x32xf32, #tpu.memory_space<hbm>> -> memref<1x32xf32, #tpu.memory_space<hbm>>
    %dma_wait3A_66 = arith.constant 0 : i32
    %dma_wait3A_67 = tpu.memref_slice %arg9[%add3A_60, %dma_wait3A_66] : memref<64x32xf32, #tpu.memory_space<vmem>> -> memref<1x32xf32, #tpu.memory_space<vmem>>
    %dma_wait3A_68 = arith.constant 0 : i32
    %dma_wait3A_69 = arith.constant 0 : i32
    %dma_wait3A_70 = tpu.memref_slice %arg4[%dma_wait3A_68, %dma_wait3A_69] : memref<1000000x32xf32, #tpu.memory_space<hbm>> -> memref<1x32xf32, #tpu.memory_space<hbm>>
    tpu.wait_dma2 semaphore(%arg12 : memref<!tpu.dma_semaphore, #tpu.memory_space<semaphore_mem>>) src(%dma_wait3A_70 : memref<1x32xf32, #tpu.memory_space<hbm>>) dst(%dma_wait3A_67 : memref<1x32xf32, #tpu.memory_space<vmem>>)
    %dma_wait3A_71 = arith.constant 0 : i32
    %dma_wait3A_72 = tpu.memref_slice %arg10[%add3A_60, %dma_wait3A_71] : memref<64x32xf32, #tpu.memory_space<vmem>> -> memref<1x32xf32, #tpu.memory_space<vmem>>
    %dma_wait3A_73 = arith.constant 0 : i32
    %dma_wait3A_74 = arith.constant 0 : i32
    %dma_wait3A_75 = tpu.memref_slice %arg4[%dma_wait3A_73, %dma_wait3A_74] : memref<1000000x32xf32, #tpu.memory_space<hbm>> -> memref<1x32xf32, #tpu.memory_space<hbm>>
    %dma_wait3A_76 = arith.constant 0 : i32
    %dma_wait3A_77 = tpu.memref_slice %arg10[%add3A_60, %dma_wait3A_76] : memref<64x32xf32, #tpu.memory_space<vmem>> -> memref<1x32xf32, #tpu.memory_space<vmem>>
    %dma_wait3A_78 = arith.constant 0 : i32
    %dma_wait3A_79 = arith.constant 0 : i32
    %dma_wait3A_80 = tpu.memref_slice %arg4[%dma_wait3A_78, %dma_wait3A_79] : memref<1000000x32xf32, #tpu.memory_space<hbm>> -> memref<1x32xf32, #tpu.memory_space<hbm>>
    tpu.wait_dma2 semaphore(%arg12 : memref<!tpu.dma_semaphore, #tpu.memory_space<semaphore_mem>>) src(%dma_wait3A_80 : memref<1x32xf32, #tpu.memory_space<hbm>>) dst(%dma_wait3A_77 : memref<1x32xf32, #tpu.memory_space<vmem>>)
    %mul3A_81 = arith.constant 16 : i32
    %mul3A_82 = arith.muli %and3A_9, %mul3A_81 : i32
    %add3A_83 = arith.constant 3 : i32
    %add3A_84 = arith.addi %mul3A_82, %add3A_83 : i32
    %dma_wait3A_85 = arith.constant 0 : i32
    %dma_wait3A_86 = tpu.memref_slice %arg9[%add3A_84, %dma_wait3A_85] : memref<64x32xf32, #tpu.memory_space<vmem>> -> memref<1x32xf32, #tpu.memory_space<vmem>>
    %dma_wait3A_87 = arith.constant 0 : i32
    %dma_wait3A_88 = arith.constant 0 : i32
    %dma_wait3A_89 = tpu.memref_slice %arg4[%dma_wait3A_87, %dma_wait3A_88] : memref<1000000x32xf32, #tpu.memory_space<hbm>> -> memref<1x32xf32, #tpu.memory_space<hbm>>
    %dma_wait3A_90 = arith.constant 0 : i32
    %dma_wait3A_91 = tpu.memref_slice %arg9[%add3A_84, %dma_wait3A_90] : memref<64x32xf32, #tpu.memory_space<vmem>> -> memref<1x32xf32, #tpu.memory_space<vmem>>
    %dma_wait3A_92 = arith.constant 0 : i32
    %dma_wait3A_93 = arith.constant 0 : i32
    %dma_wait3A_94 = tpu.memref_slice %arg4[%dma_wait3A_92, %dma_wait3A_93] : memref<1000000x32xf32, #tpu.memory_space<hbm>> -> memref<1x32xf32, #tpu.memory_space<hbm>>
    tpu.wait_dma2 semaphore(%arg12 : memref<!tpu.dma_semaphore, #tpu.memory_space<semaphore_mem>>) src(%dma_wait3A_94 : memref<1x32xf32, #tpu.memory_space<hbm>>) dst(%dma_wait3A_91 : memref<1x32xf32, #tpu.memory_space<vmem>>)
    %dma_wait3A_95 = arith.constant 0 : i32
    %dma_wait3A_96 = tpu.memref_slice %arg10[%add3A_84, %dma_wait3A_95] : memref<64x32xf32, #tpu.memory_space<vmem>> -> memref<1x32xf32, #tpu.memory_space<vmem>>
    %dma_wait3A_97 = arith.constant 0 : i32
    %dma_wait3A_98 = arith.constant 0 : i32
    %dma_wait3A_99 = tpu.memref_slice %arg4[%dma_wait3A_97, %dma_wait3A_98] : memref<1000000x32xf32, #tpu.memory_space<hbm>> -> memref<1x32xf32, #tpu.memory_space<hbm>>
    %dma_wait3A_100 = arith.constant 0 : i32
    %dma_wait3A_101 = tpu.memref_slice %arg10[%add3A_84, %dma_wait3A_100] : memref<64x32xf32, #tpu.memory_space<vmem>> -> memref<1x32xf32, #tpu.memory_space<vmem>>
    %dma_wait3A_102 = arith.constant 0 : i32
    %dma_wait3A_103 = arith.constant 0 : i32
    %dma_wait3A_104 = tpu.memref_slice %arg4[%dma_wait3A_102, %dma_wait3A_103] : memref<1000000x32xf32, #tpu.memory_space<hbm>> -> memref<1x32xf32, #tpu.memory_space<hbm>>
    tpu.wait_dma2 semaphore(%arg12 : memref<!tpu.dma_semaphore, #tpu.memory_space<semaphore_mem>>) src(%dma_wait3A_104 : memref<1x32xf32, #tpu.memory_space<hbm>>) dst(%dma_wait3A_101 : memref<1x32xf32, #tpu.memory_space<vmem>>)
    %mul3A_105 = arith.constant 16 : i32
    %mul3A_106 = arith.muli %and3A_9, %mul3A_105 : i32
    %add3A_107 = arith.constant 4 : i32
    %add3A_108 = arith.addi %mul3A_106, %add3A_107 : i32
    %dma_wait3A_109 = arith.constant 0 : i32
    %dma_wait3A_110 = tpu.memref_slice %arg9[%add3A_108, %dma_wait3A_109] : memref<64x32xf32, #tpu.memory_space<vmem>> -> memref<1x32xf32, #tpu.memory_space<vmem>>
    %dma_wait3A_111 = arith.constant 0 : i32
    %dma_wait3A_112 = arith.constant 0 : i32
    %dma_wait3A_113 = tpu.memref_slice %arg4[%dma_wait3A_111, %dma_wait3A_112] : memref<1000000x32xf32, #tpu.memory_space<hbm>> -> memref<1x32xf32, #tpu.memory_space<hbm>>
    %dma_wait3A_114 = arith.constant 0 : i32
    %dma_wait3A_115 = tpu.memref_slice %arg9[%add3A_108, %dma_wait3A_114] : memref<64x32xf32, #tpu.memory_space<vmem>> -> memref<1x32xf32, #tpu.memory_space<vmem>>
    %dma_wait3A_116 = arith.constant 0 : i32
    %dma_wait3A_117 = arith.constant 0 : i32
    %dma_wait3A_118 = tpu.memref_slice %arg4[%dma_wait3A_116, %dma_wait3A_117] : memref<1000000x32xf32, #tpu.memory_space<hbm>> -> memref<1x32xf32, #tpu.memory_space<hbm>>
    tpu.wait_dma2 semaphore(%arg12 : memref<!tpu.dma_semaphore, #tpu.memory_space<semaphore_mem>>) src(%dma_wait3A_118 : memref<1x32xf32, #tpu.memory_space<hbm>>) dst(%dma_wait3A_115 : memref<1x32xf32, #tpu.memory_space<vmem>>)
    %dma_wait3A_119 = arith.constant 0 : i32
    %dma_wait3A_120 = tpu.memref_slice %arg10[%add3A_108, %dma_wait3A_119] : memref<64x32xf32, #tpu.memory_space<vmem>> -> memref<1x32xf32, #tpu.memory_space<vmem>>
    %dma_wait3A_121 = arith.constant 0 : i32
    %dma_wait3A_122 = arith.constant 0 : i32
    %dma_wait3A_123 = tpu.memref_slice %arg4[%dma_wait3A_121, %dma_wait3A_122] : memref<1000000x32xf32, #tpu.memory_space<hbm>> -> memref<1x32xf32, #tpu.memory_space<hbm>>
    %dma_wait3A_124 = arith.constant 0 : i32
    %dma_wait3A_125 = tpu.memref_slice %arg10[%add3A_108, %dma_wait3A_124] : memref<64x32xf32, #tpu.memory_space<vmem>> -> memref<1x32xf32, #tpu.memory_space<vmem>>
    %dma_wait3A_126 = arith.constant 0 : i32
    %dma_wait3A_127 = arith.constant 0 : i32
    %dma_wait3A_128 = tpu.memref_slice %arg4[%dma_wait3A_126, %dma_wait3A_127] : memref<1000000x32xf32, #tpu.memory_space<hbm>> -> memref<1x32xf32, #tpu.memory_space<hbm>>
    tpu.wait_dma2 semaphore(%arg12 : memref<!tpu.dma_semaphore, #tpu.memory_space<semaphore_mem>>) src(%dma_wait3A_128 : memref<1x32xf32, #tpu.memory_space<hbm>>) dst(%dma_wait3A_125 : memref<1x32xf32, #tpu.memory_space<vmem>>)
    %mul3A_129 = arith.constant 16 : i32
    %mul3A_130 = arith.muli %and3A_9, %mul3A_129 : i32
    %add3A_131 = arith.constant 5 : i32
    %add3A_132 = arith.addi %mul3A_130, %add3A_131 : i32
    %dma_wait3A_133 = arith.constant 0 : i32
    %dma_wait3A_134 = tpu.memref_slice %arg9[%add3A_132, %dma_wait3A_133] : memref<64x32xf32, #tpu.memory_space<vmem>> -> memref<1x32xf32, #tpu.memory_space<vmem>>
    %dma_wait3A_135 = arith.constant 0 : i32
    %dma_wait3A_136 = arith.constant 0 : i32
    %dma_wait3A_137 = tpu.memref_slice %arg4[%dma_wait3A_135, %dma_wait3A_136] : memref<1000000x32xf32, #tpu.memory_space<hbm>> -> memref<1x32xf32, #tpu.memory_space<hbm>>
    %dma_wait3A_138 = arith.constant 0 : i32
    %dma_wait3A_139 = tpu.memref_slice %arg9[%add3A_132, %dma_wait3A_138] : memref<64x32xf32, #tpu.memory_space<vmem>> -> memref<1x32xf32, #tpu.memory_space<vmem>>
    %dma_wait3A_140 = arith.constant 0 : i32
    %dma_wait3A_141 = arith.constant 0 : i32
    %dma_wait3A_142 = tpu.memref_slice %arg4[%dma_wait3A_140, %dma_wait3A_141] : memref<1000000x32xf32, #tpu.memory_space<hbm>> -> memref<1x32xf32, #tpu.memory_space<hbm>>
    tpu.wait_dma2 semaphore(%arg12 : memref<!tpu.dma_semaphore, #tpu.memory_space<semaphore_mem>>) src(%dma_wait3A_142 : memref<1x32xf32, #tpu.memory_space<hbm>>) dst(%dma_wait3A_139 : memref<1x32xf32, #tpu.memory_space<vmem>>)
    %dma_wait3A_143 = arith.constant 0 : i32
    %dma_wait3A_144 = tpu.memref_slice %arg10[%add3A_132, %dma_wait3A_143] : memref<64x32xf32, #tpu.memory_space<vmem>> -> memref<1x32xf32, #tpu.memory_space<vmem>>
    %dma_wait3A_145 = arith.constant 0 : i32
    %dma_wait3A_146 = arith.constant 0 : i32
    %dma_wait3A_147 = tpu.memref_slice %arg4[%dma_wait3A_145, %dma_wait3A_146] : memref<1000000x32xf32, #tpu.memory_space<hbm>> -> memref<1x32xf32, #tpu.memory_space<hbm>>
    %dma_wait3A_148 = arith.constant 0 : i32
    %dma_wait3A_149 = tpu.memref_slice %arg10[%add3A_132, %dma_wait3A_148] : memref<64x32xf32, #tpu.memory_space<vmem>> -> memref<1x32xf32, #tpu.memory_space<vmem>>
    %dma_wait3A_150 = arith.constant 0 : i32
    %dma_wait3A_151 = arith.constant 0 : i32
    %dma_wait3A_152 = tpu.memref_slice %arg4[%dma_wait3A_150, %dma_wait3A_151] : memref<1000000x32xf32, #tpu.memory_space<hbm>> -> memref<1x32xf32, #tpu.memory_space<hbm>>
    tpu.wait_dma2 semaphore(%arg12 : memref<!tpu.dma_semaphore, #tpu.memory_space<semaphore_mem>>) src(%dma_wait3A_152 : memref<1x32xf32, #tpu.memory_space<hbm>>) dst(%dma_wait3A_149 : memref<1x32xf32, #tpu.memory_space<vmem>>)
    %mul3A_153 = arith.constant 16 : i32
    %mul3A_154 = arith.muli %and3A_9, %mul3A_153 : i32
    %add3A_155 = arith.constant 6 : i32
    %add3A_156 = arith.addi %mul3A_154, %add3A_155 : i32
    %dma_wait3A_157 = arith.constant 0 : i32
    %dma_wait3A_158 = tpu.memref_slice %arg9[%add3A_156, %dma_wait3A_157] : memref<64x32xf32, #tpu.memory_space<vmem>> -> memref<1x32xf32, #tpu.memory_space<vmem>>
    %dma_wait3A_159 = arith.constant 0 : i32
    %dma_wait3A_160 = arith.constant 0 : i32
    %dma_wait3A_161 = tpu.memref_slice %arg4[%dma_wait3A_159, %dma_wait3A_160] : memref<1000000x32xf32, #tpu.memory_space<hbm>> -> memref<1x32xf32, #tpu.memory_space<hbm>>
    %dma_wait3A_162 = arith.constant 0 : i32
    %dma_wait3A_163 = tpu.memref_slice %arg9[%add3A_156, %dma_wait3A_162] : memref<64x32xf32, #tpu.memory_space<vmem>> -> memref<1x32xf32, #tpu.memory_space<vmem>>
    %dma_wait3A_164 = arith.constant 0 : i32
    %dma_wait3A_165 = arith.constant 0 : i32
    %dma_wait3A_166 = tpu.memref_slice %arg4[%dma_wait3A_164, %dma_wait3A_165] : memref<1000000x32xf32, #tpu.memory_space<hbm>> -> memref<1x32xf32, #tpu.memory_space<hbm>>
    tpu.wait_dma2 semaphore(%arg12 : memref<!tpu.dma_semaphore, #tpu.memory_space<semaphore_mem>>) src(%dma_wait3A_166 : memref<1x32xf32, #tpu.memory_space<hbm>>) dst(%dma_wait3A_163 : memref<1x32xf32, #tpu.memory_space<vmem>>)
    %dma_wait3A_167 = arith.constant 0 : i32
    %dma_wait3A_168 = tpu.memref_slice %arg10[%add3A_156, %dma_wait3A_167] : memref<64x32xf32, #tpu.memory_space<vmem>> -> memref<1x32xf32, #tpu.memory_space<vmem>>
    %dma_wait3A_169 = arith.constant 0 : i32
    %dma_wait3A_170 = arith.constant 0 : i32
    %dma_wait3A_171 = tpu.memref_slice %arg4[%dma_wait3A_169, %dma_wait3A_170] : memref<1000000x32xf32, #tpu.memory_space<hbm>> -> memref<1x32xf32, #tpu.memory_space<hbm>>
    %dma_wait3A_172 = arith.constant 0 : i32
    %dma_wait3A_173 = tpu.memref_slice %arg10[%add3A_156, %dma_wait3A_172] : memref<64x32xf32, #tpu.memory_space<vmem>> -> memref<1x32xf32, #tpu.memory_space<vmem>>
    %dma_wait3A_174 = arith.constant 0 : i32
    %dma_wait3A_175 = arith.constant 0 : i32
    %dma_wait3A_176 = tpu.memref_slice %arg4[%dma_wait3A_174, %dma_wait3A_175] : memref<1000000x32xf32, #tpu.memory_space<hbm>> -> memref<1x32xf32, #tpu.memory_space<hbm>>
    tpu.wait_dma2 semaphore(%arg12 : memref<!tpu.dma_semaphore, #tpu.memory_space<semaphore_mem>>) src(%dma_wait3A_176 : memref<1x32xf32, #tpu.memory_space<hbm>>) dst(%dma_wait3A_173 : memref<1x32xf32, #tpu.memory_space<vmem>>)
    %mul3A_177 = arith.constant 16 : i32
    %mul3A_178 = arith.muli %and3A_9, %mul3A_177 : i32
    %add3A_179 = arith.constant 7 : i32
    %add3A_180 = arith.addi %mul3A_178, %add3A_179 : i32
    %dma_wait3A_181 = arith.constant 0 : i32
    %dma_wait3A_182 = tpu.memref_slice %arg9[%add3A_180, %dma_wait3A_181] : memref<64x32xf32, #tpu.memory_space<vmem>> -> memref<1x32xf32, #tpu.memory_space<vmem>>
    %dma_wait3A_183 = arith.constant 0 : i32
    %dma_wait3A_184 = arith.constant 0 : i32
    %dma_wait3A_185 = tpu.memref_slice %arg4[%dma_wait3A_183, %dma_wait3A_184] : memref<1000000x32xf32, #tpu.memory_space<hbm>> -> memref<1x32xf32, #tpu.memory_space<hbm>>
    %dma_wait3A_186 = arith.constant 0 : i32
    %dma_wait3A_187 = tpu.memref_slice %arg9[%add3A_180, %dma_wait3A_186] : memref<64x32xf32, #tpu.memory_space<vmem>> -> memref<1x32xf32, #tpu.memory_space<vmem>>
    %dma_wait3A_188 = arith.constant 0 : i32
    %dma_wait3A_189 = arith.constant 0 : i32
    %dma_wait3A_190 = tpu.memref_slice %arg4[%dma_wait3A_188, %dma_wait3A_189] : memref<1000000x32xf32, #tpu.memory_space<hbm>> -> memref<1x32xf32, #tpu.memory_space<hbm>>
    tpu.wait_dma2 semaphore(%arg12 : memref<!tpu.dma_semaphore, #tpu.memory_space<semaphore_mem>>) src(%dma_wait3A_190 : memref<1x32xf32, #tpu.memory_space<hbm>>) dst(%dma_wait3A_187 : memref<1x32xf32, #tpu.memory_space<vmem>>)
    %dma_wait3A_191 = arith.constant 0 : i32
    %dma_wait3A_192 = tpu.memref_slice %arg10[%add3A_180, %dma_wait3A_191] : memref<64x32xf32, #tpu.memory_space<vmem>> -> memref<1x32xf32, #tpu.memory_space<vmem>>
    %dma_wait3A_193 = arith.constant 0 : i32
    %dma_wait3A_194 = arith.constant 0 : i32
    %dma_wait3A_195 = tpu.memref_slice %arg4[%dma_wait3A_193, %dma_wait3A_194] : memref<1000000x32xf32, #tpu.memory_space<hbm>> -> memref<1x32xf32, #tpu.memory_space<hbm>>
    %dma_wait3A_196 = arith.constant 0 : i32
    %dma_wait3A_197 = tpu.memref_slice %arg10[%add3A_180, %dma_wait3A_196] : memref<64x32xf32, #tpu.memory_space<vmem>> -> memref<1x32xf32, #tpu.memory_space<vmem>>
    %dma_wait3A_198 = arith.constant 0 : i32
    %dma_wait3A_199 = arith.constant 0 : i32
    %dma_wait3A_200 = tpu.memref_slice %arg4[%dma_wait3A_198, %dma_wait3A_199] : memref<1000000x32xf32, #tpu.memory_space<hbm>> -> memref<1x32xf32, #tpu.memory_space<hbm>>
    tpu.wait_dma2 semaphore(%arg12 : memref<!tpu.dma_semaphore, #tpu.memory_space<semaphore_mem>>) src(%dma_wait3A_200 : memref<1x32xf32, #tpu.memory_space<hbm>>) dst(%dma_wait3A_197 : memref<1x32xf32, #tpu.memory_space<vmem>>)
    %mul3A_201 = arith.constant 16 : i32
    %mul3A_202 = arith.muli %and3A_9, %mul3A_201 : i32
    %add3A_203 = arith.constant 8 : i32
    %add3A_204 = arith.addi %mul3A_202, %add3A_203 : i32
    %dma_wait3A_205 = arith.constant 0 : i32
    %dma_wait3A_206 = tpu.memref_slice %arg9[%add3A_204, %dma_wait3A_205] : memref<64x32xf32, #tpu.memory_space<vmem>> -> memref<1x32xf32, #tpu.memory_space<vmem>>
    %dma_wait3A_207 = arith.constant 0 : i32
    %dma_wait3A_208 = arith.constant 0 : i32
    %dma_wait3A_209 = tpu.memref_slice %arg4[%dma_wait3A_207, %dma_wait3A_208] : memref<1000000x32xf32, #tpu.memory_space<hbm>> -> memref<1x32xf32, #tpu.memory_space<hbm>>
    %dma_wait3A_210 = arith.constant 0 : i32
    %dma_wait3A_211 = tpu.memref_slice %arg9[%add3A_204, %dma_wait3A_210] : memref<64x32xf32, #tpu.memory_space<vmem>> -> memref<1x32xf32, #tpu.memory_space<vmem>>
    %dma_wait3A_212 = arith.constant 0 : i32
    %dma_wait3A_213 = arith.constant 0 : i32
    %dma_wait3A_214 = tpu.memref_slice %arg4[%dma_wait3A_212, %dma_wait3A_213] : memref<1000000x32xf32, #tpu.memory_space<hbm>> -> memref<1x32xf32, #tpu.memory_space<hbm>>
    tpu.wait_dma2 semaphore(%arg12 : memref<!tpu.dma_semaphore, #tpu.memory_space<semaphore_mem>>) src(%dma_wait3A_214 : memref<1x32xf32, #tpu.memory_space<hbm>>) dst(%dma_wait3A_211 : memref<1x32xf32, #tpu.memory_space<vmem>>)
    %dma_wait3A_215 = arith.constant 0 : i32
    %dma_wait3A_216 = tpu.memref_slice %arg10[%add3A_204, %dma_wait3A_215] : memref<64x32xf32, #tpu.memory_space<vmem>> -> memref<1x32xf32, #tpu.memory_space<vmem>>
    %dma_wait3A_217 = arith.constant 0 : i32
    %dma_wait3A_218 = arith.constant 0 : i32
    %dma_wait3A_219 = tpu.memref_slice %arg4[%dma_wait3A_217, %dma_wait3A_218] : memref<1000000x32xf32, #tpu.memory_space<hbm>> -> memref<1x32xf32, #tpu.memory_space<hbm>>
    %dma_wait3A_220 = arith.constant 0 : i32
    %dma_wait3A_221 = tpu.memref_slice %arg10[%add3A_204, %dma_wait3A_220] : memref<64x32xf32, #tpu.memory_space<vmem>> -> memref<1x32xf32, #tpu.memory_space<vmem>>
    %dma_wait3A_222 = arith.constant 0 : i32
    %dma_wait3A_223 = arith.constant 0 : i32
    %dma_wait3A_224 = tpu.memref_slice %arg4[%dma_wait3A_222, %dma_wait3A_223] : memref<1000000x32xf32, #tpu.memory_space<hbm>> -> memref<1x32xf32, #tpu.memory_space<hbm>>
    tpu.wait_dma2 semaphore(%arg12 : memref<!tpu.dma_semaphore, #tpu.memory_space<semaphore_mem>>) src(%dma_wait3A_224 : memref<1x32xf32, #tpu.memory_space<hbm>>) dst(%dma_wait3A_221 : memref<1x32xf32, #tpu.memory_space<vmem>>)
    %mul3A_225 = arith.constant 16 : i32
    %mul3A_226 = arith.muli %and3A_9, %mul3A_225 : i32
    %add3A_227 = arith.constant 9 : i32
    %add3A_228 = arith.addi %mul3A_226, %add3A_227 : i32
    %dma_wait3A_229 = arith.constant 0 : i32
    %dma_wait3A_230 = tpu.memref_slice %arg9[%add3A_228, %dma_wait3A_229] : memref<64x32xf32, #tpu.memory_space<vmem>> -> memref<1x32xf32, #tpu.memory_space<vmem>>
    %dma_wait3A_231 = arith.constant 0 : i32
    %dma_wait3A_232 = arith.constant 0 : i32
    %dma_wait3A_233 = tpu.memref_slice %arg4[%dma_wait3A_231, %dma_wait3A_232] : memref<1000000x32xf32, #tpu.memory_space<hbm>> -> memref<1x32xf32, #tpu.memory_space<hbm>>
    %dma_wait3A_234 = arith.constant 0 : i32
    %dma_wait3A_235 = tpu.memref_slice %arg9[%add3A_228, %dma_wait3A_234] : memref<64x32xf32, #tpu.memory_space<vmem>> -> memref<1x32xf32, #tpu.memory_space<vmem>>
    %dma_wait3A_236 = arith.constant 0 : i32
    %dma_wait3A_237 = arith.constant 0 : i32
    %dma_wait3A_238 = tpu.memref_slice %arg4[%dma_wait3A_236, %dma_wait3A_237] : memref<1000000x32xf32, #tpu.memory_space<hbm>> -> memref<1x32xf32, #tpu.memory_space<hbm>>
    tpu.wait_dma2 semaphore(%arg12 : memref<!tpu.dma_semaphore, #tpu.memory_space<semaphore_mem>>) src(%dma_wait3A_238 : memref<1x32xf32, #tpu.memory_space<hbm>>) dst(%dma_wait3A_235 : memref<1x32xf32, #tpu.memory_space<vmem>>)
    %dma_wait3A_239 = arith.constant 0 : i32
    %dma_wait3A_240 = tpu.memref_slice %arg10[%add3A_228, %dma_wait3A_239] : memref<64x32xf32, #tpu.memory_space<vmem>> -> memref<1x32xf32, #tpu.memory_space<vmem>>
    %dma_wait3A_241 = arith.constant 0 : i32
    %dma_wait3A_242 = arith.constant 0 : i32
    %dma_wait3A_243 = tpu.memref_slice %arg4[%dma_wait3A_241, %dma_wait3A_242] : memref<1000000x32xf32, #tpu.memory_space<hbm>> -> memref<1x32xf32, #tpu.memory_space<hbm>>
    %dma_wait3A_244 = arith.constant 0 : i32
    %dma_wait3A_245 = tpu.memref_slice %arg10[%add3A_228, %dma_wait3A_244] : memref<64x32xf32, #tpu.memory_space<vmem>> -> memref<1x32xf32, #tpu.memory_space<vmem>>
    %dma_wait3A_246 = arith.constant 0 : i32
    %dma_wait3A_247 = arith.constant 0 : i32
    %dma_wait3A_248 = tpu.memref_slice %arg4[%dma_wait3A_246, %dma_wait3A_247] : memref<1000000x32xf32, #tpu.memory_space<hbm>> -> memref<1x32xf32, #tpu.memory_space<hbm>>
    tpu.wait_dma2 semaphore(%arg12 : memref<!tpu.dma_semaphore, #tpu.memory_space<semaphore_mem>>) src(%dma_wait3A_248 : memref<1x32xf32, #tpu.memory_space<hbm>>) dst(%dma_wait3A_245 : memref<1x32xf32, #tpu.memory_space<vmem>>)
    %mul3A_249 = arith.constant 16 : i32
    %mul3A_250 = arith.muli %and3A_9, %mul3A_249 : i32
    %add3A_251 = arith.constant 10 : i32
    %add3A_252 = arith.addi %mul3A_250, %add3A_251 : i32
    %dma_wait3A_253 = arith.constant 0 : i32
    %dma_wait3A_254 = tpu.memref_slice %arg9[%add3A_252, %dma_wait3A_253] : memref<64x32xf32, #tpu.memory_space<vmem>> -> memref<1x32xf32, #tpu.memory_space<vmem>>
    %dma_wait3A_255 = arith.constant 0 : i32
    %dma_wait3A_256 = arith.constant 0 : i32
    %dma_wait3A_257 = tpu.memref_slice %arg4[%dma_wait3A_255, %dma_wait3A_256] : memref<1000000x32xf32, #tpu.memory_space<hbm>> -> memref<1x32xf32, #tpu.memory_space<hbm>>
    %dma_wait3A_258 = arith.constant 0 : i32
    %dma_wait3A_259 = tpu.memref_slice %arg9[%add3A_252, %dma_wait3A_258] : memref<64x32xf32, #tpu.memory_space<vmem>> -> memref<1x32xf32, #tpu.memory_space<vmem>>
    %dma_wait3A_260 = arith.constant 0 : i32
    %dma_wait3A_261 = arith.constant 0 : i32
    %dma_wait3A_262 = tpu.memref_slice %arg4[%dma_wait3A_260, %dma_wait3A_261] : memref<1000000x32xf32, #tpu.memory_space<hbm>> -> memref<1x32xf32, #tpu.memory_space<hbm>>
    tpu.wait_dma2 semaphore(%arg12 : memref<!tpu.dma_semaphore, #tpu.memory_space<semaphore_mem>>) src(%dma_wait3A_262 : memref<1x32xf32, #tpu.memory_space<hbm>>) dst(%dma_wait3A_259 : memref<1x32xf32, #tpu.memory_space<vmem>>)
    %dma_wait3A_263 = arith.constant 0 : i32
    %dma_wait3A_264 = tpu.memref_slice %arg10[%add3A_252, %dma_wait3A_263] : memref<64x32xf32, #tpu.memory_space<vmem>> -> memref<1x32xf32, #tpu.memory_space<vmem>>
    %dma_wait3A_265 = arith.constant 0 : i32
    %dma_wait3A_266 = arith.constant 0 : i32
    %dma_wait3A_267 = tpu.memref_slice %arg4[%dma_wait3A_265, %dma_wait3A_266] : memref<1000000x32xf32, #tpu.memory_space<hbm>> -> memref<1x32xf32, #tpu.memory_space<hbm>>
    %dma_wait3A_268 = arith.constant 0 : i32
    %dma_wait3A_269 = tpu.memref_slice %arg10[%add3A_252, %dma_wait3A_268] : memref<64x32xf32, #tpu.memory_space<vmem>> -> memref<1x32xf32, #tpu.memory_space<vmem>>
    %dma_wait3A_270 = arith.constant 0 : i32
    %dma_wait3A_271 = arith.constant 0 : i32
    %dma_wait3A_272 = tpu.memref_slice %arg4[%dma_wait3A_270, %dma_wait3A_271] : memref<1000000x32xf32, #tpu.memory_space<hbm>> -> memref<1x32xf32, #tpu.memory_space<hbm>>
    tpu.wait_dma2 semaphore(%arg12 : memref<!tpu.dma_semaphore, #tpu.memory_space<semaphore_mem>>) src(%dma_wait3A_272 : memref<1x32xf32, #tpu.memory_space<hbm>>) dst(%dma_wait3A_269 : memref<1x32xf32, #tpu.memory_space<vmem>>)
    %mul3A_273 = arith.constant 16 : i32
    %mul3A_274 = arith.muli %and3A_9, %mul3A_273 : i32
    %add3A_275 = arith.constant 11 : i32
    %add3A_276 = arith.addi %mul3A_274, %add3A_275 : i32
    %dma_wait3A_277 = arith.constant 0 : i32
    %dma_wait3A_278 = tpu.memref_slice %arg9[%add3A_276, %dma_wait3A_277] : memref<64x32xf32, #tpu.memory_space<vmem>> -> memref<1x32xf32, #tpu.memory_space<vmem>>
    %dma_wait3A_279 = arith.constant 0 : i32
    %dma_wait3A_280 = arith.constant 0 : i32
    %dma_wait3A_281 = tpu.memref_slice %arg4[%dma_wait3A_279, %dma_wait3A_280] : memref<1000000x32xf32, #tpu.memory_space<hbm>> -> memref<1x32xf32, #tpu.memory_space<hbm>>
    %dma_wait3A_282 = arith.constant 0 : i32
    %dma_wait3A_283 = tpu.memref_slice %arg9[%add3A_276, %dma_wait3A_282] : memref<64x32xf32, #tpu.memory_space<vmem>> -> memref<1x32xf32, #tpu.memory_space<vmem>>
    %dma_wait3A_284 = arith.constant 0 : i32
    %dma_wait3A_285 = arith.constant 0 : i32
    %dma_wait3A_286 = tpu.memref_slice %arg4[%dma_wait3A_284, %dma_wait3A_285] : memref<1000000x32xf32, #tpu.memory_space<hbm>> -> memref<1x32xf32, #tpu.memory_space<hbm>>
    tpu.wait_dma2 semaphore(%arg12 : memref<!tpu.dma_semaphore, #tpu.memory_space<semaphore_mem>>) src(%dma_wait3A_286 : memref<1x32xf32, #tpu.memory_space<hbm>>) dst(%dma_wait3A_283 : memref<1x32xf32, #tpu.memory_space<vmem>>)
    %dma_wait3A_287 = arith.constant 0 : i32
    %dma_wait3A_288 = tpu.memref_slice %arg10[%add3A_276, %dma_wait3A_287] : memref<64x32xf32, #tpu.memory_space<vmem>> -> memref<1x32xf32, #tpu.memory_space<vmem>>
    %dma_wait3A_289 = arith.constant 0 : i32
    %dma_wait3A_290 = arith.constant 0 : i32
    %dma_wait3A_291 = tpu.memref_slice %arg4[%dma_wait3A_289, %dma_wait3A_290] : memref<1000000x32xf32, #tpu.memory_space<hbm>> -> memref<1x32xf32, #tpu.memory_space<hbm>>
    %dma_wait3A_292 = arith.constant 0 : i32
    %dma_wait3A_293 = tpu.memref_slice %arg10[%add3A_276, %dma_wait3A_292] : memref<64x32xf32, #tpu.memory_space<vmem>> -> memref<1x32xf32, #tpu.memory_space<vmem>>
    %dma_wait3A_294 = arith.constant 0 : i32
    %dma_wait3A_295 = arith.constant 0 : i32
    %dma_wait3A_296 = tpu.memref_slice %arg4[%dma_wait3A_294, %dma_wait3A_295] : memref<1000000x32xf32, #tpu.memory_space<hbm>> -> memref<1x32xf32, #tpu.memory_space<hbm>>
    tpu.wait_dma2 semaphore(%arg12 : memref<!tpu.dma_semaphore, #tpu.memory_space<semaphore_mem>>) src(%dma_wait3A_296 : memref<1x32xf32, #tpu.memory_space<hbm>>) dst(%dma_wait3A_293 : memref<1x32xf32, #tpu.memory_space<vmem>>)
    %mul3A_297 = arith.constant 16 : i32
    %mul3A_298 = arith.muli %and3A_9, %mul3A_297 : i32
    %add3A_299 = arith.constant 12 : i32
    %add3A_300 = arith.addi %mul3A_298, %add3A_299 : i32
    %dma_wait3A_301 = arith.constant 0 : i32
    %dma_wait3A_302 = tpu.memref_slice %arg9[%add3A_300, %dma_wait3A_301] : memref<64x32xf32, #tpu.memory_space<vmem>> -> memref<1x32xf32, #tpu.memory_space<vmem>>
    %dma_wait3A_303 = arith.constant 0 : i32
    %dma_wait3A_304 = arith.constant 0 : i32
    %dma_wait3A_305 = tpu.memref_slice %arg4[%dma_wait3A_303, %dma_wait3A_304] : memref<1000000x32xf32, #tpu.memory_space<hbm>> -> memref<1x32xf32, #tpu.memory_space<hbm>>
    %dma_wait3A_306 = arith.constant 0 : i32
    %dma_wait3A_307 = tpu.memref_slice %arg9[%add3A_300, %dma_wait3A_306] : memref<64x32xf32, #tpu.memory_space<vmem>> -> memref<1x32xf32, #tpu.memory_space<vmem>>
    %dma_wait3A_308 = arith.constant 0 : i32
    %dma_wait3A_309 = arith.constant 0 : i32
    %dma_wait3A_310 = tpu.memref_slice %arg4[%dma_wait3A_308, %dma_wait3A_309] : memref<1000000x32xf32, #tpu.memory_space<hbm>> -> memref<1x32xf32, #tpu.memory_space<hbm>>
    tpu.wait_dma2 semaphore(%arg12 : memref<!tpu.dma_semaphore, #tpu.memory_space<semaphore_mem>>) src(%dma_wait3A_310 : memref<1x32xf32, #tpu.memory_space<hbm>>) dst(%dma_wait3A_307 : memref<1x32xf32, #tpu.memory_space<vmem>>)
    %dma_wait3A_311 = arith.constant 0 : i32
    %dma_wait3A_312 = tpu.memref_slice %arg10[%add3A_300, %dma_wait3A_311] : memref<64x32xf32, #tpu.memory_space<vmem>> -> memref<1x32xf32, #tpu.memory_space<vmem>>
    %dma_wait3A_313 = arith.constant 0 : i32
    %dma_wait3A_314 = arith.constant 0 : i32
    %dma_wait3A_315 = tpu.memref_slice %arg4[%dma_wait3A_313, %dma_wait3A_314] : memref<1000000x32xf32, #tpu.memory_space<hbm>> -> memref<1x32xf32, #tpu.memory_space<hbm>>
    %dma_wait3A_316 = arith.constant 0 : i32
    %dma_wait3A_317 = tpu.memref_slice %arg10[%add3A_300, %dma_wait3A_316] : memref<64x32xf32, #tpu.memory_space<vmem>> -> memref<1x32xf32, #tpu.memory_space<vmem>>
    %dma_wait3A_318 = arith.constant 0 : i32
    %dma_wait3A_319 = arith.constant 0 : i32
    %dma_wait3A_320 = tpu.memref_slice %arg4[%dma_wait3A_318, %dma_wait3A_319] : memref<1000000x32xf32, #tpu.memory_space<hbm>> -> memref<1x32xf32, #tpu.memory_space<hbm>>
    tpu.wait_dma2 semaphore(%arg12 : memref<!tpu.dma_semaphore, #tpu.memory_space<semaphore_mem>>) src(%dma_wait3A_320 : memref<1x32xf32, #tpu.memory_space<hbm>>) dst(%dma_wait3A_317 : memref<1x32xf32, #tpu.memory_space<vmem>>)
    %mul3A_321 = arith.constant 16 : i32
    %mul3A_322 = arith.muli %and3A_9, %mul3A_321 : i32
    %add3A_323 = arith.constant 13 : i32
    %add3A_324 = arith.addi %mul3A_322, %add3A_323 : i32
    %dma_wait3A_325 = arith.constant 0 : i32
    %dma_wait3A_326 = tpu.memref_slice %arg9[%add3A_324, %dma_wait3A_325] : memref<64x32xf32, #tpu.memory_space<vmem>> -> memref<1x32xf32, #tpu.memory_space<vmem>>
    %dma_wait3A_327 = arith.constant 0 : i32
    %dma_wait3A_328 = arith.constant 0 : i32
    %dma_wait3A_329 = tpu.memref_slice %arg4[%dma_wait3A_327, %dma_wait3A_328] : memref<1000000x32xf32, #tpu.memory_space<hbm>> -> memref<1x32xf32, #tpu.memory_space<hbm>>
    %dma_wait3A_330 = arith.constant 0 : i32
    %dma_wait3A_331 = tpu.memref_slice %arg9[%add3A_324, %dma_wait3A_330] : memref<64x32xf32, #tpu.memory_space<vmem>> -> memref<1x32xf32, #tpu.memory_space<vmem>>
    %dma_wait3A_332 = arith.constant 0 : i32
    %dma_wait3A_333 = arith.constant 0 : i32
    %dma_wait3A_334 = tpu.memref_slice %arg4[%dma_wait3A_332, %dma_wait3A_333] : memref<1000000x32xf32, #tpu.memory_space<hbm>> -> memref<1x32xf32, #tpu.memory_space<hbm>>
    tpu.wait_dma2 semaphore(%arg12 : memref<!tpu.dma_semaphore, #tpu.memory_space<semaphore_mem>>) src(%dma_wait3A_334 : memref<1x32xf32, #tpu.memory_space<hbm>>) dst(%dma_wait3A_331 : memref<1x32xf32, #tpu.memory_space<vmem>>)
    %dma_wait3A_335 = arith.constant 0 : i32
    %dma_wait3A_336 = tpu.memref_slice %arg10[%add3A_324, %dma_wait3A_335] : memref<64x32xf32, #tpu.memory_space<vmem>> -> memref<1x32xf32, #tpu.memory_space<vmem>>
    %dma_wait3A_337 = arith.constant 0 : i32
    %dma_wait3A_338 = arith.constant 0 : i32
    %dma_wait3A_339 = tpu.memref_slice %arg4[%dma_wait3A_337, %dma_wait3A_338] : memref<1000000x32xf32, #tpu.memory_space<hbm>> -> memref<1x32xf32, #tpu.memory_space<hbm>>
    %dma_wait3A_340 = arith.constant 0 : i32
    %dma_wait3A_341 = tpu.memref_slice %arg10[%add3A_324, %dma_wait3A_340] : memref<64x32xf32, #tpu.memory_space<vmem>> -> memref<1x32xf32, #tpu.memory_space<vmem>>
    %dma_wait3A_342 = arith.constant 0 : i32
    %dma_wait3A_343 = arith.constant 0 : i32
    %dma_wait3A_344 = tpu.memref_slice %arg4[%dma_wait3A_342, %dma_wait3A_343] : memref<1000000x32xf32, #tpu.memory_space<hbm>> -> memref<1x32xf32, #tpu.memory_space<hbm>>
    tpu.wait_dma2 semaphore(%arg12 : memref<!tpu.dma_semaphore, #tpu.memory_space<semaphore_mem>>) src(%dma_wait3A_344 : memref<1x32xf32, #tpu.memory_space<hbm>>) dst(%dma_wait3A_341 : memref<1x32xf32, #tpu.memory_space<vmem>>)
    %mul3A_345 = arith.constant 16 : i32
    %mul3A_346 = arith.muli %and3A_9, %mul3A_345 : i32
    %add3A_347 = arith.constant 14 : i32
    %add3A_348 = arith.addi %mul3A_346, %add3A_347 : i32
    %dma_wait3A_349 = arith.constant 0 : i32
    %dma_wait3A_350 = tpu.memref_slice %arg9[%add3A_348, %dma_wait3A_349] : memref<64x32xf32, #tpu.memory_space<vmem>> -> memref<1x32xf32, #tpu.memory_space<vmem>>
    %dma_wait3A_351 = arith.constant 0 : i32
    %dma_wait3A_352 = arith.constant 0 : i32
    %dma_wait3A_353 = tpu.memref_slice %arg4[%dma_wait3A_351, %dma_wait3A_352] : memref<1000000x32xf32, #tpu.memory_space<hbm>> -> memref<1x32xf32, #tpu.memory_space<hbm>>
    %dma_wait3A_354 = arith.constant 0 : i32
    %dma_wait3A_355 = tpu.memref_slice %arg9[%add3A_348, %dma_wait3A_354] : memref<64x32xf32, #tpu.memory_space<vmem>> -> memref<1x32xf32, #tpu.memory_space<vmem>>
    %dma_wait3A_356 = arith.constant 0 : i32
    %dma_wait3A_357 = arith.constant 0 : i32
    %dma_wait3A_358 = tpu.memref_slice %arg4[%dma_wait3A_356, %dma_wait3A_357] : memref<1000000x32xf32, #tpu.memory_space<hbm>> -> memref<1x32xf32, #tpu.memory_space<hbm>>
    tpu.wait_dma2 semaphore(%arg12 : memref<!tpu.dma_semaphore, #tpu.memory_space<semaphore_mem>>) src(%dma_wait3A_358 : memref<1x32xf32, #tpu.memory_space<hbm>>) dst(%dma_wait3A_355 : memref<1x32xf32, #tpu.memory_space<vmem>>)
    %dma_wait3A_359 = arith.constant 0 : i32
    %dma_wait3A_360 = tpu.memref_slice %arg10[%add3A_348, %dma_wait3A_359] : memref<64x32xf32, #tpu.memory_space<vmem>> -> memref<1x32xf32, #tpu.memory_space<vmem>>
    %dma_wait3A_361 = arith.constant 0 : i32
    %dma_wait3A_362 = arith.constant 0 : i32
    %dma_wait3A_363 = tpu.memref_slice %arg4[%dma_wait3A_361, %dma_wait3A_362] : memref<1000000x32xf32, #tpu.memory_space<hbm>> -> memref<1x32xf32, #tpu.memory_space<hbm>>
    %dma_wait3A_364 = arith.constant 0 : i32
    %dma_wait3A_365 = tpu.memref_slice %arg10[%add3A_348, %dma_wait3A_364] : memref<64x32xf32, #tpu.memory_space<vmem>> -> memref<1x32xf32, #tpu.memory_space<vmem>>
    %dma_wait3A_366 = arith.constant 0 : i32
    %dma_wait3A_367 = arith.constant 0 : i32
    %dma_wait3A_368 = tpu.memref_slice %arg4[%dma_wait3A_366, %dma_wait3A_367] : memref<1000000x32xf32, #tpu.memory_space<hbm>> -> memref<1x32xf32, #tpu.memory_space<hbm>>
    tpu.wait_dma2 semaphore(%arg12 : memref<!tpu.dma_semaphore, #tpu.memory_space<semaphore_mem>>) src(%dma_wait3A_368 : memref<1x32xf32, #tpu.memory_space<hbm>>) dst(%dma_wait3A_365 : memref<1x32xf32, #tpu.memory_space<vmem>>)
    %mul3A_369 = arith.constant 16 : i32
    %mul3A_370 = arith.muli %and3A_9, %mul3A_369 : i32
    %add3A_371 = arith.constant 15 : i32
    %add3A_372 = arith.addi %mul3A_370, %add3A_371 : i32
    %dma_wait3A_373 = arith.constant 0 : i32
    %dma_wait3A_374 = tpu.memref_slice %arg9[%add3A_372, %dma_wait3A_373] : memref<64x32xf32, #tpu.memory_space<vmem>> -> memref<1x32xf32, #tpu.memory_space<vmem>>
    %dma_wait3A_375 = arith.constant 0 : i32
    %dma_wait3A_376 = arith.constant 0 : i32
    %dma_wait3A_377 = tpu.memref_slice %arg4[%dma_wait3A_375, %dma_wait3A_376] : memref<1000000x32xf32, #tpu.memory_space<hbm>> -> memref<1x32xf32, #tpu.memory_space<hbm>>
    %dma_wait3A_378 = arith.constant 0 : i32
    %dma_wait3A_379 = tpu.memref_slice %arg9[%add3A_372, %dma_wait3A_378] : memref<64x32xf32, #tpu.memory_space<vmem>> -> memref<1x32xf32, #tpu.memory_space<vmem>>
    %dma_wait3A_380 = arith.constant 0 : i32
    %dma_wait3A_381 = arith.constant 0 : i32
    %dma_wait3A_382 = tpu.memref_slice %arg4[%dma_wait3A_380, %dma_wait3A_381] : memref<1000000x32xf32, #tpu.memory_space<hbm>> -> memref<1x32xf32, #tpu.memory_space<hbm>>
    tpu.wait_dma2 semaphore(%arg12 : memref<!tpu.dma_semaphore, #tpu.memory_space<semaphore_mem>>) src(%dma_wait3A_382 : memref<1x32xf32, #tpu.memory_space<hbm>>) dst(%dma_wait3A_379 : memref<1x32xf32, #tpu.memory_space<vmem>>)
    %dma_wait3A_383 = arith.constant 0 : i32
    %dma_wait3A_384 = tpu.memref_slice %arg10[%add3A_372, %dma_wait3A_383] : memref<64x32xf32, #tpu.memory_space<vmem>> -> memref<1x32xf32, #tpu.memory_space<vmem>>
    %dma_wait3A_385 = arith.constant 0 : i32
    %dma_wait3A_386 = arith.constant 0 : i32
    %dma_wait3A_387 = tpu.memref_slice %arg4[%dma_wait3A_385, %dma_wait3A_386] : memref<1000000x32xf32, #tpu.memory_space<hbm>> -> memref<1x32xf32, #tpu.memory_space<hbm>>
    %dma_wait3A_388 = arith.constant 0 : i32
    %dma_wait3A_389 = tpu.memref_slice %arg10[%add3A_372, %dma_wait3A_388] : memref<64x32xf32, #tpu.memory_space<vmem>> -> memref<1x32xf32, #tpu.memory_space<vmem>>
    %dma_wait3A_390 = arith.constant 0 : i32
    %dma_wait3A_391 = arith.constant 0 : i32
    %dma_wait3A_392 = tpu.memref_slice %arg4[%dma_wait3A_390, %dma_wait3A_391] : memref<1000000x32xf32, #tpu.memory_space<hbm>> -> memref<1x32xf32, #tpu.memory_space<hbm>>
    tpu.wait_dma2 semaphore(%arg12 : memref<!tpu.dma_semaphore, #tpu.memory_space<semaphore_mem>>) src(%dma_wait3A_392 : memref<1x32xf32, #tpu.memory_space<hbm>>) dst(%dma_wait3A_389 : memref<1x32xf32, #tpu.memory_space<vmem>>)
    %mul3A_393 = arith.constant 16 : i32
    %mul3A_394 = arith.muli %and3A_9, %mul3A_393 : i32
    %add3A_395 = vector.broadcast %mul3A_394 : i32 to vector<16xi32>
    %add3A_396 = arith.addi %add3A_395, %iota3A : vector<16xi32>
    %broadcast_in_dim3A = arith.constant 0.000000e+00 : f32
    %broadcast_in_dim3A_397 = vector.broadcast %broadcast_in_dim3A : f32 to vector<16xf32>
    %broadcast_in_dim3A_398 = arith.constant 0 : i32
    %broadcast_in_dim3A_399 = vector.broadcast %broadcast_in_dim3A_398 : i32 to vector<16xi32>
    %gather3A = tpu.vector_load_idx %arg9[%add3A_396, %broadcast_in_dim3A_399] : memref<64x32xf32, #tpu.memory_space<vmem>>[vector<16xi32>, vector<16xi32>], vector<16xf32>,
    %gather3A_400 = tpu.vector_load_idx %arg10[%add3A_396, %broadcast_in_dim3A_399] : memref<64x32xf32, #tpu.memory_space<vmem>>[vector<16xi32>, vector<16xi32>], vector<16xf32>,
    %mul3A_401 = arith.mulf %gather3A, %gather3A_400 : vector<16xf32>
    %add3A_402 = arith.addf %broadcast_in_dim3A_397, %mul3A_401 : vector<16xf32>
    %broadcast_in_dim3A_403 = arith.constant 1 : i32
    %broadcast_in_dim3A_404 = vector.broadcast %broadcast_in_dim3A_403 : i32 to vector<16xi32>
    %gather3A_405 = tpu.vector_load_idx %arg9[%add3A_396, %broadcast_in_dim3A_404] : memref<64x32xf32, #tpu.memory_space<vmem>>[vector<16xi32>, vector<16xi32>], vector<16xf32>,
    %gather3A_406 = tpu.vector_load_idx %arg10[%add3A_396, %broadcast_in_dim3A_404] : memref<64x32xf32, #tpu.memory_space<vmem>>[vector<16xi32>, vector<16xi32>], vector<16xf32>,
    %mul3A_407 = arith.mulf %gather3A_405, %gather3A_406 : vector<16xf32>
    %add3A_408 = arith.addf %add3A_402, %mul3A_407 : vector<16xf32>
    %broadcast_in_dim3A_409 = arith.constant 2 : i32
    %broadcast_in_dim3A_410 = vector.broadcast %broadcast_in_dim3A_409 : i32 to vector<16xi32>
    %gather3A_411 = tpu.vector_load_idx %arg9[%add3A_396, %broadcast_in_dim3A_410] : memref<64x32xf32, #tpu.memory_space<vmem>>[vector<16xi32>, vector<16xi32>], vector<16xf32>,
    %gather3A_412 = tpu.vector_load_idx %arg10[%add3A_396, %broadcast_in_dim3A_410] : memref<64x32xf32, #tpu.memory_space<vmem>>[vector<16xi32>, vector<16xi32>], vector<16xf32>,
    %mul3A_413 = arith.mulf %gather3A_411, %gather3A_412 : vector<16xf32>
    %add3A_414 = arith.addf %add3A_408, %mul3A_413 : vector<16xf32>
    %broadcast_in_dim3A_415 = arith.constant 3 : i32
    %broadcast_in_dim3A_416 = vector.broadcast %broadcast_in_dim3A_415 : i32 to vector<16xi32>
    %gather3A_417 = tpu.vector_load_idx %arg9[%add3A_396, %broadcast_in_dim3A_416] : memref<64x32xf32, #tpu.memory_space<vmem>>[vector<16xi32>, vector<16xi32>], vector<16xf32>,
    %gather3A_418 = tpu.vector_load_idx %arg10[%add3A_396, %broadcast_in_dim3A_416] : memref<64x32xf32, #tpu.memory_space<vmem>>[vector<16xi32>, vector<16xi32>], vector<16xf32>,
    %mul3A_419 = arith.mulf %gather3A_417, %gather3A_418 : vector<16xf32>
    %add3A_420 = arith.addf %add3A_414, %mul3A_419 : vector<16xf32>
    %broadcast_in_dim3A_421 = arith.constant 4 : i32
    %broadcast_in_dim3A_422 = vector.broadcast %broadcast_in_dim3A_421 : i32 to vector<16xi32>
    %gather3A_423 = tpu.vector_load_idx %arg9[%add3A_396, %broadcast_in_dim3A_422] : memref<64x32xf32, #tpu.memory_space<vmem>>[vector<16xi32>, vector<16xi32>], vector<16xf32>,
    %gather3A_424 = tpu.vector_load_idx %arg10[%add3A_396, %broadcast_in_dim3A_422] : memref<64x32xf32, #tpu.memory_space<vmem>>[vector<16xi32>, vector<16xi32>], vector<16xf32>,
    %mul3A_425 = arith.mulf %gather3A_423, %gather3A_424 : vector<16xf32>
    %add3A_426 = arith.addf %add3A_420, %mul3A_425 : vector<16xf32>
    %broadcast_in_dim3A_427 = arith.constant 5 : i32
    %broadcast_in_dim3A_428 = vector.broadcast %broadcast_in_dim3A_427 : i32 to vector<16xi32>
    %gather3A_429 = tpu.vector_load_idx %arg9[%add3A_396, %broadcast_in_dim3A_428] : memref<64x32xf32, #tpu.memory_space<vmem>>[vector<16xi32>, vector<16xi32>], vector<16xf32>,
    %gather3A_430 = tpu.vector_load_idx %arg10[%add3A_396, %broadcast_in_dim3A_428] : memref<64x32xf32, #tpu.memory_space<vmem>>[vector<16xi32>, vector<16xi32>], vector<16xf32>,
    %mul3A_431 = arith.mulf %gather3A_429, %gather3A_430 : vector<16xf32>
    %add3A_432 = arith.addf %add3A_426, %mul3A_431 : vector<16xf32>
    %broadcast_in_dim3A_433 = arith.constant 6 : i32
    %broadcast_in_dim3A_434 = vector.broadcast %broadcast_in_dim3A_433 : i32 to vector<16xi32>
    %gather3A_435 = tpu.vector_load_idx %arg9[%add3A_396, %broadcast_in_dim3A_434] : memref<64x32xf32, #tpu.memory_space<vmem>>[vector<16xi32>, vector<16xi32>], vector<16xf32>,
    %gather3A_436 = tpu.vector_load_idx %arg10[%add3A_396, %broadcast_in_dim3A_434] : memref<64x32xf32, #tpu.memory_space<vmem>>[vector<16xi32>, vector<16xi32>], vector<16xf32>,
    %mul3A_437 = arith.mulf %gather3A_435, %gather3A_436 : vector<16xf32>
    %add3A_438 = arith.addf %add3A_432, %mul3A_437 : vector<16xf32>
    %broadcast_in_dim3A_439 = arith.constant 7 : i32
    %broadcast_in_dim3A_440 = vector.broadcast %broadcast_in_dim3A_439 : i32 to vector<16xi32>
    %gather3A_441 = tpu.vector_load_idx %arg9[%add3A_396, %broadcast_in_dim3A_440] : memref<64x32xf32, #tpu.memory_space<vmem>>[vector<16xi32>, vector<16xi32>], vector<16xf32>,
    %gather3A_442 = tpu.vector_load_idx %arg10[%add3A_396, %broadcast_in_dim3A_440] : memref<64x32xf32, #tpu.memory_space<vmem>>[vector<16xi32>, vector<16xi32>], vector<16xf32>,
    %mul3A_443 = arith.mulf %gather3A_441, %gather3A_442 : vector<16xf32>
    %add3A_444 = arith.addf %add3A_438, %mul3A_443 : vector<16xf32>
    %broadcast_in_dim3A_445 = arith.constant 8 : i32
    %broadcast_in_dim3A_446 = vector.broadcast %broadcast_in_dim3A_445 : i32 to vector<16xi32>
    %gather3A_447 = tpu.vector_load_idx %arg9[%add3A_396, %broadcast_in_dim3A_446] : memref<64x32xf32, #tpu.memory_space<vmem>>[vector<16xi32>, vector<16xi32>], vector<16xf32>,
    %gather3A_448 = tpu.vector_load_idx %arg10[%add3A_396, %broadcast_in_dim3A_446] : memref<64x32xf32, #tpu.memory_space<vmem>>[vector<16xi32>, vector<16xi32>], vector<16xf32>,
    %mul3A_449 = arith.mulf %gather3A_447, %gather3A_448 : vector<16xf32>
    %add3A_450 = arith.addf %add3A_444, %mul3A_449 : vector<16xf32>
    %broadcast_in_dim3A_451 = arith.constant 9 : i32
    %broadcast_in_dim3A_452 = vector.broadcast %broadcast_in_dim3A_451 : i32 to vector<16xi32>
    %gather3A_453 = tpu.vector_load_idx %arg9[%add3A_396, %broadcast_in_dim3A_452] : memref<64x32xf32, #tpu.memory_space<vmem>>[vector<16xi32>, vector<16xi32>], vector<16xf32>,
    %gather3A_454 = tpu.vector_load_idx %arg10[%add3A_396, %broadcast_in_dim3A_452] : memref<64x32xf32, #tpu.memory_space<vmem>>[vector<16xi32>, vector<16xi32>], vector<16xf32>,
    %mul3A_455 = arith.mulf %gather3A_453, %gather3A_454 : vector<16xf32>
    %add3A_456 = arith.addf %add3A_450, %mul3A_455 : vector<16xf32>
    %broadcast_in_dim3A_457 = arith.constant 10 : i32
    %broadcast_in_dim3A_458 = vector.broadcast %broadcast_in_dim3A_457 : i32 to vector<16xi32>
    %gather3A_459 = tpu.vector_load_idx %arg9[%add3A_396, %broadcast_in_dim3A_458] : memref<64x32xf32, #tpu.memory_space<vmem>>[vector<16xi32>, vector<16xi32>], vector<16xf32>,
    %gather3A_460 = tpu.vector_load_idx %arg10[%add3A_396, %broadcast_in_dim3A_458] : memref<64x32xf32, #tpu.memory_space<vmem>>[vector<16xi32>, vector<16xi32>], vector<16xf32>,
    %mul3A_461 = arith.mulf %gather3A_459, %gather3A_460 : vector<16xf32>
    %add3A_462 = arith.addf %add3A_456, %mul3A_461 : vector<16xf32>
    %broadcast_in_dim3A_463 = arith.constant 11 : i32
    %broadcast_in_dim3A_464 = vector.broadcast %broadcast_in_dim3A_463 : i32 to vector<16xi32>
    %gather3A_465 = tpu.vector_load_idx %arg9[%add3A_396, %broadcast_in_dim3A_464] : memref<64x32xf32, #tpu.memory_space<vmem>>[vector<16xi32>, vector<16xi32>], vector<16xf32>,
    %gather3A_466 = tpu.vector_load_idx %arg10[%add3A_396, %broadcast_in_dim3A_464] : memref<64x32xf32, #tpu.memory_space<vmem>>[vector<16xi32>, vector<16xi32>], vector<16xf32>,
    %mul3A_467 = arith.mulf %gather3A_465, %gather3A_466 : vector<16xf32>
    %add3A_468 = arith.addf %add3A_462, %mul3A_467 : vector<16xf32>
    %broadcast_in_dim3A_469 = arith.constant 12 : i32
    %broadcast_in_dim3A_470 = vector.broadcast %broadcast_in_dim3A_469 : i32 to vector<16xi32>
    %gather3A_471 = tpu.vector_load_idx %arg9[%add3A_396, %broadcast_in_dim3A_470] : memref<64x32xf32, #tpu.memory_space<vmem>>[vector<16xi32>, vector<16xi32>], vector<16xf32>,
    %gather3A_472 = tpu.vector_load_idx %arg10[%add3A_396, %broadcast_in_dim3A_470] : memref<64x32xf32, #tpu.memory_space<vmem>>[vector<16xi32>, vector<16xi32>], vector<16xf32>,
    %mul3A_473 = arith.mulf %gather3A_471, %gather3A_472 : vector<16xf32>
    %add3A_474 = arith.addf %add3A_468, %mul3A_473 : vector<16xf32>
    %broadcast_in_dim3A_475 = arith.constant 13 : i32
    %broadcast_in_dim3A_476 = vector.broadcast %broadcast_in_dim3A_475 : i32 to vector<16xi32>
    %gather3A_477 = tpu.vector_load_idx %arg9[%add3A_396, %broadcast_in_dim3A_476] : memref<64x32xf32, #tpu.memory_space<vmem>>[vector<16xi32>, vector<16xi32>], vector<16xf32>,
    %gather3A_478 = tpu.vector_load_idx %arg10[%add3A_396, %broadcast_in_dim3A_476] : memref<64x32xf32, #tpu.memory_space<vmem>>[vector<16xi32>, vector<16xi32>], vector<16xf32>,
    %mul3A_479 = arith.mulf %gather3A_477, %gather3A_478 : vector<16xf32>
    %add3A_480 = arith.addf %add3A_474, %mul3A_479 : vector<16xf32>
    %broadcast_in_dim3A_481 = arith.constant 14 : i32
    %broadcast_in_dim3A_482 = vector.broadcast %broadcast_in_dim3A_481 : i32 to vector<16xi32>
    %gather3A_483 = tpu.vector_load_idx %arg9[%add3A_396, %broadcast_in_dim3A_482] : memref<64x32xf32, #tpu.memory_space<vmem>>[vector<16xi32>, vector<16xi32>], vector<16xf32>,
    %gather3A_484 = tpu.vector_load_idx %arg10[%add3A_396, %broadcast_in_dim3A_482] : memref<64x32xf32, #tpu.memory_space<vmem>>[vector<16xi32>, vector<16xi32>], vector<16xf32>,
    %mul3A_485 = arith.mulf %gather3A_483, %gather3A_484 : vector<16xf32>
    %add3A_486 = arith.addf %add3A_480, %mul3A_485 : vector<16xf32>
    %broadcast_in_dim3A_487 = arith.constant 15 : i32
    %broadcast_in_dim3A_488 = vector.broadcast %broadcast_in_dim3A_487 : i32 to vector<16xi32>
    %gather3A_489 = tpu.vector_load_idx %arg9[%add3A_396, %broadcast_in_dim3A_488] : memref<64x32xf32, #tpu.memory_space<vmem>>[vector<16xi32>, vector<16xi32>], vector<16xf32>,
    %gather3A_490 = tpu.vector_load_idx %arg10[%add3A_396, %broadcast_in_dim3A_488] : memref<64x32xf32, #tpu.memory_space<vmem>>[vector<16xi32>, vector<16xi32>], vector<16xf32>,
    %mul3A_491 = arith.mulf %gather3A_489, %gather3A_490 : vector<16xf32>
    %add3A_492 = arith.addf %add3A_486, %mul3A_491 : vector<16xf32>
    %broadcast_in_dim3A_493 = arith.constant 16 : i32
    %broadcast_in_dim3A_494 = vector.broadcast %broadcast_in_dim3A_493 : i32 to vector<16xi32>
    %gather3A_495 = tpu.vector_load_idx %arg9[%add3A_396, %broadcast_in_dim3A_494] : memref<64x32xf32, #tpu.memory_space<vmem>>[vector<16xi32>, vector<16xi32>], vector<16xf32>,
    %gather3A_496 = tpu.vector_load_idx %arg10[%add3A_396, %broadcast_in_dim3A_494] : memref<64x32xf32, #tpu.memory_space<vmem>>[vector<16xi32>, vector<16xi32>], vector<16xf32>,
    %mul3A_497 = arith.mulf %gather3A_495, %gather3A_496 : vector<16xf32>
    %add3A_498 = arith.addf %add3A_492, %mul3A_497 : vector<16xf32>
    %broadcast_in_dim3A_499 = arith.constant 17 : i32
    %broadcast_in_dim3A_500 = vector.broadcast %broadcast_in_dim3A_499 : i32 to vector<16xi32>
    %gather3A_501 = tpu.vector_load_idx %arg9[%add3A_396, %broadcast_in_dim3A_500] : memref<64x32xf32, #tpu.memory_space<vmem>>[vector<16xi32>, vector<16xi32>], vector<16xf32>,
    %gather3A_502 = tpu.vector_load_idx %arg10[%add3A_396, %broadcast_in_dim3A_500] : memref<64x32xf32, #tpu.memory_space<vmem>>[vector<16xi32>, vector<16xi32>], vector<16xf32>,
    %mul3A_503 = arith.mulf %gather3A_501, %gather3A_502 : vector<16xf32>
    %add3A_504 = arith.addf %add3A_498, %mul3A_503 : vector<16xf32>
    %broadcast_in_dim3A_505 = arith.constant 18 : i32
    %broadcast_in_dim3A_506 = vector.broadcast %broadcast_in_dim3A_505 : i32 to vector<16xi32>
    %gather3A_507 = tpu.vector_load_idx %arg9[%add3A_396, %broadcast_in_dim3A_506] : memref<64x32xf32, #tpu.memory_space<vmem>>[vector<16xi32>, vector<16xi32>], vector<16xf32>,
    %gather3A_508 = tpu.vector_load_idx %arg10[%add3A_396, %broadcast_in_dim3A_506] : memref<64x32xf32, #tpu.memory_space<vmem>>[vector<16xi32>, vector<16xi32>], vector<16xf32>,
    %mul3A_509 = arith.mulf %gather3A_507, %gather3A_508 : vector<16xf32>
    %add3A_510 = arith.addf %add3A_504, %mul3A_509 : vector<16xf32>
    %broadcast_in_dim3A_511 = arith.constant 19 : i32
    %broadcast_in_dim3A_512 = vector.broadcast %broadcast_in_dim3A_511 : i32 to vector<16xi32>
    %gather3A_513 = tpu.vector_load_idx %arg9[%add3A_396, %broadcast_in_dim3A_512] : memref<64x32xf32, #tpu.memory_space<vmem>>[vector<16xi32>, vector<16xi32>], vector<16xf32>,
    %gather3A_514 = tpu.vector_load_idx %arg10[%add3A_396, %broadcast_in_dim3A_512] : memref<64x32xf32, #tpu.memory_space<vmem>>[vector<16xi32>, vector<16xi32>], vector<16xf32>,
    %mul3A_515 = arith.mulf %gather3A_513, %gather3A_514 : vector<16xf32>
    %add3A_516 = arith.addf %add3A_510, %mul3A_515 : vector<16xf32>
    %broadcast_in_dim3A_517 = arith.constant 20 : i32
    %broadcast_in_dim3A_518 = vector.broadcast %broadcast_in_dim3A_517 : i32 to vector<16xi32>
    %gather3A_519 = tpu.vector_load_idx %arg9[%add3A_396, %broadcast_in_dim3A_518] : memref<64x32xf32, #tpu.memory_space<vmem>>[vector<16xi32>, vector<16xi32>], vector<16xf32>,
    %gather3A_520 = tpu.vector_load_idx %arg10[%add3A_396, %broadcast_in_dim3A_518] : memref<64x32xf32, #tpu.memory_space<vmem>>[vector<16xi32>, vector<16xi32>], vector<16xf32>,
    %mul3A_521 = arith.mulf %gather3A_519, %gather3A_520 : vector<16xf32>
    %add3A_522 = arith.addf %add3A_516, %mul3A_521 : vector<16xf32>
    %broadcast_in_dim3A_523 = arith.constant 21 : i32
    %broadcast_in_dim3A_524 = vector.broadcast %broadcast_in_dim3A_523 : i32 to vector<16xi32>
    %gather3A_525 = tpu.vector_load_idx %arg9[%add3A_396, %broadcast_in_dim3A_524] : memref<64x32xf32, #tpu.memory_space<vmem>>[vector<16xi32>, vector<16xi32>], vector<16xf32>,
    %gather3A_526 = tpu.vector_load_idx %arg10[%add3A_396, %broadcast_in_dim3A_524] : memref<64x32xf32, #tpu.memory_space<vmem>>[vector<16xi32>, vector<16xi32>], vector<16xf32>,
    %mul3A_527 = arith.mulf %gather3A_525, %gather3A_526 : vector<16xf32>
    %add3A_528 = arith.addf %add3A_522, %mul3A_527 : vector<16xf32>
    %broadcast_in_dim3A_529 = arith.constant 22 : i32
    %broadcast_in_dim3A_530 = vector.broadcast %broadcast_in_dim3A_529 : i32 to vector<16xi32>
    %gather3A_531 = tpu.vector_load_idx %arg9[%add3A_396, %broadcast_in_dim3A_530] : memref<64x32xf32, #tpu.memory_space<vmem>>[vector<16xi32>, vector<16xi32>], vector<16xf32>,
    %gather3A_532 = tpu.vector_load_idx %arg10[%add3A_396, %broadcast_in_dim3A_530] : memref<64x32xf32, #tpu.memory_space<vmem>>[vector<16xi32>, vector<16xi32>], vector<16xf32>,
    %mul3A_533 = arith.mulf %gather3A_531, %gather3A_532 : vector<16xf32>
    %add3A_534 = arith.addf %add3A_528, %mul3A_533 : vector<16xf32>
    %broadcast_in_dim3A_535 = arith.constant 23 : i32
    %broadcast_in_dim3A_536 = vector.broadcast %broadcast_in_dim3A_535 : i32 to vector<16xi32>
    %gather3A_537 = tpu.vector_load_idx %arg9[%add3A_396, %broadcast_in_dim3A_536] : memref<64x32xf32, #tpu.memory_space<vmem>>[vector<16xi32>, vector<16xi32>], vector<16xf32>,
    %gather3A_538 = tpu.vector_load_idx %arg10[%add3A_396, %broadcast_in_dim3A_536] : memref<64x32xf32, #tpu.memory_space<vmem>>[vector<16xi32>, vector<16xi32>], vector<16xf32>,
    %mul3A_539 = arith.mulf %gather3A_537, %gather3A_538 : vector<16xf32>
    %add3A_540 = arith.addf %add3A_534, %mul3A_539 : vector<16xf32>
    %broadcast_in_dim3A_541 = arith.constant 24 : i32
    %broadcast_in_dim3A_542 = vector.broadcast %broadcast_in_dim3A_541 : i32 to vector<16xi32>
    %gather3A_543 = tpu.vector_load_idx %arg9[%add3A_396, %broadcast_in_dim3A_542] : memref<64x32xf32, #tpu.memory_space<vmem>>[vector<16xi32>, vector<16xi32>], vector<16xf32>,
    %gather3A_544 = tpu.vector_load_idx %arg10[%add3A_396, %broadcast_in_dim3A_542] : memref<64x32xf32, #tpu.memory_space<vmem>>[vector<16xi32>, vector<16xi32>], vector<16xf32>,
    %mul3A_545 = arith.mulf %gather3A_543, %gather3A_544 : vector<16xf32>
    %add3A_546 = arith.addf %add3A_540, %mul3A_545 : vector<16xf32>
    %broadcast_in_dim3A_547 = arith.constant 25 : i32
    %broadcast_in_dim3A_548 = vector.broadcast %broadcast_in_dim3A_547 : i32 to vector<16xi32>
    %gather3A_549 = tpu.vector_load_idx %arg9[%add3A_396, %broadcast_in_dim3A_548] : memref<64x32xf32, #tpu.memory_space<vmem>>[vector<16xi32>, vector<16xi32>], vector<16xf32>,
    %gather3A_550 = tpu.vector_load_idx %arg10[%add3A_396, %broadcast_in_dim3A_548] : memref<64x32xf32, #tpu.memory_space<vmem>>[vector<16xi32>, vector<16xi32>], vector<16xf32>,
    %mul3A_551 = arith.mulf %gather3A_549, %gather3A_550 : vector<16xf32>
    %add3A_552 = arith.addf %add3A_546, %mul3A_551 : vector<16xf32>
    %broadcast_in_dim3A_553 = arith.constant 26 : i32
    %broadcast_in_dim3A_554 = vector.broadcast %broadcast_in_dim3A_553 : i32 to vector<16xi32>
    %gather3A_555 = tpu.vector_load_idx %arg9[%add3A_396, %broadcast_in_dim3A_554] : memref<64x32xf32, #tpu.memory_space<vmem>>[vector<16xi32>, vector<16xi32>], vector<16xf32>,
    %gather3A_556 = tpu.vector_load_idx %arg10[%add3A_396, %broadcast_in_dim3A_554] : memref<64x32xf32, #tpu.memory_space<vmem>>[vector<16xi32>, vector<16xi32>], vector<16xf32>,
    %mul3A_557 = arith.mulf %gather3A_555, %gather3A_556 : vector<16xf32>
    %add3A_558 = arith.addf %add3A_552, %mul3A_557 : vector<16xf32>
    %broadcast_in_dim3A_559 = arith.constant 27 : i32
    %broadcast_in_dim3A_560 = vector.broadcast %broadcast_in_dim3A_559 : i32 to vector<16xi32>
    %gather3A_561 = tpu.vector_load_idx %arg9[%add3A_396, %broadcast_in_dim3A_560] : memref<64x32xf32, #tpu.memory_space<vmem>>[vector<16xi32>, vector<16xi32>], vector<16xf32>,
    %gather3A_562 = tpu.vector_load_idx %arg10[%add3A_396, %broadcast_in_dim3A_560] : memref<64x32xf32, #tpu.memory_space<vmem>>[vector<16xi32>, vector<16xi32>], vector<16xf32>,
    %mul3A_563 = arith.mulf %gather3A_561, %gather3A_562 : vector<16xf32>
    %add3A_564 = arith.addf %add3A_558, %mul3A_563 : vector<16xf32>
    %broadcast_in_dim3A_565 = arith.constant 28 : i32
    %broadcast_in_dim3A_566 = vector.broadcast %broadcast_in_dim3A_565 : i32 to vector<16xi32>
    %gather3A_567 = tpu.vector_load_idx %arg9[%add3A_396, %broadcast_in_dim3A_566] : memref<64x32xf32, #tpu.memory_space<vmem>>[vector<16xi32>, vector<16xi32>], vector<16xf32>,
    %gather3A_568 = tpu.vector_load_idx %arg10[%add3A_396, %broadcast_in_dim3A_566] : memref<64x32xf32, #tpu.memory_space<vmem>>[vector<16xi32>, vector<16xi32>], vector<16xf32>,
    %mul3A_569 = arith.mulf %gather3A_567, %gather3A_568 : vector<16xf32>
    %add3A_570 = arith.addf %add3A_564, %mul3A_569 : vector<16xf32>
    %broadcast_in_dim3A_571 = arith.constant 29 : i32
    %broadcast_in_dim3A_572 = vector.broadcast %broadcast_in_dim3A_571 : i32 to vector<16xi32>
    %gather3A_573 = tpu.vector_load_idx %arg9[%add3A_396, %broadcast_in_dim3A_572] : memref<64x32xf32, #tpu.memory_space<vmem>>[vector<16xi32>, vector<16xi32>], vector<16xf32>,
    %gather3A_574 = tpu.vector_load_idx %arg10[%add3A_396, %broadcast_in_dim3A_572] : memref<64x32xf32, #tpu.memory_space<vmem>>[vector<16xi32>, vector<16xi32>], vector<16xf32>,
    %mul3A_575 = arith.mulf %gather3A_573, %gather3A_574 : vector<16xf32>
    %add3A_576 = arith.addf %add3A_570, %mul3A_575 : vector<16xf32>
    %broadcast_in_dim3A_577 = arith.constant 30 : i32
    %broadcast_in_dim3A_578 = vector.broadcast %broadcast_in_dim3A_577 : i32 to vector<16xi32>
    %gather3A_579 = tpu.vector_load_idx %arg9[%add3A_396, %broadcast_in_dim3A_578] : memref<64x32xf32, #tpu.memory_space<vmem>>[vector<16xi32>, vector<16xi32>], vector<16xf32>,
    %gather3A_580 = tpu.vector_load_idx %arg10[%add3A_396, %broadcast_in_dim3A_578] : memref<64x32xf32, #tpu.memory_space<vmem>>[vector<16xi32>, vector<16xi32>], vector<16xf32>,
    %mul3A_581 = arith.mulf %gather3A_579, %gather3A_580 : vector<16xf32>
    %add3A_582 = arith.addf %add3A_576, %mul3A_581 : vector<16xf32>
    %broadcast_in_dim3A_583 = arith.constant 31 : i32
    %broadcast_in_dim3A_584 = vector.broadcast %broadcast_in_dim3A_583 : i32 to vector<16xi32>
    %gather3A_585 = tpu.vector_load_idx %arg9[%add3A_396, %broadcast_in_dim3A_584] : memref<64x32xf32, #tpu.memory_space<vmem>>[vector<16xi32>, vector<16xi32>], vector<16xf32>,
    %gather3A_586 = tpu.vector_load_idx %arg10[%add3A_396, %broadcast_in_dim3A_584] : memref<64x32xf32, #tpu.memory_space<vmem>>[vector<16xi32>, vector<16xi32>], vector<16xf32>,
    %mul3A_587 = arith.mulf %gather3A_585, %gather3A_586 : vector<16xf32>
    %add3A_588 = arith.addf %add3A_582, %mul3A_587 : vector<16xf32>
    %add3A_589 = arith.constant 480 : i32
    %add3A_590 = vector.broadcast %add3A_589 : i32 to vector<16xi32>
    %add3A_591 = arith.addi %add3A_590, %iota3A : vector<16xi32>
    tpu.vector_store_idx %arg11[%add3A_591], %add3A_588 : memref<512xf32, #tpu.memory_space<vmem>>[vector<16xi32>], vector<16xf32>,
    %and3A_592 = arith.constant 31 : i32
    %and3A_593 = arith.constant 3 : i32
    %and3A_594 = arith.andi %and3A_592, %and3A_593 : i32
    %mul3A_595 = arith.constant 16 : i32
    %mul3A_596 = arith.muli %and3A_594, %mul3A_595 : i32
    %add3A_597 = arith.constant 0 : i32
    %add3A_598 = arith.addi %mul3A_596, %add3A_597 : i32
    %dma_wait3A_599 = arith.constant 0 : i32
    %dma_wait3A_600 = tpu.memref_slice %arg9[%add3A_598, %dma_wait3A_599] : memref<64x32xf32, #tpu.memory_space<vmem>> -> memref<1x32xf32, #tpu.memory_space<vmem>>
    %dma_wait3A_601 = arith.constant 0 : i32
    %dma_wait3A_602 = arith.constant 0 : i32
    %dma_wait3A_603 = tpu.memref_slice %arg4[%dma_wait3A_601, %dma_wait3A_602] : memref<1000000x32xf32, #tpu.memory_space<hbm>> -> memref<1x32xf32, #tpu.memory_space<hbm>>
    %dma_wait3A_604 = arith.constant 0 : i32
    %dma_wait3A_605 = tpu.memref_slice %arg9[%add3A_598, %dma_wait3A_604] : memref<64x32xf32, #tpu.memory_space<vmem>> -> memref<1x32xf32, #tpu.memory_space<vmem>>
    %dma_wait3A_606 = arith.constant 0 : i32
    %dma_wait3A_607 = arith.constant 0 : i32
    %dma_wait3A_608 = tpu.memref_slice %arg4[%dma_wait3A_606, %dma_wait3A_607] : memref<1000000x32xf32, #tpu.memory_space<hbm>> -> memref<1x32xf32, #tpu.memory_space<hbm>>
    tpu.wait_dma2 semaphore(%arg12 : memref<!tpu.dma_semaphore, #tpu.memory_space<semaphore_mem>>) src(%dma_wait3A_608 : memref<1x32xf32, #tpu.memory_space<hbm>>) dst(%dma_wait3A_605 : memref<1x32xf32, #tpu.memory_space<vmem>>)
    %dma_wait3A_609 = arith.constant 0 : i32
    %dma_wait3A_610 = tpu.memref_slice %arg10[%add3A_598, %dma_wait3A_609] : memref<64x32xf32, #tpu.memory_space<vmem>> -> memref<1x32xf32, #tpu.memory_space<vmem>>
    %dma_wait3A_611 = arith.constant 0 : i32
    %dma_wait3A_612 = arith.constant 0 : i32
    %dma_wait3A_613 = tpu.memref_slice %arg4[%dma_wait3A_611, %dma_wait3A_612] : memref<1000000x32xf32, #tpu.memory_space<hbm>> -> memref<1x32xf32, #tpu.memory_space<hbm>>
    %dma_wait3A_614 = arith.constant 0 : i32
    %dma_wait3A_615 = tpu.memref_slice %arg10[%add3A_598, %dma_wait3A_614] : memref<64x32xf32, #tpu.memory_space<vmem>> -> memref<1x32xf32, #tpu.memory_space<vmem>>
    %dma_wait3A_616 = arith.constant 0 : i32
    %dma_wait3A_617 = arith.constant 0 : i32
    %dma_wait3A_618 = tpu.memref_slice %arg4[%dma_wait3A_616, %dma_wait3A_617] : memref<1000000x32xf32, #tpu.memory_space<hbm>> -> memref<1x32xf32, #tpu.memory_space<hbm>>
    tpu.wait_dma2 semaphore(%arg12 : memref<!tpu.dma_semaphore, #tpu.memory_space<semaphore_mem>>) src(%dma_wait3A_618 : memref<1x32xf32, #tpu.memory_space<hbm>>) dst(%dma_wait3A_615 : memref<1x32xf32, #tpu.memory_space<vmem>>)
    %mul3A_619 = arith.constant 16 : i32
    %mul3A_620 = arith.muli %and3A_594, %mul3A_619 : i32
    %add3A_621 = arith.constant 1 : i32
    %add3A_622 = arith.addi %mul3A_620, %add3A_621 : i32
    %dma_wait3A_623 = arith.constant 0 : i32
    %dma_wait3A_624 = tpu.memref_slice %arg9[%add3A_622, %dma_wait3A_623] : memref<64x32xf32, #tpu.memory_space<vmem>> -> memref<1x32xf32, #tpu.memory_space<vmem>>
    %dma_wait3A_625 = arith.constant 0 : i32
    %dma_wait3A_626 = arith.constant 0 : i32
    %dma_wait3A_627 = tpu.memref_slice %arg4[%dma_wait3A_625, %dma_wait3A_626] : memref<1000000x32xf32, #tpu.memory_space<hbm>> -> memref<1x32xf32, #tpu.memory_space<hbm>>
    %dma_wait3A_628 = arith.constant 0 : i32
    %dma_wait3A_629 = tpu.memref_slice %arg9[%add3A_622, %dma_wait3A_628] : memref<64x32xf32, #tpu.memory_space<vmem>> -> memref<1x32xf32, #tpu.memory_space<vmem>>
    %dma_wait3A_630 = arith.constant 0 : i32
    %dma_wait3A_631 = arith.constant 0 : i32
    %dma_wait3A_632 = tpu.memref_slice %arg4[%dma_wait3A_630, %dma_wait3A_631] : memref<1000000x32xf32, #tpu.memory_space<hbm>> -> memref<1x32xf32, #tpu.memory_space<hbm>>
    tpu.wait_dma2 semaphore(%arg12 : memref<!tpu.dma_semaphore, #tpu.memory_space<semaphore_mem>>) src(%dma_wait3A_632 : memref<1x32xf32, #tpu.memory_space<hbm>>) dst(%dma_wait3A_629 : memref<1x32xf32, #tpu.memory_space<vmem>>)
    %dma_wait3A_633 = arith.constant 0 : i32
    %dma_wait3A_634 = tpu.memref_slice %arg10[%add3A_622, %dma_wait3A_633] : memref<64x32xf32, #tpu.memory_space<vmem>> -> memref<1x32xf32, #tpu.memory_space<vmem>>
    %dma_wait3A_635 = arith.constant 0 : i32
    %dma_wait3A_636 = arith.constant 0 : i32
    %dma_wait3A_637 = tpu.memref_slice %arg4[%dma_wait3A_635, %dma_wait3A_636] : memref<1000000x32xf32, #tpu.memory_space<hbm>> -> memref<1x32xf32, #tpu.memory_space<hbm>>
    %dma_wait3A_638 = arith.constant 0 : i32
    %dma_wait3A_639 = tpu.memref_slice %arg10[%add3A_622, %dma_wait3A_638] : memref<64x32xf32, #tpu.memory_space<vmem>> -> memref<1x32xf32, #tpu.memory_space<vmem>>
    %dma_wait3A_640 = arith.constant 0 : i32
    %dma_wait3A_641 = arith.constant 0 : i32
    %dma_wait3A_642 = tpu.memref_slice %arg4[%dma_wait3A_640, %dma_wait3A_641] : memref<1000000x32xf32, #tpu.memory_space<hbm>> -> memref<1x32xf32, #tpu.memory_space<hbm>>
    tpu.wait_dma2 semaphore(%arg12 : memref<!tpu.dma_semaphore, #tpu.memory_space<semaphore_mem>>) src(%dma_wait3A_642 : memref<1x32xf32, #tpu.memory_space<hbm>>) dst(%dma_wait3A_639 : memref<1x32xf32, #tpu.memory_space<vmem>>)
    %mul3A_643 = arith.constant 16 : i32
    %mul3A_644 = arith.muli %and3A_594, %mul3A_643 : i32
    %add3A_645 = arith.constant 2 : i32
    %add3A_646 = arith.addi %mul3A_644, %add3A_645 : i32
    %dma_wait3A_647 = arith.constant 0 : i32
    %dma_wait3A_648 = tpu.memref_slice %arg9[%add3A_646, %dma_wait3A_647] : memref<64x32xf32, #tpu.memory_space<vmem>> -> memref<1x32xf32, #tpu.memory_space<vmem>>
    %dma_wait3A_649 = arith.constant 0 : i32
    %dma_wait3A_650 = arith.constant 0 : i32
    %dma_wait3A_651 = tpu.memref_slice %arg4[%dma_wait3A_649, %dma_wait3A_650] : memref<1000000x32xf32, #tpu.memory_space<hbm>> -> memref<1x32xf32, #tpu.memory_space<hbm>>
    %dma_wait3A_652 = arith.constant 0 : i32
    %dma_wait3A_653 = tpu.memref_slice %arg9[%add3A_646, %dma_wait3A_652] : memref<64x32xf32, #tpu.memory_space<vmem>> -> memref<1x32xf32, #tpu.memory_space<vmem>>
    %dma_wait3A_654 = arith.constant 0 : i32
    %dma_wait3A_655 = arith.constant 0 : i32
    %dma_wait3A_656 = tpu.memref_slice %arg4[%dma_wait3A_654, %dma_wait3A_655] : memref<1000000x32xf32, #tpu.memory_space<hbm>> -> memref<1x32xf32, #tpu.memory_space<hbm>>
    tpu.wait_dma2 semaphore(%arg12 : memref<!tpu.dma_semaphore, #tpu.memory_space<semaphore_mem>>) src(%dma_wait3A_656 : memref<1x32xf32, #tpu.memory_space<hbm>>) dst(%dma_wait3A_653 : memref<1x32xf32, #tpu.memory_space<vmem>>)
    %dma_wait3A_657 = arith.constant 0 : i32
    %dma_wait3A_658 = tpu.memref_slice %arg10[%add3A_646, %dma_wait3A_657] : memref<64x32xf32, #tpu.memory_space<vmem>> -> memref<1x32xf32, #tpu.memory_space<vmem>>
    %dma_wait3A_659 = arith.constant 0 : i32
    %dma_wait3A_660 = arith.constant 0 : i32
    %dma_wait3A_661 = tpu.memref_slice %arg4[%dma_wait3A_659, %dma_wait3A_660] : memref<1000000x32xf32, #tpu.memory_space<hbm>> -> memref<1x32xf32, #tpu.memory_space<hbm>>
    %dma_wait3A_662 = arith.constant 0 : i32
    %dma_wait3A_663 = tpu.memref_slice %arg10[%add3A_646, %dma_wait3A_662] : memref<64x32xf32, #tpu.memory_space<vmem>> -> memref<1x32xf32, #tpu.memory_space<vmem>>
    %dma_wait3A_664 = arith.constant 0 : i32
    %dma_wait3A_665 = arith.constant 0 : i32
    %dma_wait3A_666 = tpu.memref_slice %arg4[%dma_wait3A_664, %dma_wait3A_665] : memref<1000000x32xf32, #tpu.memory_space<hbm>> -> memref<1x32xf32, #tpu.memory_space<hbm>>
    tpu.wait_dma2 semaphore(%arg12 : memref<!tpu.dma_semaphore, #tpu.memory_space<semaphore_mem>>) src(%dma_wait3A_666 : memref<1x32xf32, #tpu.memory_space<hbm>>) dst(%dma_wait3A_663 : memref<1x32xf32, #tpu.memory_space<vmem>>)
    %mul3A_667 = arith.constant 16 : i32
    %mul3A_668 = arith.muli %and3A_594, %mul3A_667 : i32
    %add3A_669 = arith.constant 3 : i32
    %add3A_670 = arith.addi %mul3A_668, %add3A_669 : i32
    %dma_wait3A_671 = arith.constant 0 : i32
    %dma_wait3A_672 = tpu.memref_slice %arg9[%add3A_670, %dma_wait3A_671] : memref<64x32xf32, #tpu.memory_space<vmem>> -> memref<1x32xf32, #tpu.memory_space<vmem>>
    %dma_wait3A_673 = arith.constant 0 : i32
    %dma_wait3A_674 = arith.constant 0 : i32
    %dma_wait3A_675 = tpu.memref_slice %arg4[%dma_wait3A_673, %dma_wait3A_674] : memref<1000000x32xf32, #tpu.memory_space<hbm>> -> memref<1x32xf32, #tpu.memory_space<hbm>>
    %dma_wait3A_676 = arith.constant 0 : i32
    %dma_wait3A_677 = tpu.memref_slice %arg9[%add3A_670, %dma_wait3A_676] : memref<64x32xf32, #tpu.memory_space<vmem>> -> memref<1x32xf32, #tpu.memory_space<vmem>>
    %dma_wait3A_678 = arith.constant 0 : i32
    %dma_wait3A_679 = arith.constant 0 : i32
    %dma_wait3A_680 = tpu.memref_slice %arg4[%dma_wait3A_678, %dma_wait3A_679] : memref<1000000x32xf32, #tpu.memory_space<hbm>> -> memref<1x32xf32, #tpu.memory_space<hbm>>
    tpu.wait_dma2 semaphore(%arg12 : memref<!tpu.dma_semaphore, #tpu.memory_space<semaphore_mem>>) src(%dma_wait3A_680 : memref<1x32xf32, #tpu.memory_space<hbm>>) dst(%dma_wait3A_677 : memref<1x32xf32, #tpu.memory_space<vmem>>)
    %dma_wait3A_681 = arith.constant 0 : i32
    %dma_wait3A_682 = tpu.memref_slice %arg10[%add3A_670, %dma_wait3A_681] : memref<64x32xf32, #tpu.memory_space<vmem>> -> memref<1x32xf32, #tpu.memory_space<vmem>>
    %dma_wait3A_683 = arith.constant 0 : i32
    %dma_wait3A_684 = arith.constant 0 : i32
    %dma_wait3A_685 = tpu.memref_slice %arg4[%dma_wait3A_683, %dma_wait3A_684] : memref<1000000x32xf32, #tpu.memory_space<hbm>> -> memref<1x32xf32, #tpu.memory_space<hbm>>
    %dma_wait3A_686 = arith.constant 0 : i32
    %dma_wait3A_687 = tpu.memref_slice %arg10[%add3A_670, %dma_wait3A_686] : memref<64x32xf32, #tpu.memory_space<vmem>> -> memref<1x32xf32, #tpu.memory_space<vmem>>
    %dma_wait3A_688 = arith.constant 0 : i32
    %dma_wait3A_689 = arith.constant 0 : i32
    %dma_wait3A_690 = tpu.memref_slice %arg4[%dma_wait3A_688, %dma_wait3A_689] : memref<1000000x32xf32, #tpu.memory_space<hbm>> -> memref<1x32xf32, #tpu.memory_space<hbm>>
    tpu.wait_dma2 semaphore(%arg12 : memref<!tpu.dma_semaphore, #tpu.memory_space<semaphore_mem>>) src(%dma_wait3A_690 : memref<1x32xf32, #tpu.memory_space<hbm>>) dst(%dma_wait3A_687 : memref<1x32xf32, #tpu.memory_space<vmem>>)
    %mul3A_691 = arith.constant 16 : i32
    %mul3A_692 = arith.muli %and3A_594, %mul3A_691 : i32
    %add3A_693 = arith.constant 4 : i32
    %add3A_694 = arith.addi %mul3A_692, %add3A_693 : i32
    %dma_wait3A_695 = arith.constant 0 : i32
    %dma_wait3A_696 = tpu.memref_slice %arg9[%add3A_694, %dma_wait3A_695] : memref<64x32xf32, #tpu.memory_space<vmem>> -> memref<1x32xf32, #tpu.memory_space<vmem>>
    %dma_wait3A_697 = arith.constant 0 : i32
    %dma_wait3A_698 = arith.constant 0 : i32
    %dma_wait3A_699 = tpu.memref_slice %arg4[%dma_wait3A_697, %dma_wait3A_698] : memref<1000000x32xf32, #tpu.memory_space<hbm>> -> memref<1x32xf32, #tpu.memory_space<hbm>>
    %dma_wait3A_700 = arith.constant 0 : i32
    %dma_wait3A_701 = tpu.memref_slice %arg9[%add3A_694, %dma_wait3A_700] : memref<64x32xf32, #tpu.memory_space<vmem>> -> memref<1x32xf32, #tpu.memory_space<vmem>>
    %dma_wait3A_702 = arith.constant 0 : i32
    %dma_wait3A_703 = arith.constant 0 : i32
    %dma_wait3A_704 = tpu.memref_slice %arg4[%dma_wait3A_702, %dma_wait3A_703] : memref<1000000x32xf32, #tpu.memory_space<hbm>> -> memref<1x32xf32, #tpu.memory_space<hbm>>
    tpu.wait_dma2 semaphore(%arg12 : memref<!tpu.dma_semaphore, #tpu.memory_space<semaphore_mem>>) src(%dma_wait3A_704 : memref<1x32xf32, #tpu.memory_space<hbm>>) dst(%dma_wait3A_701 : memref<1x32xf32, #tpu.memory_space<vmem>>)
    %dma_wait3A_705 = arith.constant 0 : i32
    %dma_wait3A_706 = tpu.memref_slice %arg10[%add3A_694, %dma_wait3A_705] : memref<64x32xf32, #tpu.memory_space<vmem>> -> memref<1x32xf32, #tpu.memory_space<vmem>>
    %dma_wait3A_707 = arith.constant 0 : i32
    %dma_wait3A_708 = arith.constant 0 : i32
    %dma_wait3A_709 = tpu.memref_slice %arg4[%dma_wait3A_707, %dma_wait3A_708] : memref<1000000x32xf32, #tpu.memory_space<hbm>> -> memref<1x32xf32, #tpu.memory_space<hbm>>
    %dma_wait3A_710 = arith.constant 0 : i32
    %dma_wait3A_711 = tpu.memref_slice %arg10[%add3A_694, %dma_wait3A_710] : memref<64x32xf32, #tpu.memory_space<vmem>> -> memref<1x32xf32, #tpu.memory_space<vmem>>
    %dma_wait3A_712 = arith.constant 0 : i32
    %dma_wait3A_713 = arith.constant 0 : i32
    %dma_wait3A_714 = tpu.memref_slice %arg4[%dma_wait3A_712, %dma_wait3A_713] : memref<1000000x32xf32, #tpu.memory_space<hbm>> -> memref<1x32xf32, #tpu.memory_space<hbm>>
    tpu.wait_dma2 semaphore(%arg12 : memref<!tpu.dma_semaphore, #tpu.memory_space<semaphore_mem>>) src(%dma_wait3A_714 : memref<1x32xf32, #tpu.memory_space<hbm>>) dst(%dma_wait3A_711 : memref<1x32xf32, #tpu.memory_space<vmem>>)
    %mul3A_715 = arith.constant 16 : i32
    %mul3A_716 = arith.muli %and3A_594, %mul3A_715 : i32
    %add3A_717 = arith.constant 5 : i32
    %add3A_718 = arith.addi %mul3A_716, %add3A_717 : i32
    %dma_wait3A_719 = arith.constant 0 : i32
    %dma_wait3A_720 = tpu.memref_slice %arg9[%add3A_718, %dma_wait3A_719] : memref<64x32xf32, #tpu.memory_space<vmem>> -> memref<1x32xf32, #tpu.memory_space<vmem>>
    %dma_wait3A_721 = arith.constant 0 : i32
    %dma_wait3A_722 = arith.constant 0 : i32
    %dma_wait3A_723 = tpu.memref_slice %arg4[%dma_wait3A_721, %dma_wait3A_722] : memref<1000000x32xf32, #tpu.memory_space<hbm>> -> memref<1x32xf32, #tpu.memory_space<hbm>>
    %dma_wait3A_724 = arith.constant 0 : i32
    %dma_wait3A_725 = tpu.memref_slice %arg9[%add3A_718, %dma_wait3A_724] : memref<64x32xf32, #tpu.memory_space<vmem>> -> memref<1x32xf32, #tpu.memory_space<vmem>>
    %dma_wait3A_726 = arith.constant 0 : i32
    %dma_wait3A_727 = arith.constant 0 : i32
    %dma_wait3A_728 = tpu.memref_slice %arg4[%dma_wait3A_726, %dma_wait3A_727] : memref<1000000x32xf32, #tpu.memory_space<hbm>> -> memref<1x32xf32, #tpu.memory_space<hbm>>
    tpu.wait_dma2 semaphore(%arg12 : memref<!tpu.dma_semaphore, #tpu.memory_space<semaphore_mem>>) src(%dma_wait3A_728 : memref<1x32xf32, #tpu.memory_space<hbm>>) dst(%dma_wait3A_725 : memref<1x32xf32, #tpu.memory_space<vmem>>)
    %dma_wait3A_729 = arith.constant 0 : i32
    %dma_wait3A_730 = tpu.memref_slice %arg10[%add3A_718, %dma_wait3A_729] : memref<64x32xf32, #tpu.memory_space<vmem>> -> memref<1x32xf32, #tpu.memory_space<vmem>>
    %dma_wait3A_731 = arith.constant 0 : i32
    %dma_wait3A_732 = arith.constant 0 : i32
    %dma_wait3A_733 = tpu.memref_slice %arg4[%dma_wait3A_731, %dma_wait3A_732] : memref<1000000x32xf32, #tpu.memory_space<hbm>> -> memref<1x32xf32, #tpu.memory_space<hbm>>
    %dma_wait3A_734 = arith.constant 0 : i32
    %dma_wait3A_735 = tpu.memref_slice %arg10[%add3A_718, %dma_wait3A_734] : memref<64x32xf32, #tpu.memory_space<vmem>> -> memref<1x32xf32, #tpu.memory_space<vmem>>
    %dma_wait3A_736 = arith.constant 0 : i32
    %dma_wait3A_737 = arith.constant 0 : i32
    %dma_wait3A_738 = tpu.memref_slice %arg4[%dma_wait3A_736, %dma_wait3A_737] : memref<1000000x32xf32, #tpu.memory_space<hbm>> -> memref<1x32xf32, #tpu.memory_space<hbm>>
    tpu.wait_dma2 semaphore(%arg12 : memref<!tpu.dma_semaphore, #tpu.memory_space<semaphore_mem>>) src(%dma_wait3A_738 : memref<1x32xf32, #tpu.memory_space<hbm>>) dst(%dma_wait3A_735 : memref<1x32xf32, #tpu.memory_space<vmem>>)
    %mul3A_739 = arith.constant 16 : i32
    %mul3A_740 = arith.muli %and3A_594, %mul3A_739 : i32
    %add3A_741 = arith.constant 6 : i32
    %add3A_742 = arith.addi %mul3A_740, %add3A_741 : i32
    %dma_wait3A_743 = arith.constant 0 : i32
    %dma_wait3A_744 = tpu.memref_slice %arg9[%add3A_742, %dma_wait3A_743] : memref<64x32xf32, #tpu.memory_space<vmem>> -> memref<1x32xf32, #tpu.memory_space<vmem>>
    %dma_wait3A_745 = arith.constant 0 : i32
    %dma_wait3A_746 = arith.constant 0 : i32
    %dma_wait3A_747 = tpu.memref_slice %arg4[%dma_wait3A_745, %dma_wait3A_746] : memref<1000000x32xf32, #tpu.memory_space<hbm>> -> memref<1x32xf32, #tpu.memory_space<hbm>>
    %dma_wait3A_748 = arith.constant 0 : i32
    %dma_wait3A_749 = tpu.memref_slice %arg9[%add3A_742, %dma_wait3A_748] : memref<64x32xf32, #tpu.memory_space<vmem>> -> memref<1x32xf32, #tpu.memory_space<vmem>>
    %dma_wait3A_750 = arith.constant 0 : i32
    %dma_wait3A_751 = arith.constant 0 : i32
    %dma_wait3A_752 = tpu.memref_slice %arg4[%dma_wait3A_750, %dma_wait3A_751] : memref<1000000x32xf32, #tpu.memory_space<hbm>> -> memref<1x32xf32, #tpu.memory_space<hbm>>
    tpu.wait_dma2 semaphore(%arg12 : memref<!tpu.dma_semaphore, #tpu.memory_space<semaphore_mem>>) src(%dma_wait3A_752 : memref<1x32xf32, #tpu.memory_space<hbm>>) dst(%dma_wait3A_749 : memref<1x32xf32, #tpu.memory_space<vmem>>)
    %dma_wait3A_753 = arith.constant 0 : i32
    %dma_wait3A_754 = tpu.memref_slice %arg10[%add3A_742, %dma_wait3A_753] : memref<64x32xf32, #tpu.memory_space<vmem>> -> memref<1x32xf32, #tpu.memory_space<vmem>>
    %dma_wait3A_755 = arith.constant 0 : i32
    %dma_wait3A_756 = arith.constant 0 : i32
    %dma_wait3A_757 = tpu.memref_slice %arg4[%dma_wait3A_755, %dma_wait3A_756] : memref<1000000x32xf32, #tpu.memory_space<hbm>> -> memref<1x32xf32, #tpu.memory_space<hbm>>
    %dma_wait3A_758 = arith.constant 0 : i32
    %dma_wait3A_759 = tpu.memref_slice %arg10[%add3A_742, %dma_wait3A_758] : memref<64x32xf32, #tpu.memory_space<vmem>> -> memref<1x32xf32, #tpu.memory_space<vmem>>
    %dma_wait3A_760 = arith.constant 0 : i32
    %dma_wait3A_761 = arith.constant 0 : i32
    %dma_wait3A_762 = tpu.memref_slice %arg4[%dma_wait3A_760, %dma_wait3A_761] : memref<1000000x32xf32, #tpu.memory_space<hbm>> -> memref<1x32xf32, #tpu.memory_space<hbm>>
    tpu.wait_dma2 semaphore(%arg12 : memref<!tpu.dma_semaphore, #tpu.memory_space<semaphore_mem>>) src(%dma_wait3A_762 : memref<1x32xf32, #tpu.memory_space<hbm>>) dst(%dma_wait3A_759 : memref<1x32xf32, #tpu.memory_space<vmem>>)
    %mul3A_763 = arith.constant 16 : i32
    %mul3A_764 = arith.muli %and3A_594, %mul3A_763 : i32
    %add3A_765 = arith.constant 7 : i32
    %add3A_766 = arith.addi %mul3A_764, %add3A_765 : i32
    %dma_wait3A_767 = arith.constant 0 : i32
    %dma_wait3A_768 = tpu.memref_slice %arg9[%add3A_766, %dma_wait3A_767] : memref<64x32xf32, #tpu.memory_space<vmem>> -> memref<1x32xf32, #tpu.memory_space<vmem>>
    %dma_wait3A_769 = arith.constant 0 : i32
    %dma_wait3A_770 = arith.constant 0 : i32
    %dma_wait3A_771 = tpu.memref_slice %arg4[%dma_wait3A_769, %dma_wait3A_770] : memref<1000000x32xf32, #tpu.memory_space<hbm>> -> memref<1x32xf32, #tpu.memory_space<hbm>>
    %dma_wait3A_772 = arith.constant 0 : i32
    %dma_wait3A_773 = tpu.memref_slice %arg9[%add3A_766, %dma_wait3A_772] : memref<64x32xf32, #tpu.memory_space<vmem>> -> memref<1x32xf32, #tpu.memory_space<vmem>>
    %dma_wait3A_774 = arith.constant 0 : i32
    %dma_wait3A_775 = arith.constant 0 : i32
    %dma_wait3A_776 = tpu.memref_slice %arg4[%dma_wait3A_774, %dma_wait3A_775] : memref<1000000x32xf32, #tpu.memory_space<hbm>> -> memref<1x32xf32, #tpu.memory_space<hbm>>
    tpu.wait_dma2 semaphore(%arg12 : memref<!tpu.dma_semaphore, #tpu.memory_space<semaphore_mem>>) src(%dma_wait3A_776 : memref<1x32xf32, #tpu.memory_space<hbm>>) dst(%dma_wait3A_773 : memref<1x32xf32, #tpu.memory_space<vmem>>)
    %dma_wait3A_777 = arith.constant 0 : i32
    %dma_wait3A_778 = tpu.memref_slice %arg10[%add3A_766, %dma_wait3A_777] : memref<64x32xf32, #tpu.memory_space<vmem>> -> memref<1x32xf32, #tpu.memory_space<vmem>>
    %dma_wait3A_779 = arith.constant 0 : i32
    %dma_wait3A_780 = arith.constant 0 : i32
    %dma_wait3A_781 = tpu.memref_slice %arg4[%dma_wait3A_779, %dma_wait3A_780] : memref<1000000x32xf32, #tpu.memory_space<hbm>> -> memref<1x32xf32, #tpu.memory_space<hbm>>
    %dma_wait3A_782 = arith.constant 0 : i32
    %dma_wait3A_783 = tpu.memref_slice %arg10[%add3A_766, %dma_wait3A_782] : memref<64x32xf32, #tpu.memory_space<vmem>> -> memref<1x32xf32, #tpu.memory_space<vmem>>
    %dma_wait3A_784 = arith.constant 0 : i32
    %dma_wait3A_785 = arith.constant 0 : i32
    %dma_wait3A_786 = tpu.memref_slice %arg4[%dma_wait3A_784, %dma_wait3A_785] : memref<1000000x32xf32, #tpu.memory_space<hbm>> -> memref<1x32xf32, #tpu.memory_space<hbm>>
    tpu.wait_dma2 semaphore(%arg12 : memref<!tpu.dma_semaphore, #tpu.memory_space<semaphore_mem>>) src(%dma_wait3A_786 : memref<1x32xf32, #tpu.memory_space<hbm>>) dst(%dma_wait3A_783 : memref<1x32xf32, #tpu.memory_space<vmem>>)
    %mul3A_787 = arith.constant 16 : i32
    %mul3A_788 = arith.muli %and3A_594, %mul3A_787 : i32
    %add3A_789 = arith.constant 8 : i32
    %add3A_790 = arith.addi %mul3A_788, %add3A_789 : i32
    %dma_wait3A_791 = arith.constant 0 : i32
    %dma_wait3A_792 = tpu.memref_slice %arg9[%add3A_790, %dma_wait3A_791] : memref<64x32xf32, #tpu.memory_space<vmem>> -> memref<1x32xf32, #tpu.memory_space<vmem>>
    %dma_wait3A_793 = arith.constant 0 : i32
    %dma_wait3A_794 = arith.constant 0 : i32
    %dma_wait3A_795 = tpu.memref_slice %arg4[%dma_wait3A_793, %dma_wait3A_794] : memref<1000000x32xf32, #tpu.memory_space<hbm>> -> memref<1x32xf32, #tpu.memory_space<hbm>>
    %dma_wait3A_796 = arith.constant 0 : i32
    %dma_wait3A_797 = tpu.memref_slice %arg9[%add3A_790, %dma_wait3A_796] : memref<64x32xf32, #tpu.memory_space<vmem>> -> memref<1x32xf32, #tpu.memory_space<vmem>>
    %dma_wait3A_798 = arith.constant 0 : i32
    %dma_wait3A_799 = arith.constant 0 : i32
    %dma_wait3A_800 = tpu.memref_slice %arg4[%dma_wait3A_798, %dma_wait3A_799] : memref<1000000x32xf32, #tpu.memory_space<hbm>> -> memref<1x32xf32, #tpu.memory_space<hbm>>
    tpu.wait_dma2 semaphore(%arg12 : memref<!tpu.dma_semaphore, #tpu.memory_space<semaphore_mem>>) src(%dma_wait3A_800 : memref<1x32xf32, #tpu.memory_space<hbm>>) dst(%dma_wait3A_797 : memref<1x32xf32, #tpu.memory_space<vmem>>)
    %dma_wait3A_801 = arith.constant 0 : i32
    %dma_wait3A_802 = tpu.memref_slice %arg10[%add3A_790, %dma_wait3A_801] : memref<64x32xf32, #tpu.memory_space<vmem>> -> memref<1x32xf32, #tpu.memory_space<vmem>>
    %dma_wait3A_803 = arith.constant 0 : i32
    %dma_wait3A_804 = arith.constant 0 : i32
    %dma_wait3A_805 = tpu.memref_slice %arg4[%dma_wait3A_803, %dma_wait3A_804] : memref<1000000x32xf32, #tpu.memory_space<hbm>> -> memref<1x32xf32, #tpu.memory_space<hbm>>
    %dma_wait3A_806 = arith.constant 0 : i32
    %dma_wait3A_807 = tpu.memref_slice %arg10[%add3A_790, %dma_wait3A_806] : memref<64x32xf32, #tpu.memory_space<vmem>> -> memref<1x32xf32, #tpu.memory_space<vmem>>
    %dma_wait3A_808 = arith.constant 0 : i32
    %dma_wait3A_809 = arith.constant 0 : i32
    %dma_wait3A_810 = tpu.memref_slice %arg4[%dma_wait3A_808, %dma_wait3A_809] : memref<1000000x32xf32, #tpu.memory_space<hbm>> -> memref<1x32xf32, #tpu.memory_space<hbm>>
    tpu.wait_dma2 semaphore(%arg12 : memref<!tpu.dma_semaphore, #tpu.memory_space<semaphore_mem>>) src(%dma_wait3A_810 : memref<1x32xf32, #tpu.memory_space<hbm>>) dst(%dma_wait3A_807 : memref<1x32xf32, #tpu.memory_space<vmem>>)
    %mul3A_811 = arith.constant 16 : i32
    %mul3A_812 = arith.muli %and3A_594, %mul3A_811 : i32
    %add3A_813 = arith.constant 9 : i32
    %add3A_814 = arith.addi %mul3A_812, %add3A_813 : i32
    %dma_wait3A_815 = arith.constant 0 : i32
    %dma_wait3A_816 = tpu.memref_slice %arg9[%add3A_814, %dma_wait3A_815] : memref<64x32xf32, #tpu.memory_space<vmem>> -> memref<1x32xf32, #tpu.memory_space<vmem>>
    %dma_wait3A_817 = arith.constant 0 : i32
    %dma_wait3A_818 = arith.constant 0 : i32
    %dma_wait3A_819 = tpu.memref_slice %arg4[%dma_wait3A_817, %dma_wait3A_818] : memref<1000000x32xf32, #tpu.memory_space<hbm>> -> memref<1x32xf32, #tpu.memory_space<hbm>>
    %dma_wait3A_820 = arith.constant 0 : i32
    %dma_wait3A_821 = tpu.memref_slice %arg9[%add3A_814, %dma_wait3A_820] : memref<64x32xf32, #tpu.memory_space<vmem>> -> memref<1x32xf32, #tpu.memory_space<vmem>>
    %dma_wait3A_822 = arith.constant 0 : i32
    %dma_wait3A_823 = arith.constant 0 : i32
    %dma_wait3A_824 = tpu.memref_slice %arg4[%dma_wait3A_822, %dma_wait3A_823] : memref<1000000x32xf32, #tpu.memory_space<hbm>> -> memref<1x32xf32, #tpu.memory_space<hbm>>
    tpu.wait_dma2 semaphore(%arg12 : memref<!tpu.dma_semaphore, #tpu.memory_space<semaphore_mem>>) src(%dma_wait3A_824 : memref<1x32xf32, #tpu.memory_space<hbm>>) dst(%dma_wait3A_821 : memref<1x32xf32, #tpu.memory_space<vmem>>)
    %dma_wait3A_825 = arith.constant 0 : i32
    %dma_wait3A_826 = tpu.memref_slice %arg10[%add3A_814, %dma_wait3A_825] : memref<64x32xf32, #tpu.memory_space<vmem>> -> memref<1x32xf32, #tpu.memory_space<vmem>>
    %dma_wait3A_827 = arith.constant 0 : i32
    %dma_wait3A_828 = arith.constant 0 : i32
    %dma_wait3A_829 = tpu.memref_slice %arg4[%dma_wait3A_827, %dma_wait3A_828] : memref<1000000x32xf32, #tpu.memory_space<hbm>> -> memref<1x32xf32, #tpu.memory_space<hbm>>
    %dma_wait3A_830 = arith.constant 0 : i32
    %dma_wait3A_831 = tpu.memref_slice %arg10[%add3A_814, %dma_wait3A_830] : memref<64x32xf32, #tpu.memory_space<vmem>> -> memref<1x32xf32, #tpu.memory_space<vmem>>
    %dma_wait3A_832 = arith.constant 0 : i32
    %dma_wait3A_833 = arith.constant 0 : i32
    %dma_wait3A_834 = tpu.memref_slice %arg4[%dma_wait3A_832, %dma_wait3A_833] : memref<1000000x32xf32, #tpu.memory_space<hbm>> -> memref<1x32xf32, #tpu.memory_space<hbm>>
    tpu.wait_dma2 semaphore(%arg12 : memref<!tpu.dma_semaphore, #tpu.memory_space<semaphore_mem>>) src(%dma_wait3A_834 : memref<1x32xf32, #tpu.memory_space<hbm>>) dst(%dma_wait3A_831 : memref<1x32xf32, #tpu.memory_space<vmem>>)
    %mul3A_835 = arith.constant 16 : i32
    %mul3A_836 = arith.muli %and3A_594, %mul3A_835 : i32
    %add3A_837 = arith.constant 10 : i32
    %add3A_838 = arith.addi %mul3A_836, %add3A_837 : i32
    %dma_wait3A_839 = arith.constant 0 : i32
    %dma_wait3A_840 = tpu.memref_slice %arg9[%add3A_838, %dma_wait3A_839] : memref<64x32xf32, #tpu.memory_space<vmem>> -> memref<1x32xf32, #tpu.memory_space<vmem>>
    %dma_wait3A_841 = arith.constant 0 : i32
    %dma_wait3A_842 = arith.constant 0 : i32
    %dma_wait3A_843 = tpu.memref_slice %arg4[%dma_wait3A_841, %dma_wait3A_842] : memref<1000000x32xf32, #tpu.memory_space<hbm>> -> memref<1x32xf32, #tpu.memory_space<hbm>>
    %dma_wait3A_844 = arith.constant 0 : i32
    %dma_wait3A_845 = tpu.memref_slice %arg9[%add3A_838, %dma_wait3A_844] : memref<64x32xf32, #tpu.memory_space<vmem>> -> memref<1x32xf32, #tpu.memory_space<vmem>>
    %dma_wait3A_846 = arith.constant 0 : i32
    %dma_wait3A_847 = arith.constant 0 : i32
    %dma_wait3A_848 = tpu.memref_slice %arg4[%dma_wait3A_846, %dma_wait3A_847] : memref<1000000x32xf32, #tpu.memory_space<hbm>> -> memref<1x32xf32, #tpu.memory_space<hbm>>
    tpu.wait_dma2 semaphore(%arg12 : memref<!tpu.dma_semaphore, #tpu.memory_space<semaphore_mem>>) src(%dma_wait3A_848 : memref<1x32xf32, #tpu.memory_space<hbm>>) dst(%dma_wait3A_845 : memref<1x32xf32, #tpu.memory_space<vmem>>)
    %dma_wait3A_849 = arith.constant 0 : i32
    %dma_wait3A_850 = tpu.memref_slice %arg10[%add3A_838, %dma_wait3A_849] : memref<64x32xf32, #tpu.memory_space<vmem>> -> memref<1x32xf32, #tpu.memory_space<vmem>>
    %dma_wait3A_851 = arith.constant 0 : i32
    %dma_wait3A_852 = arith.constant 0 : i32
    %dma_wait3A_853 = tpu.memref_slice %arg4[%dma_wait3A_851, %dma_wait3A_852] : memref<1000000x32xf32, #tpu.memory_space<hbm>> -> memref<1x32xf32, #tpu.memory_space<hbm>>
    %dma_wait3A_854 = arith.constant 0 : i32
    %dma_wait3A_855 = tpu.memref_slice %arg10[%add3A_838, %dma_wait3A_854] : memref<64x32xf32, #tpu.memory_space<vmem>> -> memref<1x32xf32, #tpu.memory_space<vmem>>
    %dma_wait3A_856 = arith.constant 0 : i32
    %dma_wait3A_857 = arith.constant 0 : i32
    %dma_wait3A_858 = tpu.memref_slice %arg4[%dma_wait3A_856, %dma_wait3A_857] : memref<1000000x32xf32, #tpu.memory_space<hbm>> -> memref<1x32xf32, #tpu.memory_space<hbm>>
    tpu.wait_dma2 semaphore(%arg12 : memref<!tpu.dma_semaphore, #tpu.memory_space<semaphore_mem>>) src(%dma_wait3A_858 : memref<1x32xf32, #tpu.memory_space<hbm>>) dst(%dma_wait3A_855 : memref<1x32xf32, #tpu.memory_space<vmem>>)
    %mul3A_859 = arith.constant 16 : i32
    %mul3A_860 = arith.muli %and3A_594, %mul3A_859 : i32
    %add3A_861 = arith.constant 11 : i32
    %add3A_862 = arith.addi %mul3A_860, %add3A_861 : i32
    %dma_wait3A_863 = arith.constant 0 : i32
    %dma_wait3A_864 = tpu.memref_slice %arg9[%add3A_862, %dma_wait3A_863] : memref<64x32xf32, #tpu.memory_space<vmem>> -> memref<1x32xf32, #tpu.memory_space<vmem>>
    %dma_wait3A_865 = arith.constant 0 : i32
    %dma_wait3A_866 = arith.constant 0 : i32
    %dma_wait3A_867 = tpu.memref_slice %arg4[%dma_wait3A_865, %dma_wait3A_866] : memref<1000000x32xf32, #tpu.memory_space<hbm>> -> memref<1x32xf32, #tpu.memory_space<hbm>>
    %dma_wait3A_868 = arith.constant 0 : i32
    %dma_wait3A_869 = tpu.memref_slice %arg9[%add3A_862, %dma_wait3A_868] : memref<64x32xf32, #tpu.memory_space<vmem>> -> memref<1x32xf32, #tpu.memory_space<vmem>>
    %dma_wait3A_870 = arith.constant 0 : i32
    %dma_wait3A_871 = arith.constant 0 : i32
    %dma_wait3A_872 = tpu.memref_slice %arg4[%dma_wait3A_870, %dma_wait3A_871] : memref<1000000x32xf32, #tpu.memory_space<hbm>> -> memref<1x32xf32, #tpu.memory_space<hbm>>
    tpu.wait_dma2 semaphore(%arg12 : memref<!tpu.dma_semaphore, #tpu.memory_space<semaphore_mem>>) src(%dma_wait3A_872 : memref<1x32xf32, #tpu.memory_space<hbm>>) dst(%dma_wait3A_869 : memref<1x32xf32, #tpu.memory_space<vmem>>)
    %dma_wait3A_873 = arith.constant 0 : i32
    %dma_wait3A_874 = tpu.memref_slice %arg10[%add3A_862, %dma_wait3A_873] : memref<64x32xf32, #tpu.memory_space<vmem>> -> memref<1x32xf32, #tpu.memory_space<vmem>>
    %dma_wait3A_875 = arith.constant 0 : i32
    %dma_wait3A_876 = arith.constant 0 : i32
    %dma_wait3A_877 = tpu.memref_slice %arg4[%dma_wait3A_875, %dma_wait3A_876] : memref<1000000x32xf32, #tpu.memory_space<hbm>> -> memref<1x32xf32, #tpu.memory_space<hbm>>
    %dma_wait3A_878 = arith.constant 0 : i32
    %dma_wait3A_879 = tpu.memref_slice %arg10[%add3A_862, %dma_wait3A_878] : memref<64x32xf32, #tpu.memory_space<vmem>> -> memref<1x32xf32, #tpu.memory_space<vmem>>
    %dma_wait3A_880 = arith.constant 0 : i32
    %dma_wait3A_881 = arith.constant 0 : i32
    %dma_wait3A_882 = tpu.memref_slice %arg4[%dma_wait3A_880, %dma_wait3A_881] : memref<1000000x32xf32, #tpu.memory_space<hbm>> -> memref<1x32xf32, #tpu.memory_space<hbm>>
    tpu.wait_dma2 semaphore(%arg12 : memref<!tpu.dma_semaphore, #tpu.memory_space<semaphore_mem>>) src(%dma_wait3A_882 : memref<1x32xf32, #tpu.memory_space<hbm>>) dst(%dma_wait3A_879 : memref<1x32xf32, #tpu.memory_space<vmem>>)
    %mul3A_883 = arith.constant 16 : i32
    %mul3A_884 = arith.muli %and3A_594, %mul3A_883 : i32
    %add3A_885 = arith.constant 12 : i32
    %add3A_886 = arith.addi %mul3A_884, %add3A_885 : i32
    %dma_wait3A_887 = arith.constant 0 : i32
    %dma_wait3A_888 = tpu.memref_slice %arg9[%add3A_886, %dma_wait3A_887] : memref<64x32xf32, #tpu.memory_space<vmem>> -> memref<1x32xf32, #tpu.memory_space<vmem>>
    %dma_wait3A_889 = arith.constant 0 : i32
    %dma_wait3A_890 = arith.constant 0 : i32
    %dma_wait3A_891 = tpu.memref_slice %arg4[%dma_wait3A_889, %dma_wait3A_890] : memref<1000000x32xf32, #tpu.memory_space<hbm>> -> memref<1x32xf32, #tpu.memory_space<hbm>>
    %dma_wait3A_892 = arith.constant 0 : i32
    %dma_wait3A_893 = tpu.memref_slice %arg9[%add3A_886, %dma_wait3A_892] : memref<64x32xf32, #tpu.memory_space<vmem>> -> memref<1x32xf32, #tpu.memory_space<vmem>>
    %dma_wait3A_894 = arith.constant 0 : i32
    %dma_wait3A_895 = arith.constant 0 : i32
    %dma_wait3A_896 = tpu.memref_slice %arg4[%dma_wait3A_894, %dma_wait3A_895] : memref<1000000x32xf32, #tpu.memory_space<hbm>> -> memref<1x32xf32, #tpu.memory_space<hbm>>
    tpu.wait_dma2 semaphore(%arg12 : memref<!tpu.dma_semaphore, #tpu.memory_space<semaphore_mem>>) src(%dma_wait3A_896 : memref<1x32xf32, #tpu.memory_space<hbm>>) dst(%dma_wait3A_893 : memref<1x32xf32, #tpu.memory_space<vmem>>)
    %dma_wait3A_897 = arith.constant 0 : i32
    %dma_wait3A_898 = tpu.memref_slice %arg10[%add3A_886, %dma_wait3A_897] : memref<64x32xf32, #tpu.memory_space<vmem>> -> memref<1x32xf32, #tpu.memory_space<vmem>>
    %dma_wait3A_899 = arith.constant 0 : i32
    %dma_wait3A_900 = arith.constant 0 : i32
    %dma_wait3A_901 = tpu.memref_slice %arg4[%dma_wait3A_899, %dma_wait3A_900] : memref<1000000x32xf32, #tpu.memory_space<hbm>> -> memref<1x32xf32, #tpu.memory_space<hbm>>
    %dma_wait3A_902 = arith.constant 0 : i32
    %dma_wait3A_903 = tpu.memref_slice %arg10[%add3A_886, %dma_wait3A_902] : memref<64x32xf32, #tpu.memory_space<vmem>> -> memref<1x32xf32, #tpu.memory_space<vmem>>
    %dma_wait3A_904 = arith.constant 0 : i32
    %dma_wait3A_905 = arith.constant 0 : i32
    %dma_wait3A_906 = tpu.memref_slice %arg4[%dma_wait3A_904, %dma_wait3A_905] : memref<1000000x32xf32, #tpu.memory_space<hbm>> -> memref<1x32xf32, #tpu.memory_space<hbm>>
    tpu.wait_dma2 semaphore(%arg12 : memref<!tpu.dma_semaphore, #tpu.memory_space<semaphore_mem>>) src(%dma_wait3A_906 : memref<1x32xf32, #tpu.memory_space<hbm>>) dst(%dma_wait3A_903 : memref<1x32xf32, #tpu.memory_space<vmem>>)
    %mul3A_907 = arith.constant 16 : i32
    %mul3A_908 = arith.muli %and3A_594, %mul3A_907 : i32
    %add3A_909 = arith.constant 13 : i32
    %add3A_910 = arith.addi %mul3A_908, %add3A_909 : i32
    %dma_wait3A_911 = arith.constant 0 : i32
    %dma_wait3A_912 = tpu.memref_slice %arg9[%add3A_910, %dma_wait3A_911] : memref<64x32xf32, #tpu.memory_space<vmem>> -> memref<1x32xf32, #tpu.memory_space<vmem>>
    %dma_wait3A_913 = arith.constant 0 : i32
    %dma_wait3A_914 = arith.constant 0 : i32
    %dma_wait3A_915 = tpu.memref_slice %arg4[%dma_wait3A_913, %dma_wait3A_914] : memref<1000000x32xf32, #tpu.memory_space<hbm>> -> memref<1x32xf32, #tpu.memory_space<hbm>>
    %dma_wait3A_916 = arith.constant 0 : i32
    %dma_wait3A_917 = tpu.memref_slice %arg9[%add3A_910, %dma_wait3A_916] : memref<64x32xf32, #tpu.memory_space<vmem>> -> memref<1x32xf32, #tpu.memory_space<vmem>>
    %dma_wait3A_918 = arith.constant 0 : i32
    %dma_wait3A_919 = arith.constant 0 : i32
    %dma_wait3A_920 = tpu.memref_slice %arg4[%dma_wait3A_918, %dma_wait3A_919] : memref<1000000x32xf32, #tpu.memory_space<hbm>> -> memref<1x32xf32, #tpu.memory_space<hbm>>
    tpu.wait_dma2 semaphore(%arg12 : memref<!tpu.dma_semaphore, #tpu.memory_space<semaphore_mem>>) src(%dma_wait3A_920 : memref<1x32xf32, #tpu.memory_space<hbm>>) dst(%dma_wait3A_917 : memref<1x32xf32, #tpu.memory_space<vmem>>)
    %dma_wait3A_921 = arith.constant 0 : i32
    %dma_wait3A_922 = tpu.memref_slice %arg10[%add3A_910, %dma_wait3A_921] : memref<64x32xf32, #tpu.memory_space<vmem>> -> memref<1x32xf32, #tpu.memory_space<vmem>>
    %dma_wait3A_923 = arith.constant 0 : i32
    %dma_wait3A_924 = arith.constant 0 : i32
    %dma_wait3A_925 = tpu.memref_slice %arg4[%dma_wait3A_923, %dma_wait3A_924] : memref<1000000x32xf32, #tpu.memory_space<hbm>> -> memref<1x32xf32, #tpu.memory_space<hbm>>
    %dma_wait3A_926 = arith.constant 0 : i32
    %dma_wait3A_927 = tpu.memref_slice %arg10[%add3A_910, %dma_wait3A_926] : memref<64x32xf32, #tpu.memory_space<vmem>> -> memref<1x32xf32, #tpu.memory_space<vmem>>
    %dma_wait3A_928 = arith.constant 0 : i32
    %dma_wait3A_929 = arith.constant 0 : i32
    %dma_wait3A_930 = tpu.memref_slice %arg4[%dma_wait3A_928, %dma_wait3A_929] : memref<1000000x32xf32, #tpu.memory_space<hbm>> -> memref<1x32xf32, #tpu.memory_space<hbm>>
    tpu.wait_dma2 semaphore(%arg12 : memref<!tpu.dma_semaphore, #tpu.memory_space<semaphore_mem>>) src(%dma_wait3A_930 : memref<1x32xf32, #tpu.memory_space<hbm>>) dst(%dma_wait3A_927 : memref<1x32xf32, #tpu.memory_space<vmem>>)
    %mul3A_931 = arith.constant 16 : i32
    %mul3A_932 = arith.muli %and3A_594, %mul3A_931 : i32
    %add3A_933 = arith.constant 14 : i32
    %add3A_934 = arith.addi %mul3A_932, %add3A_933 : i32
    %dma_wait3A_935 = arith.constant 0 : i32
    %dma_wait3A_936 = tpu.memref_slice %arg9[%add3A_934, %dma_wait3A_935] : memref<64x32xf32, #tpu.memory_space<vmem>> -> memref<1x32xf32, #tpu.memory_space<vmem>>
    %dma_wait3A_937 = arith.constant 0 : i32
    %dma_wait3A_938 = arith.constant 0 : i32
    %dma_wait3A_939 = tpu.memref_slice %arg4[%dma_wait3A_937, %dma_wait3A_938] : memref<1000000x32xf32, #tpu.memory_space<hbm>> -> memref<1x32xf32, #tpu.memory_space<hbm>>
    %dma_wait3A_940 = arith.constant 0 : i32
    %dma_wait3A_941 = tpu.memref_slice %arg9[%add3A_934, %dma_wait3A_940] : memref<64x32xf32, #tpu.memory_space<vmem>> -> memref<1x32xf32, #tpu.memory_space<vmem>>
    %dma_wait3A_942 = arith.constant 0 : i32
    %dma_wait3A_943 = arith.constant 0 : i32
    %dma_wait3A_944 = tpu.memref_slice %arg4[%dma_wait3A_942, %dma_wait3A_943] : memref<1000000x32xf32, #tpu.memory_space<hbm>> -> memref<1x32xf32, #tpu.memory_space<hbm>>
    tpu.wait_dma2 semaphore(%arg12 : memref<!tpu.dma_semaphore, #tpu.memory_space<semaphore_mem>>) src(%dma_wait3A_944 : memref<1x32xf32, #tpu.memory_space<hbm>>) dst(%dma_wait3A_941 : memref<1x32xf32, #tpu.memory_space<vmem>>)
    %dma_wait3A_945 = arith.constant 0 : i32
    %dma_wait3A_946 = tpu.memref_slice %arg10[%add3A_934, %dma_wait3A_945] : memref<64x32xf32, #tpu.memory_space<vmem>> -> memref<1x32xf32, #tpu.memory_space<vmem>>
    %dma_wait3A_947 = arith.constant 0 : i32
    %dma_wait3A_948 = arith.constant 0 : i32
    %dma_wait3A_949 = tpu.memref_slice %arg4[%dma_wait3A_947, %dma_wait3A_948] : memref<1000000x32xf32, #tpu.memory_space<hbm>> -> memref<1x32xf32, #tpu.memory_space<hbm>>
    %dma_wait3A_950 = arith.constant 0 : i32
    %dma_wait3A_951 = tpu.memref_slice %arg10[%add3A_934, %dma_wait3A_950] : memref<64x32xf32, #tpu.memory_space<vmem>> -> memref<1x32xf32, #tpu.memory_space<vmem>>
    %dma_wait3A_952 = arith.constant 0 : i32
    %dma_wait3A_953 = arith.constant 0 : i32
    %dma_wait3A_954 = tpu.memref_slice %arg4[%dma_wait3A_952, %dma_wait3A_953] : memref<1000000x32xf32, #tpu.memory_space<hbm>> -> memref<1x32xf32, #tpu.memory_space<hbm>>
    tpu.wait_dma2 semaphore(%arg12 : memref<!tpu.dma_semaphore, #tpu.memory_space<semaphore_mem>>) src(%dma_wait3A_954 : memref<1x32xf32, #tpu.memory_space<hbm>>) dst(%dma_wait3A_951 : memref<1x32xf32, #tpu.memory_space<vmem>>)
    %mul3A_955 = arith.constant 16 : i32
    %mul3A_956 = arith.muli %and3A_594, %mul3A_955 : i32
    %add3A_957 = arith.constant 15 : i32
    %add3A_958 = arith.addi %mul3A_956, %add3A_957 : i32
    %dma_wait3A_959 = arith.constant 0 : i32
    %dma_wait3A_960 = tpu.memref_slice %arg9[%add3A_958, %dma_wait3A_959] : memref<64x32xf32, #tpu.memory_space<vmem>> -> memref<1x32xf32, #tpu.memory_space<vmem>>
    %dma_wait3A_961 = arith.constant 0 : i32
    %dma_wait3A_962 = arith.constant 0 : i32
    %dma_wait3A_963 = tpu.memref_slice %arg4[%dma_wait3A_961, %dma_wait3A_962] : memref<1000000x32xf32, #tpu.memory_space<hbm>> -> memref<1x32xf32, #tpu.memory_space<hbm>>
    %dma_wait3A_964 = arith.constant 0 : i32
    %dma_wait3A_965 = tpu.memref_slice %arg9[%add3A_958, %dma_wait3A_964] : memref<64x32xf32, #tpu.memory_space<vmem>> -> memref<1x32xf32, #tpu.memory_space<vmem>>
    %dma_wait3A_966 = arith.constant 0 : i32
    %dma_wait3A_967 = arith.constant 0 : i32
    %dma_wait3A_968 = tpu.memref_slice %arg4[%dma_wait3A_966, %dma_wait3A_967] : memref<1000000x32xf32, #tpu.memory_space<hbm>> -> memref<1x32xf32, #tpu.memory_space<hbm>>
    tpu.wait_dma2 semaphore(%arg12 : memref<!tpu.dma_semaphore, #tpu.memory_space<semaphore_mem>>) src(%dma_wait3A_968 : memref<1x32xf32, #tpu.memory_space<hbm>>) dst(%dma_wait3A_965 : memref<1x32xf32, #tpu.memory_space<vmem>>)
    %dma_wait3A_969 = arith.constant 0 : i32
    %dma_wait3A_970 = tpu.memref_slice %arg10[%add3A_958, %dma_wait3A_969] : memref<64x32xf32, #tpu.memory_space<vmem>> -> memref<1x32xf32, #tpu.memory_space<vmem>>
    %dma_wait3A_971 = arith.constant 0 : i32
    %dma_wait3A_972 = arith.constant 0 : i32
    %dma_wait3A_973 = tpu.memref_slice %arg4[%dma_wait3A_971, %dma_wait3A_972] : memref<1000000x32xf32, #tpu.memory_space<hbm>> -> memref<1x32xf32, #tpu.memory_space<hbm>>
    %dma_wait3A_974 = arith.constant 0 : i32
    %dma_wait3A_975 = tpu.memref_slice %arg10[%add3A_958, %dma_wait3A_974] : memref<64x32xf32, #tpu.memory_space<vmem>> -> memref<1x32xf32, #tpu.memory_space<vmem>>
    %dma_wait3A_976 = arith.constant 0 : i32
    %dma_wait3A_977 = arith.constant 0 : i32
    %dma_wait3A_978 = tpu.memref_slice %arg4[%dma_wait3A_976, %dma_wait3A_977] : memref<1000000x32xf32, #tpu.memory_space<hbm>> -> memref<1x32xf32, #tpu.memory_space<hbm>>
    tpu.wait_dma2 semaphore(%arg12 : memref<!tpu.dma_semaphore, #tpu.memory_space<semaphore_mem>>) src(%dma_wait3A_978 : memref<1x32xf32, #tpu.memory_space<hbm>>) dst(%dma_wait3A_975 : memref<1x32xf32, #tpu.memory_space<vmem>>)
    %mul3A_979 = arith.constant 16 : i32
    %mul3A_980 = arith.muli %and3A_594, %mul3A_979 : i32
    %add3A_981 = vector.broadcast %mul3A_980 : i32 to vector<16xi32>
    %add3A_982 = arith.addi %add3A_981, %iota3A : vector<16xi32>
    %broadcast_in_dim3A_983 = arith.constant 0.000000e+00 : f32
    %broadcast_in_dim3A_984 = vector.broadcast %broadcast_in_dim3A_983 : f32 to vector<16xf32>
    %broadcast_in_dim3A_985 = arith.constant 0 : i32
    %broadcast_in_dim3A_986 = vector.broadcast %broadcast_in_dim3A_985 : i32 to vector<16xi32>
    %gather3A_987 = tpu.vector_load_idx %arg9[%add3A_982, %broadcast_in_dim3A_986] : memref<64x32xf32, #tpu.memory_space<vmem>>[vector<16xi32>, vector<16xi32>], vector<16xf32>,
    %gather3A_988 = tpu.vector_load_idx %arg10[%add3A_982, %broadcast_in_dim3A_986] : memref<64x32xf32, #tpu.memory_space<vmem>>[vector<16xi32>, vector<16xi32>], vector<16xf32>,
    %mul3A_989 = arith.mulf %gather3A_987, %gather3A_988 : vector<16xf32>
    %add3A_990 = arith.addf %broadcast_in_dim3A_984, %mul3A_989 : vector<16xf32>
    %broadcast_in_dim3A_991 = arith.constant 1 : i32
    %broadcast_in_dim3A_992 = vector.broadcast %broadcast_in_dim3A_991 : i32 to vector<16xi32>
    %gather3A_993 = tpu.vector_load_idx %arg9[%add3A_982, %broadcast_in_dim3A_992] : memref<64x32xf32, #tpu.memory_space<vmem>>[vector<16xi32>, vector<16xi32>], vector<16xf32>,
    %gather3A_994 = tpu.vector_load_idx %arg10[%add3A_982, %broadcast_in_dim3A_992] : memref<64x32xf32, #tpu.memory_space<vmem>>[vector<16xi32>, vector<16xi32>], vector<16xf32>,
    %mul3A_995 = arith.mulf %gather3A_993, %gather3A_994 : vector<16xf32>
    %add3A_996 = arith.addf %add3A_990, %mul3A_995 : vector<16xf32>
    %broadcast_in_dim3A_997 = arith.constant 2 : i32
    %broadcast_in_dim3A_998 = vector.broadcast %broadcast_in_dim3A_997 : i32 to vector<16xi32>
    %gather3A_999 = tpu.vector_load_idx %arg9[%add3A_982, %broadcast_in_dim3A_998] : memref<64x32xf32, #tpu.memory_space<vmem>>[vector<16xi32>, vector<16xi32>], vector<16xf32>,
    %gather3A_1000 = tpu.vector_load_idx %arg10[%add3A_982, %broadcast_in_dim3A_998] : memref<64x32xf32, #tpu.memory_space<vmem>>[vector<16xi32>, vector<16xi32>], vector<16xf32>,
    %mul3A_1001 = arith.mulf %gather3A_999, %gather3A_1000 : vector<16xf32>
    %add3A_1002 = arith.addf %add3A_996, %mul3A_1001 : vector<16xf32>
    %broadcast_in_dim3A_1003 = arith.constant 3 : i32
    %broadcast_in_dim3A_1004 = vector.broadcast %broadcast_in_dim3A_1003 : i32 to vector<16xi32>
    %gather3A_1005 = tpu.vector_load_idx %arg9[%add3A_982, %broadcast_in_dim3A_1004] : memref<64x32xf32, #tpu.memory_space<vmem>>[vector<16xi32>, vector<16xi32>], vector<16xf32>,
    %gather3A_1006 = tpu.vector_load_idx %arg10[%add3A_982, %broadcast_in_dim3A_1004] : memref<64x32xf32, #tpu.memory_space<vmem>>[vector<16xi32>, vector<16xi32>], vector<16xf32>,
    %mul3A_1007 = arith.mulf %gather3A_1005, %gather3A_1006 : vector<16xf32>
    %add3A_1008 = arith.addf %add3A_1002, %mul3A_1007 : vector<16xf32>
    %broadcast_in_dim3A_1009 = arith.constant 4 : i32
    %broadcast_in_dim3A_1010 = vector.broadcast %broadcast_in_dim3A_1009 : i32 to vector<16xi32>
    %gather3A_1011 = tpu.vector_load_idx %arg9[%add3A_982, %broadcast_in_dim3A_1010] : memref<64x32xf32, #tpu.memory_space<vmem>>[vector<16xi32>, vector<16xi32>], vector<16xf32>,
    %gather3A_1012 = tpu.vector_load_idx %arg10[%add3A_982, %broadcast_in_dim3A_1010] : memref<64x32xf32, #tpu.memory_space<vmem>>[vector<16xi32>, vector<16xi32>], vector<16xf32>,
    %mul3A_1013 = arith.mulf %gather3A_1011, %gather3A_1012 : vector<16xf32>
    %add3A_1014 = arith.addf %add3A_1008, %mul3A_1013 : vector<16xf32>
    %broadcast_in_dim3A_1015 = arith.constant 5 : i32
    %broadcast_in_dim3A_1016 = vector.broadcast %broadcast_in_dim3A_1015 : i32 to vector<16xi32>
    %gather3A_1017 = tpu.vector_load_idx %arg9[%add3A_982, %broadcast_in_dim3A_1016] : memref<64x32xf32, #tpu.memory_space<vmem>>[vector<16xi32>, vector<16xi32>], vector<16xf32>,
    %gather3A_1018 = tpu.vector_load_idx %arg10[%add3A_982, %broadcast_in_dim3A_1016] : memref<64x32xf32, #tpu.memory_space<vmem>>[vector<16xi32>, vector<16xi32>], vector<16xf32>,
    %mul3A_1019 = arith.mulf %gather3A_1017, %gather3A_1018 : vector<16xf32>
    %add3A_1020 = arith.addf %add3A_1014, %mul3A_1019 : vector<16xf32>
    %broadcast_in_dim3A_1021 = arith.constant 6 : i32
    %broadcast_in_dim3A_1022 = vector.broadcast %broadcast_in_dim3A_1021 : i32 to vector<16xi32>
    %gather3A_1023 = tpu.vector_load_idx %arg9[%add3A_982, %broadcast_in_dim3A_1022] : memref<64x32xf32, #tpu.memory_space<vmem>>[vector<16xi32>, vector<16xi32>], vector<16xf32>,
    %gather3A_1024 = tpu.vector_load_idx %arg10[%add3A_982, %broadcast_in_dim3A_1022] : memref<64x32xf32, #tpu.memory_space<vmem>>[vector<16xi32>, vector<16xi32>], vector<16xf32>,
    %mul3A_1025 = arith.mulf %gather3A_1023, %gather3A_1024 : vector<16xf32>
    %add3A_1026 = arith.addf %add3A_1020, %mul3A_1025 : vector<16xf32>
    %broadcast_in_dim3A_1027 = arith.constant 7 : i32
    %broadcast_in_dim3A_1028 = vector.broadcast %broadcast_in_dim3A_1027 : i32 to vector<16xi32>
    %gather3A_1029 = tpu.vector_load_idx %arg9[%add3A_982, %broadcast_in_dim3A_1028] : memref<64x32xf32, #tpu.memory_space<vmem>>[vector<16xi32>, vector<16xi32>], vector<16xf32>,
    %gather3A_1030 = tpu.vector_load_idx %arg10[%add3A_982, %broadcast_in_dim3A_1028] : memref<64x32xf32, #tpu.memory_space<vmem>>[vector<16xi32>, vector<16xi32>], vector<16xf32>,
    %mul3A_1031 = arith.mulf %gather3A_1029, %gather3A_1030 : vector<16xf32>
    %add3A_1032 = arith.addf %add3A_1026, %mul3A_1031 : vector<16xf32>
    %broadcast_in_dim3A_1033 = arith.constant 8 : i32
    %broadcast_in_dim3A_1034 = vector.broadcast %broadcast_in_dim3A_1033 : i32 to vector<16xi32>
    %gather3A_1035 = tpu.vector_load_idx %arg9[%add3A_982, %broadcast_in_dim3A_1034] : memref<64x32xf32, #tpu.memory_space<vmem>>[vector<16xi32>, vector<16xi32>], vector<16xf32>,
    %gather3A_1036 = tpu.vector_load_idx %arg10[%add3A_982, %broadcast_in_dim3A_1034] : memref<64x32xf32, #tpu.memory_space<vmem>>[vector<16xi32>, vector<16xi32>], vector<16xf32>,
    %mul3A_1037 = arith.mulf %gather3A_1035, %gather3A_1036 : vector<16xf32>
    %add3A_1038 = arith.addf %add3A_1032, %mul3A_1037 : vector<16xf32>
    %broadcast_in_dim3A_1039 = arith.constant 9 : i32
    %broadcast_in_dim3A_1040 = vector.broadcast %broadcast_in_dim3A_1039 : i32 to vector<16xi32>
    %gather3A_1041 = tpu.vector_load_idx %arg9[%add3A_982, %broadcast_in_dim3A_1040] : memref<64x32xf32, #tpu.memory_space<vmem>>[vector<16xi32>, vector<16xi32>], vector<16xf32>,
    %gather3A_1042 = tpu.vector_load_idx %arg10[%add3A_982, %broadcast_in_dim3A_1040] : memref<64x32xf32, #tpu.memory_space<vmem>>[vector<16xi32>, vector<16xi32>], vector<16xf32>,
    %mul3A_1043 = arith.mulf %gather3A_1041, %gather3A_1042 : vector<16xf32>
    %add3A_1044 = arith.addf %add3A_1038, %mul3A_1043 : vector<16xf32>
    %broadcast_in_dim3A_1045 = arith.constant 10 : i32
    %broadcast_in_dim3A_1046 = vector.broadcast %broadcast_in_dim3A_1045 : i32 to vector<16xi32>
    %gather3A_1047 = tpu.vector_load_idx %arg9[%add3A_982, %broadcast_in_dim3A_1046] : memref<64x32xf32, #tpu.memory_space<vmem>>[vector<16xi32>, vector<16xi32>], vector<16xf32>,
    %gather3A_1048 = tpu.vector_load_idx %arg10[%add3A_982, %broadcast_in_dim3A_1046] : memref<64x32xf32, #tpu.memory_space<vmem>>[vector<16xi32>, vector<16xi32>], vector<16xf32>,
    %mul3A_1049 = arith.mulf %gather3A_1047, %gather3A_1048 : vector<16xf32>
    %add3A_1050 = arith.addf %add3A_1044, %mul3A_1049 : vector<16xf32>
    %broadcast_in_dim3A_1051 = arith.constant 11 : i32
    %broadcast_in_dim3A_1052 = vector.broadcast %broadcast_in_dim3A_1051 : i32 to vector<16xi32>
    %gather3A_1053 = tpu.vector_load_idx %arg9[%add3A_982, %broadcast_in_dim3A_1052] : memref<64x32xf32, #tpu.memory_space<vmem>>[vector<16xi32>, vector<16xi32>], vector<16xf32>,
    %gather3A_1054 = tpu.vector_load_idx %arg10[%add3A_982, %broadcast_in_dim3A_1052] : memref<64x32xf32, #tpu.memory_space<vmem>>[vector<16xi32>, vector<16xi32>], vector<16xf32>,
    %mul3A_1055 = arith.mulf %gather3A_1053, %gather3A_1054 : vector<16xf32>
    %add3A_1056 = arith.addf %add3A_1050, %mul3A_1055 : vector<16xf32>
    %broadcast_in_dim3A_1057 = arith.constant 12 : i32
    %broadcast_in_dim3A_1058 = vector.broadcast %broadcast_in_dim3A_1057 : i32 to vector<16xi32>
    %gather3A_1059 = tpu.vector_load_idx %arg9[%add3A_982, %broadcast_in_dim3A_1058] : memref<64x32xf32, #tpu.memory_space<vmem>>[vector<16xi32>, vector<16xi32>], vector<16xf32>,
    %gather3A_1060 = tpu.vector_load_idx %arg10[%add3A_982, %broadcast_in_dim3A_1058] : memref<64x32xf32, #tpu.memory_space<vmem>>[vector<16xi32>, vector<16xi32>], vector<16xf32>,
    %mul3A_1061 = arith.mulf %gather3A_1059, %gather3A_1060 : vector<16xf32>
    %add3A_1062 = arith.addf %add3A_1056, %mul3A_1061 : vector<16xf32>
    %broadcast_in_dim3A_1063 = arith.constant 13 : i32
    %broadcast_in_dim3A_1064 = vector.broadcast %broadcast_in_dim3A_1063 : i32 to vector<16xi32>
    %gather3A_1065 = tpu.vector_load_idx %arg9[%add3A_982, %broadcast_in_dim3A_1064] : memref<64x32xf32, #tpu.memory_space<vmem>>[vector<16xi32>, vector<16xi32>], vector<16xf32>,
    %gather3A_1066 = tpu.vector_load_idx %arg10[%add3A_982, %broadcast_in_dim3A_1064] : memref<64x32xf32, #tpu.memory_space<vmem>>[vector<16xi32>, vector<16xi32>], vector<16xf32>,
    %mul3A_1067 = arith.mulf %gather3A_1065, %gather3A_1066 : vector<16xf32>
    %add3A_1068 = arith.addf %add3A_1062, %mul3A_1067 : vector<16xf32>
    %broadcast_in_dim3A_1069 = arith.constant 14 : i32
    %broadcast_in_dim3A_1070 = vector.broadcast %broadcast_in_dim3A_1069 : i32 to vector<16xi32>
    %gather3A_1071 = tpu.vector_load_idx %arg9[%add3A_982, %broadcast_in_dim3A_1070] : memref<64x32xf32, #tpu.memory_space<vmem>>[vector<16xi32>, vector<16xi32>], vector<16xf32>,
    %gather3A_1072 = tpu.vector_load_idx %arg10[%add3A_982, %broadcast_in_dim3A_1070] : memref<64x32xf32, #tpu.memory_space<vmem>>[vector<16xi32>, vector<16xi32>], vector<16xf32>,
    %mul3A_1073 = arith.mulf %gather3A_1071, %gather3A_1072 : vector<16xf32>
    %add3A_1074 = arith.addf %add3A_1068, %mul3A_1073 : vector<16xf32>
    %broadcast_in_dim3A_1075 = arith.constant 15 : i32
    %broadcast_in_dim3A_1076 = vector.broadcast %broadcast_in_dim3A_1075 : i32 to vector<16xi32>
    %gather3A_1077 = tpu.vector_load_idx %arg9[%add3A_982, %broadcast_in_dim3A_1076] : memref<64x32xf32, #tpu.memory_space<vmem>>[vector<16xi32>, vector<16xi32>], vector<16xf32>,
    %gather3A_1078 = tpu.vector_load_idx %arg10[%add3A_982, %broadcast_in_dim3A_1076] : memref<64x32xf32, #tpu.memory_space<vmem>>[vector<16xi32>, vector<16xi32>], vector<16xf32>,
    %mul3A_1079 = arith.mulf %gather3A_1077, %gather3A_1078 : vector<16xf32>
    %add3A_1080 = arith.addf %add3A_1074, %mul3A_1079 : vector<16xf32>
    %broadcast_in_dim3A_1081 = arith.constant 16 : i32
    %broadcast_in_dim3A_1082 = vector.broadcast %broadcast_in_dim3A_1081 : i32 to vector<16xi32>
    %gather3A_1083 = tpu.vector_load_idx %arg9[%add3A_982, %broadcast_in_dim3A_1082] : memref<64x32xf32, #tpu.memory_space<vmem>>[vector<16xi32>, vector<16xi32>], vector<16xf32>,
    %gather3A_1084 = tpu.vector_load_idx %arg10[%add3A_982, %broadcast_in_dim3A_1082] : memref<64x32xf32, #tpu.memory_space<vmem>>[vector<16xi32>, vector<16xi32>], vector<16xf32>,
    %mul3A_1085 = arith.mulf %gather3A_1083, %gather3A_1084 : vector<16xf32>
    %add3A_1086 = arith.addf %add3A_1080, %mul3A_1085 : vector<16xf32>
    %broadcast_in_dim3A_1087 = arith.constant 17 : i32
    %broadcast_in_dim3A_1088 = vector.broadcast %broadcast_in_dim3A_1087 : i32 to vector<16xi32>
    %gather3A_1089 = tpu.vector_load_idx %arg9[%add3A_982, %broadcast_in_dim3A_1088] : memref<64x32xf32, #tpu.memory_space<vmem>>[vector<16xi32>, vector<16xi32>], vector<16xf32>,
    %gather3A_1090 = tpu.vector_load_idx %arg10[%add3A_982, %broadcast_in_dim3A_1088] : memref<64x32xf32, #tpu.memory_space<vmem>>[vector<16xi32>, vector<16xi32>], vector<16xf32>,
    %mul3A_1091 = arith.mulf %gather3A_1089, %gather3A_1090 : vector<16xf32>
    %add3A_1092 = arith.addf %add3A_1086, %mul3A_1091 : vector<16xf32>
    %broadcast_in_dim3A_1093 = arith.constant 18 : i32
    %broadcast_in_dim3A_1094 = vector.broadcast %broadcast_in_dim3A_1093 : i32 to vector<16xi32>
    %gather3A_1095 = tpu.vector_load_idx %arg9[%add3A_982, %broadcast_in_dim3A_1094] : memref<64x32xf32, #tpu.memory_space<vmem>>[vector<16xi32>, vector<16xi32>], vector<16xf32>,
    %gather3A_1096 = tpu.vector_load_idx %arg10[%add3A_982, %broadcast_in_dim3A_1094] : memref<64x32xf32, #tpu.memory_space<vmem>>[vector<16xi32>, vector<16xi32>], vector<16xf32>,
    %mul3A_1097 = arith.mulf %gather3A_1095, %gather3A_1096 : vector<16xf32>
    %add3A_1098 = arith.addf %add3A_1092, %mul3A_1097 : vector<16xf32>
    %broadcast_in_dim3A_1099 = arith.constant 19 : i32
    %broadcast_in_dim3A_1100 = vector.broadcast %broadcast_in_dim3A_1099 : i32 to vector<16xi32>
    %gather3A_1101 = tpu.vector_load_idx %arg9[%add3A_982, %broadcast_in_dim3A_1100] : memref<64x32xf32, #tpu.memory_space<vmem>>[vector<16xi32>, vector<16xi32>], vector<16xf32>,
    %gather3A_1102 = tpu.vector_load_idx %arg10[%add3A_982, %broadcast_in_dim3A_1100] : memref<64x32xf32, #tpu.memory_space<vmem>>[vector<16xi32>, vector<16xi32>], vector<16xf32>,
    %mul3A_1103 = arith.mulf %gather3A_1101, %gather3A_1102 : vector<16xf32>
    %add3A_1104 = arith.addf %add3A_1098, %mul3A_1103 : vector<16xf32>
    %broadcast_in_dim3A_1105 = arith.constant 20 : i32
    %broadcast_in_dim3A_1106 = vector.broadcast %broadcast_in_dim3A_1105 : i32 to vector<16xi32>
    %gather3A_1107 = tpu.vector_load_idx %arg9[%add3A_982, %broadcast_in_dim3A_1106] : memref<64x32xf32, #tpu.memory_space<vmem>>[vector<16xi32>, vector<16xi32>], vector<16xf32>,
    %gather3A_1108 = tpu.vector_load_idx %arg10[%add3A_982, %broadcast_in_dim3A_1106] : memref<64x32xf32, #tpu.memory_space<vmem>>[vector<16xi32>, vector<16xi32>], vector<16xf32>,
    %mul3A_1109 = arith.mulf %gather3A_1107, %gather3A_1108 : vector<16xf32>
    %add3A_1110 = arith.addf %add3A_1104, %mul3A_1109 : vector<16xf32>
    %broadcast_in_dim3A_1111 = arith.constant 21 : i32
    %broadcast_in_dim3A_1112 = vector.broadcast %broadcast_in_dim3A_1111 : i32 to vector<16xi32>
    %gather3A_1113 = tpu.vector_load_idx %arg9[%add3A_982, %broadcast_in_dim3A_1112] : memref<64x32xf32, #tpu.memory_space<vmem>>[vector<16xi32>, vector<16xi32>], vector<16xf32>,
    %gather3A_1114 = tpu.vector_load_idx %arg10[%add3A_982, %broadcast_in_dim3A_1112] : memref<64x32xf32, #tpu.memory_space<vmem>>[vector<16xi32>, vector<16xi32>], vector<16xf32>,
    %mul3A_1115 = arith.mulf %gather3A_1113, %gather3A_1114 : vector<16xf32>
    %add3A_1116 = arith.addf %add3A_1110, %mul3A_1115 : vector<16xf32>
    %broadcast_in_dim3A_1117 = arith.constant 22 : i32
    %broadcast_in_dim3A_1118 = vector.broadcast %broadcast_in_dim3A_1117 : i32 to vector<16xi32>
    %gather3A_1119 = tpu.vector_load_idx %arg9[%add3A_982, %broadcast_in_dim3A_1118] : memref<64x32xf32, #tpu.memory_space<vmem>>[vector<16xi32>, vector<16xi32>], vector<16xf32>,
    %gather3A_1120 = tpu.vector_load_idx %arg10[%add3A_982, %broadcast_in_dim3A_1118] : memref<64x32xf32, #tpu.memory_space<vmem>>[vector<16xi32>, vector<16xi32>], vector<16xf32>,
    %mul3A_1121 = arith.mulf %gather3A_1119, %gather3A_1120 : vector<16xf32>
    %add3A_1122 = arith.addf %add3A_1116, %mul3A_1121 : vector<16xf32>
    %broadcast_in_dim3A_1123 = arith.constant 23 : i32
    %broadcast_in_dim3A_1124 = vector.broadcast %broadcast_in_dim3A_1123 : i32 to vector<16xi32>
    %gather3A_1125 = tpu.vector_load_idx %arg9[%add3A_982, %broadcast_in_dim3A_1124] : memref<64x32xf32, #tpu.memory_space<vmem>>[vector<16xi32>, vector<16xi32>], vector<16xf32>,
    %gather3A_1126 = tpu.vector_load_idx %arg10[%add3A_982, %broadcast_in_dim3A_1124] : memref<64x32xf32, #tpu.memory_space<vmem>>[vector<16xi32>, vector<16xi32>], vector<16xf32>,
    %mul3A_1127 = arith.mulf %gather3A_1125, %gather3A_1126 : vector<16xf32>
    %add3A_1128 = arith.addf %add3A_1122, %mul3A_1127 : vector<16xf32>
    %broadcast_in_dim3A_1129 = arith.constant 24 : i32
    %broadcast_in_dim3A_1130 = vector.broadcast %broadcast_in_dim3A_1129 : i32 to vector<16xi32>
    %gather3A_1131 = tpu.vector_load_idx %arg9[%add3A_982, %broadcast_in_dim3A_1130] : memref<64x32xf32, #tpu.memory_space<vmem>>[vector<16xi32>, vector<16xi32>], vector<16xf32>,
    %gather3A_1132 = tpu.vector_load_idx %arg10[%add3A_982, %broadcast_in_dim3A_1130] : memref<64x32xf32, #tpu.memory_space<vmem>>[vector<16xi32>, vector<16xi32>], vector<16xf32>,
    %mul3A_1133 = arith.mulf %gather3A_1131, %gather3A_1132 : vector<16xf32>
    %add3A_1134 = arith.addf %add3A_1128, %mul3A_1133 : vector<16xf32>
    %broadcast_in_dim3A_1135 = arith.constant 25 : i32
    %broadcast_in_dim3A_1136 = vector.broadcast %broadcast_in_dim3A_1135 : i32 to vector<16xi32>
    %gather3A_1137 = tpu.vector_load_idx %arg9[%add3A_982, %broadcast_in_dim3A_1136] : memref<64x32xf32, #tpu.memory_space<vmem>>[vector<16xi32>, vector<16xi32>], vector<16xf32>,
    %gather3A_1138 = tpu.vector_load_idx %arg10[%add3A_982, %broadcast_in_dim3A_1136] : memref<64x32xf32, #tpu.memory_space<vmem>>[vector<16xi32>, vector<16xi32>], vector<16xf32>,
    %mul3A_1139 = arith.mulf %gather3A_1137, %gather3A_1138 : vector<16xf32>
    %add3A_1140 = arith.addf %add3A_1134, %mul3A_1139 : vector<16xf32>
    %broadcast_in_dim3A_1141 = arith.constant 26 : i32
    %broadcast_in_dim3A_1142 = vector.broadcast %broadcast_in_dim3A_1141 : i32 to vector<16xi32>
    %gather3A_1143 = tpu.vector_load_idx %arg9[%add3A_982, %broadcast_in_dim3A_1142] : memref<64x32xf32, #tpu.memory_space<vmem>>[vector<16xi32>, vector<16xi32>], vector<16xf32>,
    %gather3A_1144 = tpu.vector_load_idx %arg10[%add3A_982, %broadcast_in_dim3A_1142] : memref<64x32xf32, #tpu.memory_space<vmem>>[vector<16xi32>, vector<16xi32>], vector<16xf32>,
    %mul3A_1145 = arith.mulf %gather3A_1143, %gather3A_1144 : vector<16xf32>
    %add3A_1146 = arith.addf %add3A_1140, %mul3A_1145 : vector<16xf32>
    %broadcast_in_dim3A_1147 = arith.constant 27 : i32
    %broadcast_in_dim3A_1148 = vector.broadcast %broadcast_in_dim3A_1147 : i32 to vector<16xi32>
    %gather3A_1149 = tpu.vector_load_idx %arg9[%add3A_982, %broadcast_in_dim3A_1148] : memref<64x32xf32, #tpu.memory_space<vmem>>[vector<16xi32>, vector<16xi32>], vector<16xf32>,
    %gather3A_1150 = tpu.vector_load_idx %arg10[%add3A_982, %broadcast_in_dim3A_1148] : memref<64x32xf32, #tpu.memory_space<vmem>>[vector<16xi32>, vector<16xi32>], vector<16xf32>,
    %mul3A_1151 = arith.mulf %gather3A_1149, %gather3A_1150 : vector<16xf32>
    %add3A_1152 = arith.addf %add3A_1146, %mul3A_1151 : vector<16xf32>
    %broadcast_in_dim3A_1153 = arith.constant 28 : i32
    %broadcast_in_dim3A_1154 = vector.broadcast %broadcast_in_dim3A_1153 : i32 to vector<16xi32>
    %gather3A_1155 = tpu.vector_load_idx %arg9[%add3A_982, %broadcast_in_dim3A_1154] : memref<64x32xf32, #tpu.memory_space<vmem>>[vector<16xi32>, vector<16xi32>], vector<16xf32>,
    %gather3A_1156 = tpu.vector_load_idx %arg10[%add3A_982, %broadcast_in_dim3A_1154] : memref<64x32xf32, #tpu.memory_space<vmem>>[vector<16xi32>, vector<16xi32>], vector<16xf32>,
    %mul3A_1157 = arith.mulf %gather3A_1155, %gather3A_1156 : vector<16xf32>
    %add3A_1158 = arith.addf %add3A_1152, %mul3A_1157 : vector<16xf32>
    %broadcast_in_dim3A_1159 = arith.constant 29 : i32
    %broadcast_in_dim3A_1160 = vector.broadcast %broadcast_in_dim3A_1159 : i32 to vector<16xi32>
    %gather3A_1161 = tpu.vector_load_idx %arg9[%add3A_982, %broadcast_in_dim3A_1160] : memref<64x32xf32, #tpu.memory_space<vmem>>[vector<16xi32>, vector<16xi32>], vector<16xf32>,
    %gather3A_1162 = tpu.vector_load_idx %arg10[%add3A_982, %broadcast_in_dim3A_1160] : memref<64x32xf32, #tpu.memory_space<vmem>>[vector<16xi32>, vector<16xi32>], vector<16xf32>,
    %mul3A_1163 = arith.mulf %gather3A_1161, %gather3A_1162 : vector<16xf32>
    %add3A_1164 = arith.addf %add3A_1158, %mul3A_1163 : vector<16xf32>
    %broadcast_in_dim3A_1165 = arith.constant 30 : i32
    %broadcast_in_dim3A_1166 = vector.broadcast %broadcast_in_dim3A_1165 : i32 to vector<16xi32>
    %gather3A_1167 = tpu.vector_load_idx %arg9[%add3A_982, %broadcast_in_dim3A_1166] : memref<64x32xf32, #tpu.memory_space<vmem>>[vector<16xi32>, vector<16xi32>], vector<16xf32>,
    %gather3A_1168 = tpu.vector_load_idx %arg10[%add3A_982, %broadcast_in_dim3A_1166] : memref<64x32xf32, #tpu.memory_space<vmem>>[vector<16xi32>, vector<16xi32>], vector<16xf32>,
    %mul3A_1169 = arith.mulf %gather3A_1167, %gather3A_1168 : vector<16xf32>
    %add3A_1170 = arith.addf %add3A_1164, %mul3A_1169 : vector<16xf32>
    %broadcast_in_dim3A_1171 = arith.constant 31 : i32
    %broadcast_in_dim3A_1172 = vector.broadcast %broadcast_in_dim3A_1171 : i32 to vector<16xi32>
    %gather3A_1173 = tpu.vector_load_idx %arg9[%add3A_982, %broadcast_in_dim3A_1172] : memref<64x32xf32, #tpu.memory_space<vmem>>[vector<16xi32>, vector<16xi32>], vector<16xf32>,
    %gather3A_1174 = tpu.vector_load_idx %arg10[%add3A_982, %broadcast_in_dim3A_1172] : memref<64x32xf32, #tpu.memory_space<vmem>>[vector<16xi32>, vector<16xi32>], vector<16xf32>,
    %mul3A_1175 = arith.mulf %gather3A_1173, %gather3A_1174 : vector<16xf32>
    %add3A_1176 = arith.addf %add3A_1170, %mul3A_1175 : vector<16xf32>
    %add3A_1177 = arith.constant 496 : i32
    %add3A_1178 = vector.broadcast %add3A_1177 : i32 to vector<16xi32>
    %add3A_1179 = arith.addi %add3A_1178, %iota3A : vector<16xi32>
    tpu.vector_store_idx %arg11[%add3A_1179], %add3A_1176 : memref<512xf32, #tpu.memory_space<vmem>>[vector<16xi32>], vector<16xf32>,
    "tpu.region"() ({
      %run_scoped3A = tpu.sem_alloc : memref<!tpu.dma_semaphore, #tpu.memory_space<semaphore_mem>>
      %dma_start3A = tpu.memref_slice %arg6[%mul3A_2] : memref<16384xf32, #tpu.memory_space<hbm>> -> memref<512xf32, #tpu.memory_space<hbm>>
      %dma_start3A_1180 = tpu.memref_slice %arg6[%mul3A_2] : memref<16384xf32, #tpu.memory_space<hbm>> -> memref<512xf32, #tpu.memory_space<hbm>>
      tpu.enqueue_dma source(%arg11 : memref<512xf32, #tpu.memory_space<vmem>>) target(%dma_start3A_1180 : memref<512xf32, #tpu.memory_space<hbm>>) target_semaphore(%run_scoped3A : memref<!tpu.dma_semaphore, #tpu.memory_space<semaphore_mem>>)
      %dma_wait3A_1181 = tpu.memref_slice %arg6[%mul3A_2] : memref<16384xf32, #tpu.memory_space<hbm>> -> memref<512xf32, #tpu.memory_space<hbm>>
      %dma_wait3A_1182 = tpu.memref_slice %arg6[%mul3A_2] : memref<16384xf32, #tpu.memory_space<hbm>> -> memref<512xf32, #tpu.memory_space<hbm>>
      tpu.wait_dma2 semaphore(%run_scoped3A : memref<!tpu.dma_semaphore, #tpu.memory_space<semaphore_mem>>) src(%arg11 : memref<512xf32, #tpu.memory_space<vmem>>) dst(%dma_wait3A_1182 : memref<512xf32, #tpu.memory_space<hbm>>)
      tpu.yield
    }) : () -> ()
    return
  }
}

</mosaic_0001>

<sc_bundles>
// kernel: kernel.3.cloned.1.call-start
scs
__scs_entry_jumppad:
0x0: {  	(pc) =	sbr.rel $0x88, $3  }
0x1: {  	(tag) =	ssettag $0x0;
	lr =	simm.s32 $0x1  }
0x2: {  	[smem:$0x3F9E] =	sst lr;
	_ =	strace $0xD0000000  }
0x3: {  	_ = 	snop  }
0x4: {  	_ = 	snop  }
0x5: {  	_ = 	snop  }
0x6: {  	_ = 	snop  }
0x7: {  	_ = 	snop  }
__scs_overlays_trampoline_lowered:
0x8: {  	[smem:$0x3FAD] =	sst s0  }
0x9: {  	[smem:$0x3FAE] =	sst s1  }
0xa: {  	[smem:$0x3FAF] =	sst s2  }
0xb: {  	[smem:$0x3FB0] =	sst s3  }
0xc: {  	[smem:$0x3FB1] =	sst s4  }
0xd: {  	[smem:$0x3FB2] =	sst s5  }
0xe: {  	[smem:$0x3FB3] =	sst s6  }
0xf: {  	[smem:$0x3FB4] =	sst s7  }
0x10: {  	[smem:$0x3FB5] =	sst s8  }
0x11: {  	[smem:$0x3FB6] =	sst s9;
	s0 =	simm.s32 @!p0 $0x0  }
0x12: {  	s1 =	sld [smem:$0x3F9C];
	s0 =	simm.s32 @p0 $0x1  }
0x13: {  	[smem:$0x3FB7] =	sst s0;
	s0 =	simm.s32 @!p1 $0x0  }
0x14: {  	s2 =	sld [smem:$0x3F9B];
	s0 =	simm.s32 @p1 $0x1  }
0x15: {  	[smem:$0x3FB8] =	sst s0;
	s0 =	simm.s32 @!p2 $0x0  }
0x16: {  	s3 =	sld [smem:$0x3FDB];
	s0 =	simm.s32 @p2 $0x1  }
0x17: {  	s4 =	simm.s32 $0x1BF5;
	[smem:$0x3FBA] =	sst s0  }
0x18: {  	s0 =	sld [smem:$0x3F9D];
	_ =	swait.ge [sflag:s4], $0x0  }
0x19: {  	s7 =	sld [smem:$0x3F9E]  }
0x1a: {  	s8 =	sadd.s32 $0xFFFFE003, lr  }
0x1b: {  	s9 =	sadd.s32 $0xFFFFFEF7, lr;
	s5 =	simm.s32 $0xFFFFFFFF;
	p2 =	slt.u32 s8, $0xFFFFF086  }
0x1c: {  	p1 =	slt.u32 s9, $0xF7A;
	s5 =	simm.s32 @!p2 $0x0  }
0x1d: {  	s5 =	simm.s32 @p1 $0x1;
	p0 =	seq.s32 s7, s2  }
0x1e: {  	s7 =	smul.u32 @!p0 $0xF7A, s2;
	p2 =	seq.s32 @!p0 s5, $0x0  }
0x1f: {  	s9 =	smul.u32 $0xF7A, s1;
	s8 =	simm.s32 @!p0 $0x1BF5;
	p2 =	por !p2, p0  }
0x20: {  	[sflag:s8] =	ssyncset.s32 @!p0 $0xFFFFF086;
	s6 =	sadd.s32 @!p0 s3, s7;
	s7 =	simm.s32 @!p0 $0x108  }
0x21: {  	s3 =	sadd.s32 s3, s9;
	s6 =	sadd.s32 @!p0 $0x88, s6;
	s7 =	simm.s32 @p2 $0x1082  }
0x22: {  	[simem:s7], [sflag:s8] =	dma.local @!p0 [hbm:s6], $0xF7A  }
0x23: {  	s9 =	sor.u32 $0xD0000000, s2;
	s6 =	simm.s32 $0x108;
	_ =	swait.ge @!p0 [sflag:s8], $0x0  }
0x24: {  	s3 =	sadd.s32 $0x88, s3;
	s6 =	simm.s32 @!p1 $0x1082;
	[sflag:s4] =	ssyncset.s32 $0xFFFFF086  }
0x25: {  	[simem:s6], [sflag:s4] =	dma.local [hbm:s3], $0xF7A  }
0x26: {  	[smem:$0x3F9E] =	sst s1;
	(tag) =	ssettag s2;
	_ =	strace s9  }
0x27: {  	s1 =	sld [smem:$0x3FAE]  }
0x28: {  	s2 =	sld [smem:$0x3FAF]  }
0x29: {  	s4 =	sld [smem:$0x3FB1]  }
0x2a: {  	p0 =	seq.s32 s5, $0x0;
	s5 =	sld [smem:$0x3FB2]  }
0x2b: {  	s6 =	sld [smem:$0x3FB3]  }
0x2c: {  	s7 =	sld [smem:$0x3FB4]  }
0x2d: {  	s3 =	simm.s32 $0x108;
	s8 =	sld [smem:$0x3FB5]  }
0x2e: {  	s3 =	simm.s32 @!p0 $0x1082;
	s9 =	sld [smem:$0x3FB6]  }
0x2f: {  	lr =	sadd.s32 s0, s3;
	s0 =	sld [smem:$0x3FAD]  }
0x30: {  	s3 =	sld [smem:$0x3FB0]  }
0x31: {  	[smem:$0x3FB9] =	sst s10  }
0x32: {  	s10 =	sld [smem:$0x3FB7];
	_ =	sdelay $0x3  }
0x33: {  	p0 =	seq.s32 s10, $0x1;
	s10 =	sld [smem:$0x3FB9];
	_ =	sdelay $0x3  }
0x34: {  	[smem:$0x3FB9] =	sst s10  }
0x35: {  	s10 =	sld [smem:$0x3FB8];
	_ =	sdelay $0x3  }
0x36: {  	p1 =	seq.s32 s10, $0x1;
	s10 =	sld [smem:$0x3FB9];
	_ =	sdelay $0x3  }
0x37: {  	[smem:$0x3FB9] =	sst s10  }
0x38: {  	s10 =	sld [smem:$0x3FBA]  }
0x39: {  	_ = 	snop;
	(pc) =	sbr.ind lr, $3  }
0x3a: {  	_ = 	snop  }
0x3b: {  	_ = 	snop  }
0x3c: {  	p2 =	seq.s32 s10, $0x1;
	s10 =	sld [smem:$0x3FB9]  }
0x3d: {  	_ =	shalt  }
0x3e: {  	_ =	shalt  }
0x3f: {  	_ =	shalt  }
0x40: {  	_ =	shalt  }
0x41: {  	_ =	shalt  }
0x42: {  	_ =	shalt  }
0x43: {  	_ =	shalt  }
0x44: {  	_ =	shalt  }
0x45: {  	_ =	shalt  }
0x46: {  	_ =	shalt  }
0x47: {  	_ =	shalt  }
0x48: {  	_ =	shalt  }
0x49: {  	_ =	shalt  }
0x4a: {  	_ =	shalt  }
0x4b: {  	_ =	shalt  }
0x4c: {  	_ =	shalt  }
0x4d: {  	_ =	shalt  }
0x4e: {  	_ =	shalt  }
0x4f: {  	_ =	shalt  }
0x50: {  	_ =	shalt  }
0x51: {  	_ =	shalt  }
0x52: {  	_ =	shalt  }
0x53: {  	_ =	shalt  }
0x54: {  	_ =	shalt  }
0x55: {  	_ =	shalt  }
0x56: {  	_ =	shalt  }
0x57: {  	_ =	shalt  }
0x58: {  	_ =	shalt  }
0x59: {  	_ =	shalt  }
0x5a: {  	_ =	shalt  }
0x5b: {  	_ =	shalt  }
0x5c: {  	_ =	shalt  }
0x5d: {  	_ =	shalt  }
0x5e: {  	_ =	shalt  }
0x5f: {  	_ =	shalt  }
0x60: {  	_ =	shalt  }
0x61: {  	_ =	shalt  }
0x62: {  	_ =	shalt  }
0x63: {  	_ =	shalt  }
0x64: {  	_ =	shalt  }
0x65: {  	_ =	shalt  }
0x66: {  	_ =	shalt  }
0x67: {  	_ =	shalt  }
0x68: {  	_ =	shalt  }
0x69: {  	_ =	shalt  }
0x6a: {  	_ =	shalt  }
0x6b: {  	_ =	shalt  }
0x6c: {  	_ =	shalt  }
0x6d: {  	_ =	shalt  }
0x6e: {  	_ =	shalt  }
0x6f: {  	_ =	shalt  }
0x70: {  	_ =	shalt  }
0x71: {  	_ =	shalt  }
0x72: {  	_ =	shalt  }
0x73: {  	_ =	shalt  }
0x74: {  	_ =	shalt  }
0x75: {  	_ =	shalt  }
0x76: {  	_ =	shalt  }
0x77: {  	_ =	shalt  }
0x78: {  	_ =	shalt  }
0x79: {  	_ =	shalt  }
0x7a: {  	_ =	shalt  }
0x7b: {  	_ =	shalt  }
0x7c: {  	_ =	shalt  }
0x7d: {  	_ =	shalt  }
0x7e: {  	_ =	shalt  }
0x7f: {  	_ =	shalt  }
0x80: {  	_ =	shalt  }
0x81: {  	_ =	shalt  }
0x82: {  	_ =	shalt  }
0x83: {  	_ =	shalt  }
0x84: {  	_ =	shalt  }
0x85: {  	_ =	shalt  }
0x86: {  	_ =	shalt  }
0x87: {  	_ =	shalt  }
.Lfunc_end0:
.L_simem_size_0:
called_computation_lowered:
.L_overlay_start_0:
0x88: {  	s2 =	sld [smem:$0x3FD9]  }
0x89: {  	s3 =	sld [smem:$0x3FFE];
	_ =	sdelay $0x1  }
0x8a: {  	s1 =	srdreg.scid  }
0x8b: {  	s0 =	sand.u32 $0x1, s1  }
0x8c: {  	s17 =	sshll.u32 s0, $0xA;
	s2 =	sadd.s32 s3, s2  }
0x8d: {  	s2 =	sadd.s32 s2, s17  }
0x8e: {  	[smem:$0x3FC5] =	sst s2  }
0x8f: {  	_ = 	snop  }
0x90: {  	s2 =	sld [smem:$0x3FD0];
	(tm) =	ssettm $0x1  }
0x91: {  	s18 =	sld [smem:$0x3FFB];
	_ =	sdelay $0x3  }
0x92: {  	_ =	strace s18  }
0x93: {  	s3 =	sld [smem:$0x3FFC];
	_ =	sdelay $0x3  }
0x94: {  	_ =	strace s3  }
0x95: {  	s3 =	sld [smem:$0x3FFD];
	_ =	sdelay $0x3  }
0x96: {  	_ =	strace s3  }
0x97: {  	_ =	strace $0x8FFFFFFF  }
0x98: {  	s19 =	sld [smem:$0x3FDB];
	_ =	sdelay $0x1  }
0x99: {  	s4 =	simm.s32 $_scs_section_size  }
0x9a: {  	s5 =	simm.s32 $_size__tile_overlayer_lowered;
	s6 =	simm.s32 $_tile_overlayer_lowered  }
0x9b: {  	s22 =	simm.s32 $0x1BFF;
	s21 =	sshll.u32 s6, $0x1;
	s3 =	sadd.s32 s4, s19  }
0x9c: {  	s7 =	simm.s32 $0x0;
	s20 =	sshll.u32 s5, $0x1;
	s5 =	sadd.s32 s21, s3  }
0x9d: {  	[timem:s7], [sflag:s22] =	dma.local [hbm:s5], s20  }
0x9e: {  	_ =	swait.ge [sflag:s22], s20  }
0x9f: {  	s4 =	ssub.s32 $0x0, s20;
	[sflag:s22] =	ssyncset.done $0x0  }
0xa0: {  	[sflag:s22] =	ssyncadd.s32 s4;
	_ =	sdelay $0x1  }
0xa1: {  	s23 =	simm.s32 $0x1B8B  }
0xa2: {  	_ =	swait.ge [sflag:s23], $0x1  }
0xa3: {  	[sflag:s23] =	ssyncset.done $0x0  }
0xa4: {  	s25 =	simm.s32 $0x1B8E;
	s24 =	sld [smem:$0x3FFE];
	[sflag:s23] =	ssyncadd.s32 $0xFFFFFFFF  }
0xa5: {  	s26 =	simm.s32 $execute0_lowered;
	[smem:$0x3FD2] =	sst s25  }
0xa6: {  	s5 =	sshll.u32 s26, $0x1;
	_ =	strace $0x80000046;
	[dreg:$0x1] =	wrdreg $0xFFFFFFFF  }
0xa7: {  	s28 =	simm.s32 $_size_execute0_lowered;
	s3 =	sadd.s32 s3, s5;
	[dreg:$0x0] =	wrdreg $0x0  }
0xa8: {  	s5 =	sshll.u32 s28, $0x1;
	[dreg:$0x2] =	wrdreg s3  }
0xa9: {  	[dreg:$0x3] =	wrdreg s5  }
0xaa: {  	[dreg:$0x4] =	wrdreg $0xC0  }
0xab: {  	_ =	task [dreg:s7], $0x5FFFF  }
0xac: {  	[dreg:$0x1] =	wrdreg $0xFFFFFFFF  }
0xad: {  	[dreg:$0x0] =	wrdreg $0x60  }
0xae: {  	[dreg:$0x2] =	wrdreg s24  }
0xaf: {  	[dreg:$0x3] =	wrdreg s2  }
0xb0: {  	[dreg:$0x4] =	wrdreg $0x9  }
0xb1: {  	_ =	task.clear_ibuf [dreg:s7], $0x5FFFF;
	_ =	strace $0x90000046  }
0xb2: {  	s29 =	simm.s32 $0x9;
	_ =	strace $0x80000048  }
0xb3: {  	_ =	swait.ge [sflag:s29], $0x1  }
0xb4: {  	[sflag:s29] =	ssyncadd.s32 $0xFFFFFFFF  }
0xb5: {  	_ =	strace $0x90000048  }
0xb6: {  	_ =	sfence  }
0xb7: {  	s30 =	sld [smem:$0x0];
	_ =	sdelay $0x2  }
0xb8: {  	s31 =	sshll.u32 s1, $0xD;
	s1 =	sshrl.u32 s1, $0x2  }
0xb9: {  	s3 =	sand.u32 $0x4000, s31;
	s1 =	sadd.s32 s1, s30  }
0xba: {  	s0 =	sor.u32 s3, s0;
	s1 =	sshll.u32 s1, $0x11  }
0xbb: {  	s0 =	sor.u32 s1, s0  }
0xbc: {  	s0 =	sadd.s32 $0x8F2B, s0  }
0xbd: {  	[sflag:s0] =	ssyncadd.remote.s32 $0x1  }
0xbe: {  	_ =	sfence.sel $0xFFFF  }
0xbf: {  	[dreg:$0x0] =	wrdreg $0xFFFFFFFF;
	(pc) =	sbr.abs _section_cstart, $3  }
0xc0: {  	[dreg:$0x1] =	wrdreg $0xFFFFFFFF  }
0xc1: {  	_ =	task.clear_ibuf [dreg:s7], $0x2FFFF;
	_ =	strace $0x9FFFFFFF  }
0xc2: {  	(tm) =	ssettm $0x7FFFFFFF  }
0xc3: {  	_ =	shalt  }
tec
execute0_lowered:
.L_overlay_start_1:
0x0: {  	(tag) =	ssettag $0x1  }
0x1: {  	v0 =	vlaneseq.u32  }
0x2: {  	v1 =	vmul.u32 $0x80, v0  }
0x3: {  	s4 =	rddreg [dreg:$0x0]  }
0x4: {  	s7 =	rddreg [dreg:$0x1];
	v2 =	vor.u32 $0x1000, v1;
	v3 =	vor.u32 $0x1001, v1  }
0x5: {  	s0 =	rddreg [dreg:$0x2];
	s3 =	srdreg.scid;
	s2 =	simm.s32 $0x0;
	v4 =	vor.u32 $0x1002, v1;
	v5 =	vor.u32 $0x1003, v1;
	v6 =	vor.u32 $0x1004, v1  }
0x6: {  	s1 =	stileid.u32;
	s10 =	simm.s32 $0x1;
	s11 =	simm.s32 $0x400;
	v7 =	vor.u32 $0x1005, v1;
	v8 =	vor.u32 $0x1006, v1;
	v9 =	vor.u32 $0x1007, v1  }
0x7: {  	s12 =	simm.s32 $0x2400;
	s13 =	simm.s32 $0x4400;
	s14 =	simm.s32 $0x0;
	v10 =	vor.u32 $0x1008, v1;
	v11 =	vor.u32 $0x1009, v1;
	v12 =	vor.u32 $0x100A, v1  }
0x8: {  	s3 =	sand.u32 $0x1, s3;
	[smem:$0x7FF] =	sst s2;
	s5 =	sshll.u32 s1, $0x7;
	v13 =	vor.u32 $0x100B, v1;
	v14 =	vor.u32 $0x100C, v1;
	v15 =	vor.u32 $0x100D, v1  }
.Ltmp0:
0x9: {  	s6 =	sshll.u32 s3, $0x6;
	_ =	strace $0x80000047;
	v16 =	vor.u32 $0x100E, v1;
	v17 =	vor.u32 $0x100F, v1;
	v18 =	vor.u32 $0x1010, v1;
	(pc) =	sbr.rel .LBB2_1-.Ltmp0, $4  }
0xa: {  	s31 =	ssub.s32 $0x2, s3;
	s3 =	sadd.s32 $0x1600, s4;
	s8 =	sor.u32 s6, s5;
	v19 =	vor.u32 $0x1011, v1;
	v20 =	vor.u32 $0x1012, v1;
	v21 =	vor.u32 $0x1013, v1  }
0xb: {  	s9 =	sshrl.u32 s31, $0x1;
	v22 =	vor.u32 $0x1014, v1;
	v23 =	vor.u32 $0x1015, v1;
	v24 =	vor.u32 $0x1016, v1;
	s6 =	sadd.s32 s8, s4;
	s4 =	sadd.s32 $0xF43A00, s4  }
0xc: {  	v25 =	vor.u32 $0x1017, v1;
	v26 =	vor.u32 $0x1018, v1;
	v27 =	vor.u32 $0x1019, v1;
	s9 =	ssub.s32 s31, s9;
	s7 =	sadd.s32 s7, s8;
	s5 =	sadd.s32 $0xE00, s6  }
0xd: {  	v28 =	vor.u32 $0x101A, v1;
	v29 =	vor.u32 $0x101B, v1;
	v30 =	vor.u32 $0x101C, v1;
	s6 =	sadd.s32 $0x600, s6;
	s8 =	smax.u32 s9, $0x1;
	s9 =	simm.s32 $0x2  }
.LBB2_5:
0xe: {  	_ =	swait.ge [sflag:s10], $0x80  }
0xf: {  	[sflag:s10] =	ssyncset.done $0x0  }
0x10: {  	[sflag:s10] =	ssyncadd.s32 $0xFFFFFF80  }
0x11: {  	_ =	swait.ge [sflag:s10], $0x80  }
0x12: {  	[sflag:s10] =	ssyncset.done $0x0  }
0x13: {  	[sflag:s10] =	ssyncadd.s32 $0xFFFFFF80  }
0x14: {  	_ =	swait.ge [sflag:s10], $0x80  }
0x15: {  	[sflag:s10] =	ssyncset.done $0x0  }
0x16: {  	[sflag:s10] =	ssyncadd.s32 $0xFFFFFF80  }
0x17: {  	_ =	swait.ge [sflag:s10], $0x80  }
0x18: {  	[sflag:s10] =	ssyncset.done $0x0  }
0x19: {  	[sflag:s10] =	ssyncadd.s32 $0xFFFFFF80  }
0x1a: {  	_ =	swait.ge [sflag:s10], $0x80  }
0x1b: {  	[sflag:s10] =	ssyncset.done $0x0  }
0x1c: {  	[sflag:s10] =	ssyncadd.s32 $0xFFFFFF80  }
0x1d: {  	_ =	swait.ge [sflag:s10], $0x80  }
0x1e: {  	[sflag:s10] =	ssyncset.done $0x0  }
0x1f: {  	[sflag:s10] =	ssyncadd.s32 $0xFFFFFF80  }
0x20: {  	_ =	swait.ge [sflag:s10], $0x80  }
0x21: {  	[sflag:s10] =	ssyncset.done $0x0  }
0x22: {  	[sflag:s10] =	ssyncadd.s32 $0xFFFFFF80  }
0x23: {  	_ =	swait.ge [sflag:s10], $0x80  }
0x24: {  	[sflag:s10] =	ssyncset.done $0x0  }
0x25: {  	[sflag:s10] =	ssyncadd.s32 $0xFFFFFF80  }
0x26: {  	_ =	swait.ge [sflag:s10], $0x80  }
0x27: {  	[sflag:s10] =	ssyncset.done $0x0  }
0x28: {  	[sflag:s10] =	ssyncadd.s32 $0xFFFFFF80  }
0x29: {  	_ =	swait.ge [sflag:s10], $0x80  }
0x2a: {  	[sflag:s10] =	ssyncset.done $0x0  }
0x2b: {  	[sflag:s10] =	ssyncadd.s32 $0xFFFFFF80  }
0x2c: {  	_ =	swait.ge [sflag:s10], $0x80  }
0x2d: {  	[sflag:s10] =	ssyncset.done $0x0  }
0x2e: {  	[sflag:s10] =	ssyncadd.s32 $0xFFFFFF80  }
0x2f: {  	_ =	swait.ge [sflag:s10], $0x80  }
0x30: {  	[sflag:s10] =	ssyncset.done $0x0  }
0x31: {  	[sflag:s10] =	ssyncadd.s32 $0xFFFFFF80  }
0x32: {  	_ =	swait.ge [sflag:s10], $0x80  }
0x33: {  	[sflag:s10] =	ssyncset.done $0x0  }
0x34: {  	[sflag:s10] =	ssyncadd.s32 $0xFFFFFF80  }
0x35: {  	_ =	swait.ge [sflag:s10], $0x80  }
0x36: {  	[sflag:s10] =	ssyncset.done $0x0  }
0x37: {  	[sflag:s10] =	ssyncadd.s32 $0xFFFFFF80  }
0x38: {  	_ =	swait.ge [sflag:s10], $0x80  }
0x39: {  	[sflag:s10] =	ssyncset.done $0x0  }
0x3a: {  	[sflag:s10] =	ssyncadd.s32 $0xFFFFFF80  }
0x3b: {  	_ =	swait.ge [sflag:s10], $0x80  }
0x3c: {  	[sflag:s10] =	ssyncset.done $0x0  }
0x3d: {  	[sflag:s10] =	ssyncadd.s32 $0xFFFFFF80  }
0x3e: {  	_ =	swait.ge [sflag:s10], $0x80  }
0x3f: {  	[sflag:s10] =	ssyncset.done $0x0  }
0x40: {  	[sflag:s10] =	ssyncadd.s32 $0xFFFFFF80  }
0x41: {  	_ =	swait.ge [sflag:s10], $0x80  }
0x42: {  	[sflag:s10] =	ssyncset.done $0x0  }
0x43: {  	[sflag:s10] =	ssyncadd.s32 $0xFFFFFF80  }
0x44: {  	_ =	swait.ge [sflag:s10], $0x80  }
0x45: {  	[sflag:s10] =	ssyncset.done $0x0  }
0x46: {  	[sflag:s10] =	ssyncadd.s32 $0xFFFFFF80  }
0x47: {  	_ =	swait.ge [sflag:s10], $0x80  }
0x48: {  	[sflag:s10] =	ssyncset.done $0x0  }
0x49: {  	[sflag:s10] =	ssyncadd.s32 $0xFFFFFF80  }
0x4a: {  	_ =	swait.ge [sflag:s10], $0x80  }
0x4b: {  	[sflag:s10] =	ssyncset.done $0x0  }
0x4c: {  	[sflag:s10] =	ssyncadd.s32 $0xFFFFFF80  }
0x4d: {  	_ =	swait.ge [sflag:s10], $0x80  }
0x4e: {  	[sflag:s10] =	ssyncset.done $0x0  }
0x4f: {  	[sflag:s10] =	ssyncadd.s32 $0xFFFFFF80  }
0x50: {  	_ =	swait.ge [sflag:s10], $0x80  }
0x51: {  	[sflag:s10] =	ssyncset.done $0x0  }
0x52: {  	[sflag:s10] =	ssyncadd.s32 $0xFFFFFF80  }
0x53: {  	_ =	swait.ge [sflag:s10], $0x80  }
0x54: {  	[sflag:s10] =	ssyncset.done $0x0  }
0x55: {  	[sflag:s10] =	ssyncadd.s32 $0xFFFFFF80  }
0x56: {  	_ =	swait.ge [sflag:s10], $0x80  }
0x57: {  	[sflag:s10] =	ssyncset.done $0x0  }
0x58: {  	[sflag:s10] =	ssyncadd.s32 $0xFFFFFF80  }
0x59: {  	_ =	swait.ge [sflag:s10], $0x80  }
0x5a: {  	[sflag:s10] =	ssyncset.done $0x0  }
0x5b: {  	[sflag:s10] =	ssyncadd.s32 $0xFFFFFF80  }
0x5c: {  	_ =	swait.ge [sflag:s10], $0x80  }
0x5d: {  	[sflag:s10] =	ssyncset.done $0x0  }
0x5e: {  	[sflag:s10] =	ssyncadd.s32 $0xFFFFFF80  }
0x5f: {  	_ =	swait.ge [sflag:s10], $0x80  }
0x60: {  	[sflag:s10] =	ssyncset.done $0x0  }
0x61: {  	[sflag:s10] =	ssyncadd.s32 $0xFFFFFF80  }
0x62: {  	_ =	swait.ge [sflag:s10], $0x80  }
0x63: {  	[sflag:s10] =	ssyncset.done $0x0  }
0x64: {  	[sflag:s10] =	ssyncadd.s32 $0xFFFFFF80  }
0x65: {  	_ =	swait.ge [sflag:s10], $0x80  }
0x66: {  	[sflag:s10] =	ssyncset.done $0x0  }
0x67: {  	[sflag:s10] =	ssyncadd.s32 $0xFFFFFF80  }
0x68: {  	_ =	swait.ge [sflag:s10], $0x80  }
0x69: {  	[sflag:s10] =	ssyncset.done $0x0  }
0x6a: {  	[sflag:s10] =	ssyncadd.s32 $0xFFFFFF80  }
0x6b: {  	_ =	swait.ge [sflag:s10], $0x80  }
0x6c: {  	[sflag:s10] =	ssyncset.done $0x0  }
0x6d: {  	[sflag:s10] =	ssyncadd.s32 $0xFFFFFF80  }
0x6e: {  	v31 =	vld.idx.msk [tilespmem:v2+s11+$0x0], $0xffff  }
0x6f: {  	v32 =	vld.idx.msk [tilespmem:v2+s12+$0x0], $0xffff  }
0x70: {  	v33 =	vld.idx.msk [tilespmem:v3+s11+$0x0], $0xffff  }
0x71: {  	v34 =	vld.idx.msk [tilespmem:v3+s12+$0x0], $0xffff  }
0x72: {  	v35 =	vld.idx.msk [tilespmem:v4+s11+$0x0], $0xffff  }
0x73: {  	v36 =	vld.idx.msk [tilespmem:v4+s12+$0x0], $0xffff  }
0x74: {  	v52 =	vld.idx.msk [tilespmem:v5+s11+$0x0], $0xffff;
	v31 =	vmul.f32 v32, v31  }
0x75: {  	v37 =	vld.idx.msk [tilespmem:v5+s12+$0x0], $0xffff  }
0x76: {  	v53 =	vld.idx.msk [tilespmem:v6+s11+$0x0], $0xffff;
	v33 =	vmul.f32 v34, v33;
	v31 =	vadd.f32 $0.0e+00, v31  }
0x77: {  	v38 =	vld.idx.msk [tilespmem:v6+s12+$0x0], $0xffff  }
0x78: {  	v55 =	vld.idx.msk [tilespmem:v7+s11+$0x0], $0xffff;
	v54 =	vmul.f32 v36, v35;
	v31 =	vadd.f32 v33, v31  }
0x79: {  	v56 =	vld.idx.msk [tilespmem:v7+s12+$0x0], $0xffff  }
0x7a: {  	v57 =	vld.idx.msk [tilespmem:v8+s11+$0x0], $0xffff;
	v32 =	vmul.f32 v37, v52;
	v31 =	vadd.f32 v54, v31  }
0x7b: {  	v58 =	vld.idx.msk [tilespmem:v8+s12+$0x0], $0xffff  }
0x7c: {  	v60 =	vld.idx.msk [tilespmem:v9+s11+$0x0], $0xffff;
	v59 =	vmul.f32 v38, v53;
	v31 =	vadd.f32 v32, v31  }
0x7d: {  	v61 =	vld.idx.msk [tilespmem:v9+s12+$0x0], $0xffff  }
0x7e: {  	v63 =	vld.idx.msk [tilespmem:v10+s11+$0x0], $0xffff;
	v62 =	vmul.f32 v56, v55;
	v31 =	vadd.f32 v59, v31  }
0x7f: {  	v40 =	vld.idx.msk [tilespmem:v10+s12+$0x0], $0xffff  }
0x80: {  	v42 =	vld.idx.msk [tilespmem:v11+s11+$0x0], $0xffff;
	v41 =	vmul.f32 v58, v57;
	v31 =	vadd.f32 v62, v31  }
0x81: {  	v43 =	vld.idx.msk [tilespmem:v11+s12+$0x0], $0xffff  }
0x82: {  	v45 =	vld.idx.msk [tilespmem:v12+s11+$0x0], $0xffff;
	v44 =	vmul.f32 v61, v60;
	v31 =	vadd.f32 v41, v31  }
0x83: {  	v46 =	vld.idx.msk [tilespmem:v12+s12+$0x0], $0xffff  }
0x84: {  	v48 =	vld.idx.msk [tilespmem:v13+s11+$0x0], $0xffff;
	v47 =	vmul.f32 v40, v63;
	v31 =	vadd.f32 v44, v31  }
0x85: {  	v49 =	vld.idx.msk [tilespmem:v13+s12+$0x0], $0xffff  }
0x86: {  	v51 =	vld.idx.msk [tilespmem:v14+s11+$0x0], $0xffff;
	v50 =	vmul.f32 v43, v42;
	v31 =	vadd.f32 v47, v31  }
0x87: {  	v52 =	vld.idx.msk [tilespmem:v14+s12+$0x0], $0xffff  }
0x88: {  	v53 =	vmul.f32 v46, v45;
	v55 =	vld.idx.msk [tilespmem:v15+s12+$0x0], $0xffff;
	v31 =	vadd.f32 v50, v31  }
0x89: {  	v54 =	vld.idx.msk [tilespmem:v15+s11+$0x0], $0xffff  }
0x8a: {  	v56 =	vmul.f32 v49, v48;
	v57 =	vld.idx.msk [tilespmem:v16+s11+$0x0], $0xffff;
	v31 =	vadd.f32 v53, v31  }
0x8b: {  	v58 =	vld.idx.msk [tilespmem:v16+s12+$0x0], $0xffff  }
0x8c: {  	v60 =	vld.idx.msk [tilespmem:v17+s11+$0x0], $0xffff;
	v59 =	vmul.f32 v52, v51;
	v31 =	vadd.f32 v56, v31  }
0x8d: {  	v61 =	vld.idx.msk [tilespmem:v17+s12+$0x0], $0xffff  }
0x8e: {  	v63 =	vld.idx.msk [tilespmem:v18+s11+$0x0], $0xffff;
	v62 =	vmul.f32 v55, v54;
	v31 =	vadd.f32 v59, v31  }
0x8f: {  	v40 =	vld.idx.msk [tilespmem:v18+s12+$0x0], $0xffff  }
0x90: {  	v42 =	vld.idx.msk [tilespmem:v19+s11+$0x0], $0xffff;
	v41 =	vmul.f32 v58, v57;
	v31 =	vadd.f32 v62, v31  }
0x91: {  	v43 =	vld.idx.msk [tilespmem:v19+s12+$0x0], $0xffff  }
0x92: {  	v45 =	vld.idx.msk [tilespmem:v20+s11+$0x0], $0xffff;
	v44 =	vmul.f32 v61, v60;
	v31 =	vadd.f32 v41, v31  }
0x93: {  	v46 =	vld.idx.msk [tilespmem:v20+s12+$0x0], $0xffff  }
0x94: {  	v48 =	vld.idx.msk [tilespmem:v21+s11+$0x0], $0xffff;
	v47 =	vmul.f32 v40, v63;
	v31 =	vadd.f32 v44, v31  }
0x95: {  	v49 =	vld.idx.msk [tilespmem:v21+s12+$0x0], $0xffff  }
0x96: {  	v51 =	vld.idx.msk [tilespmem:v22+s11+$0x0], $0xffff;
	v50 =	vmul.f32 v43, v42;
	v31 =	vadd.f32 v47, v31  }
0x97: {  	v52 =	vld.idx.msk [tilespmem:v22+s12+$0x0], $0xffff  }
0x98: {  	v54 =	vld.idx.msk [tilespmem:v23+s11+$0x0], $0xffff;
	v53 =	vmul.f32 v46, v45;
	v31 =	vadd.f32 v50, v31  }
0x99: {  	v55 =	vld.idx.msk [tilespmem:v23+s12+$0x0], $0xffff  }
0x9a: {  	v57 =	vld.idx.msk [tilespmem:v24+s11+$0x0], $0xffff;
	v56 =	vmul.f32 v49, v48;
	v31 =	vadd.f32 v53, v31  }
0x9b: {  	v58 =	vld.idx.msk [tilespmem:v24+s12+$0x0], $0xffff  }
0x9c: {  	v60 =	vld.idx.msk [tilespmem:v25+s11+$0x0], $0xffff;
	v59 =	vmul.f32 v52, v51;
	v31 =	vadd.f32 v56, v31  }
0x9d: {  	v61 =	vld.idx.msk [tilespmem:v25+s12+$0x0], $0xffff  }
0x9e: {  	v63 =	vld.idx.msk [tilespmem:v26+s11+$0x0], $0xffff;
	v62 =	vmul.f32 v55, v54;
	v31 =	vadd.f32 v59, v31  }
0x9f: {  	v42 =	vld.idx.msk [tilespmem:v26+s12+$0x0], $0xffff  }
0xa0: {  	v43 =	vmul.f32 v58, v57;
	v45 =	vld.idx.msk [tilespmem:v27+s12+$0x0], $0xffff;
	v31 =	vadd.f32 v62, v31  }
0xa1: {  	v44 =	vld.idx.msk [tilespmem:v27+s11+$0x0], $0xffff  }
0xa2: {  	v46 =	vmul.f32 v61, v60;
	v48 =	vld.idx.msk [tilespmem:v28+s12+$0x0], $0xffff;
	v31 =	vadd.f32 v43, v31  }
0xa3: {  	v39 =	vor.u32 $0x101D, v1;
	v47 =	vld.idx.msk [tilespmem:v28+s11+$0x0], $0xffff  }
0xa4: {  	v49 =	vmul.f32 v42, v63;
	v51 =	vld.idx.msk [tilespmem:v29+s12+$0x0], $0xffff;
	v31 =	vadd.f32 v46, v31  }
0xa5: {  	v40 =	vor.u32 $0x101E, v1;
	v50 =	vld.idx.msk [tilespmem:v29+s11+$0x0], $0xffff  }
0xa6: {  	v54 =	vld.idx.msk [tilespmem:v30+s12+$0x0], $0xffff;
	v52 =	vmul.f32 v45, v44;
	v31 =	vadd.f32 v49, v31  }
0xa7: {  	v41 =	vor.u32 $0x101F, v1;
	v53 =	vld.idx.msk [tilespmem:v30+s11+$0x0], $0xffff  }
0xa8: {  	v57 =	vld.idx.msk [tilespmem:v39+s12+$0x0], $0xffff;
	v55 =	vmul.f32 v48, v47;
	v31 =	vadd.f32 v52, v31  }
0xa9: {  	v56 =	vld.idx.msk [tilespmem:v39+s11+$0x0], $0xffff  }
0xaa: {  	v60 =	vld.idx.msk [tilespmem:v40+s12+$0x0], $0xffff;
	v58 =	vmul.f32 v51, v50;
	v31 =	vadd.f32 v55, v31  }
0xab: {  	v59 =	vld.idx.msk [tilespmem:v40+s11+$0x0], $0xffff  }
0xac: {  	v63 =	vld.idx.msk [tilespmem:v41+s12+$0x0], $0xffff;
	v61 =	vmul.f32 v54, v53;
	v31 =	vadd.f32 v58, v31  }
0xad: {  	v62 =	vld.idx.msk [tilespmem:v41+s11+$0x0], $0xffff  }
0xae: {  	v40 =	vmul.f32 v57, v56;
	v31 =	vadd.f32 v61, v31;
	_ =	sdelay $0x1  }
0xaf: {  	v41 =	vmul.f32 v60, v59;
	v31 =	vadd.f32 v40, v31  }
0xb0: {  	v42 =	vor.u32 $0x1E0, v0  }
0xb1: {  	v43 =	vmul.f32 v63, v62;
	v31 =	vadd.f32 v41, v31;
	_ =	sdelay $0x1  }
0xb2: {  	v31 =	vadd.f32 v43, v31;
	_ =	sdelay $0x1  }
0xb3: {  	[tilespmem:v42+s13+$0x0] =	vst.idx.msk $0xffff, v31  }
0xb4: {  	_ =	swait.ge [sflag:s10], $0x80  }
0xb5: {  	[sflag:s10] =	ssyncset.done $0x0  }
0xb6: {  	[sflag:s10] =	ssyncadd.s32 $0xFFFFFF80  }
0xb7: {  	_ =	swait.ge [sflag:s10], $0x80  }
0xb8: {  	[sflag:s10] =	ssyncset.done $0x0  }
0xb9: {  	[sflag:s10] =	ssyncadd.s32 $0xFFFFFF80  }
0xba: {  	_ =	swait.ge [sflag:s10], $0x80  }
0xbb: {  	[sflag:s10] =	ssyncset.done $0x0  }
0xbc: {  	[sflag:s10] =	ssyncadd.s32 $0xFFFFFF80  }
0xbd: {  	_ =	swait.ge [sflag:s10], $0x80  }
0xbe: {  	[sflag:s10] =	ssyncset.done $0x0  }
0xbf: {  	[sflag:s10] =	ssyncadd.s32 $0xFFFFFF80  }
0xc0: {  	_ =	swait.ge [sflag:s10], $0x80  }
0xc1: {  	[sflag:s10] =	ssyncset.done $0x0  }
0xc2: {  	[sflag:s10] =	ssyncadd.s32 $0xFFFFFF80  }
0xc3: {  	_ =	swait.ge [sflag:s10], $0x80  }
0xc4: {  	[sflag:s10] =	ssyncset.done $0x0  }
0xc5: {  	[sflag:s10] =	ssyncadd.s32 $0xFFFFFF80  }
0xc6: {  	_ =	swait.ge [sflag:s10], $0x80  }
0xc7: {  	[sflag:s10] =	ssyncset.done $0x0  }
0xc8: {  	[sflag:s10] =	ssyncadd.s32 $0xFFFFFF80  }
0xc9: {  	_ =	swait.ge [sflag:s10], $0x80  }
0xca: {  	[sflag:s10] =	ssyncset.done $0x0  }
0xcb: {  	[sflag:s10] =	ssyncadd.s32 $0xFFFFFF80  }
0xcc: {  	_ =	swait.ge [sflag:s10], $0x80  }
0xcd: {  	[sflag:s10] =	ssyncset.done $0x0  }
0xce: {  	[sflag:s10] =	ssyncadd.s32 $0xFFFFFF80  }
0xcf: {  	_ =	swait.ge [sflag:s10], $0x80  }
0xd0: {  	[sflag:s10] =	ssyncset.done $0x0  }
0xd1: {  	[sflag:s10] =	ssyncadd.s32 $0xFFFFFF80  }
0xd2: {  	_ =	swait.ge [sflag:s10], $0x80  }
0xd3: {  	[sflag:s10] =	ssyncset.done $0x0  }
0xd4: {  	[sflag:s10] =	ssyncadd.s32 $0xFFFFFF80  }
0xd5: {  	_ =	swait.ge [sflag:s10], $0x80  }
0xd6: {  	[sflag:s10] =	ssyncset.done $0x0  }
0xd7: {  	[sflag:s10] =	ssyncadd.s32 $0xFFFFFF80  }
0xd8: {  	_ =	swait.ge [sflag:s10], $0x80  }
0xd9: {  	[sflag:s10] =	ssyncset.done $0x0  }
0xda: {  	[sflag:s10] =	ssyncadd.s32 $0xFFFFFF80  }
0xdb: {  	_ =	swait.ge [sflag:s10], $0x80  }
0xdc: {  	[sflag:s10] =	ssyncset.done $0x0  }
0xdd: {  	[sflag:s10] =	ssyncadd.s32 $0xFFFFFF80  }
0xde: {  	_ =	swait.ge [sflag:s10], $0x80  }
0xdf: {  	[sflag:s10] =	ssyncset.done $0x0  }
0xe0: {  	[sflag:s10] =	ssyncadd.s32 $0xFFFFFF80  }
0xe1: {  	_ =	swait.ge [sflag:s10], $0x80  }
0xe2: {  	[sflag:s10] =	ssyncset.done $0x0  }
0xe3: {  	[sflag:s10] =	ssyncadd.s32 $0xFFFFFF80  }
0xe4: {  	_ =	swait.ge [sflag:s10], $0x80  }
0xe5: {  	[sflag:s10] =	ssyncset.done $0x0  }
0xe6: {  	[sflag:s10] =	ssyncadd.s32 $0xFFFFFF80  }
0xe7: {  	_ =	swait.ge [sflag:s10], $0x80  }
0xe8: {  	[sflag:s10] =	ssyncset.done $0x0  }
0xe9: {  	[sflag:s10] =	ssyncadd.s32 $0xFFFFFF80  }
0xea: {  	_ =	swait.ge [sflag:s10], $0x80  }
0xeb: {  	[sflag:s10] =	ssyncset.done $0x0  }
0xec: {  	[sflag:s10] =	ssyncadd.s32 $0xFFFFFF80  }
0xed: {  	_ =	swait.ge [sflag:s10], $0x80  }
0xee: {  	[sflag:s10] =	ssyncset.done $0x0  }
0xef: {  	[sflag:s10] =	ssyncadd.s32 $0xFFFFFF80  }
0xf0: {  	_ =	swait.ge [sflag:s10], $0x80  }
0xf1: {  	[sflag:s10] =	ssyncset.done $0x0  }
0xf2: {  	[sflag:s10] =	ssyncadd.s32 $0xFFFFFF80  }
0xf3: {  	_ =	swait.ge [sflag:s10], $0x80  }
0xf4: {  	[sflag:s10] =	ssyncset.done $0x0  }
0xf5: {  	[sflag:s10] =	ssyncadd.s32 $0xFFFFFF80  }
0xf6: {  	_ =	swait.ge [sflag:s10], $0x80  }
0xf7: {  	[sflag:s10] =	ssyncset.done $0x0  }
0xf8: {  	[sflag:s10] =	ssyncadd.s32 $0xFFFFFF80  }
0xf9: {  	_ =	swait.ge [sflag:s10], $0x80  }
0xfa: {  	[sflag:s10] =	ssyncset.done $0x0  }
0xfb: {  	[sflag:s10] =	ssyncadd.s32 $0xFFFFFF80  }
0xfc: {  	_ =	swait.ge [sflag:s10], $0x80  }
0xfd: {  	[sflag:s10] =	ssyncset.done $0x0  }
0xfe: {  	[sflag:s10] =	ssyncadd.s32 $0xFFFFFF80  }
0xff: {  	_ =	swait.ge [sflag:s10], $0x80  }
0x100: {  	[sflag:s10] =	ssyncset.done $0x0  }
0x101: {  	[sflag:s10] =	ssyncadd.s32 $0xFFFFFF80  }
0x102: {  	_ =	swait.ge [sflag:s10], $0x80  }
0x103: {  	[sflag:s10] =	ssyncset.done $0x0  }
0x104: {  	[sflag:s10] =	ssyncadd.s32 $0xFFFFFF80  }
0x105: {  	_ =	swait.ge [sflag:s10], $0x80  }
0x106: {  	[sflag:s10] =	ssyncset.done $0x0  }
0x107: {  	[sflag:s10] =	ssyncadd.s32 $0xFFFFFF80  }
0x108: {  	_ =	swait.ge [sflag:s10], $0x80  }
0x109: {  	[sflag:s10] =	ssyncset.done $0x0  }
0x10a: {  	[sflag:s10] =	ssyncadd.s32 $0xFFFFFF80  }
0x10b: {  	_ =	swait.ge [sflag:s10], $0x80  }
0x10c: {  	[sflag:s10] =	ssyncset.done $0x0  }
0x10d: {  	[sflag:s10] =	ssyncadd.s32 $0xFFFFFF80  }
0x10e: {  	_ =	swait.ge [sflag:s10], $0x80  }
0x10f: {  	v31 =	vor.u32 $0x1800, v1;
	[sflag:s10] =	ssyncset.done $0x0  }
0x110: {  	[sflag:s10] =	ssyncadd.s32 $0xFFFFFF80  }
0x111: {  	v44 =	vor.u32 $0x1801, v1;
	_ =	swait.ge [sflag:s10], $0x80  }
0x112: {  	[sflag:s10] =	ssyncset.done $0x0  }
0x113: {  	v45 =	vor.u32 $0x1802, v1;
	[sflag:s10] =	ssyncadd.s32 $0xFFFFFF80  }
0x114: {  	v46 =	vld.idx.msk [tilespmem:v31+s11+$0x0], $0xffff  }
0x115: {  	v47 =	vor.u32 $0x1803, v1;
	v31 =	vld.idx.msk [tilespmem:v31+s12+$0x0], $0xffff  }
0x116: {  	v48 =	vld.idx.msk [tilespmem:v44+s11+$0x0], $0xffff  }
0x117: {  	v49 =	vor.u32 $0x1804, v1;
	v32 =	vld.idx.msk [tilespmem:v44+s12+$0x0], $0xffff  }
0x118: {  	v50 =	vld.idx.msk [tilespmem:v45+s11+$0x0], $0xffff  }
0x119: {  	v51 =	vor.u32 $0x1805, v1;
	v33 =	vld.idx.msk [tilespmem:v45+s12+$0x0], $0xffff  }
0x11a: {  	v52 =	vld.idx.msk [tilespmem:v47+s11+$0x0], $0xffff;
	v31 =	vmul.f32 v31, v46  }
0x11b: {  	v53 =	vor.u32 $0x1806, v1;
	v35 =	vld.idx.msk [tilespmem:v47+s12+$0x0], $0xffff  }
0x11c: {  	v54 =	vld.idx.msk [tilespmem:v49+s11+$0x0], $0xffff;
	v32 =	vmul.f32 v32, v48;
	v31 =	vadd.f32 $0.0e+00, v31  }
0x11d: {  	v55 =	vor.u32 $0x1807, v1;
	v37 =	vld.idx.msk [tilespmem:v49+s12+$0x0], $0xffff  }
0x11e: {  	v57 =	vld.idx.msk [tilespmem:v51+s11+$0x0], $0xffff;
	v56 =	vmul.f32 v33, v50;
	v31 =	vadd.f32 v32, v31  }
0x11f: {  	v59 =	vor.u32 $0x1808, v1;
	v58 =	vld.idx.msk [tilespmem:v51+s12+$0x0], $0xffff  }
0x120: {  	v61 =	vld.idx.msk [tilespmem:v53+s11+$0x0], $0xffff;
	v60 =	vmul.f32 v35, v52;
	v31 =	vadd.f32 v56, v31  }
0x121: {  	v63 =	vor.u32 $0x1809, v1;
	v62 =	vld.idx.msk [tilespmem:v53+s12+$0x0], $0xffff  }
0x122: {  	v45 =	vld.idx.msk [tilespmem:v55+s11+$0x0], $0xffff;
	v44 =	vmul.f32 v37, v54;
	v31 =	vadd.f32 v60, v31  }
0x123: {  	v47 =	vor.u32 $0x180A, v1;
	v46 =	vld.idx.msk [tilespmem:v55+s12+$0x0], $0xffff  }
0x124: {  	v49 =	vld.idx.msk [tilespmem:v59+s11+$0x0], $0xffff;
	v48 =	vmul.f32 v58, v57;
	v31 =	vadd.f32 v44, v31  }
0x125: {  	v51 =	vor.u32 $0x180B, v1;
	v50 =	vld.idx.msk [tilespmem:v59+s12+$0x0], $0xffff  }
0x126: {  	v53 =	vld.idx.msk [tilespmem:v63+s11+$0x0], $0xffff;
	v52 =	vmul.f32 v62, v61;
	v31 =	vadd.f32 v48, v31  }
0x127: {  	v54 =	vld.idx.msk [tilespmem:v63+s12+$0x0], $0xffff;
	v55 =	vor.u32 $0x180C, v1  }
0x128: {  	v57 =	vld.idx.msk [tilespmem:v47+s11+$0x0], $0xffff;
	v56 =	vmul.f32 v46, v45;
	v31 =	vadd.f32 v52, v31  }
0x129: {  	v58 =	vld.idx.msk [tilespmem:v47+s12+$0x0], $0xffff;
	v59 =	vor.u32 $0x180D, v1  }
0x12a: {  	v61 =	vld.idx.msk [tilespmem:v51+s11+$0x0], $0xffff;
	v60 =	vmul.f32 v50, v49;
	v31 =	vadd.f32 v56, v31  }
0x12b: {  	v62 =	vld.idx.msk [tilespmem:v51+s12+$0x0], $0xffff;
	v63 =	vor.u32 $0x180E, v1  }
0x12c: {  	v45 =	vld.idx.msk [tilespmem:v55+s11+$0x0], $0xffff;
	v44 =	vmul.f32 v54, v53;
	v31 =	vadd.f32 v60, v31  }
0x12d: {  	v47 =	vor.u32 $0x180F, v1;
	v46 =	vld.idx.msk [tilespmem:v55+s12+$0x0], $0xffff  }
0x12e: {  	v49 =	vld.idx.msk [tilespmem:v59+s11+$0x0], $0xffff;
	v48 =	vmul.f32 v58, v57;
	v31 =	vadd.f32 v44, v31  }
0x12f: {  	v51 =	vor.u32 $0x1810, v1;
	v50 =	vld.idx.msk [tilespmem:v59+s12+$0x0], $0xffff  }
0x130: {  	v53 =	vld.idx.msk [tilespmem:v63+s11+$0x0], $0xffff;
	v52 =	vmul.f32 v62, v61;
	v31 =	vadd.f32 v48, v31  }
0x131: {  	v55 =	vor.u32 $0x1811, v1;
	v54 =	vld.idx.msk [tilespmem:v63+s12+$0x0], $0xffff  }
0x132: {  	v57 =	vld.idx.msk [tilespmem:v47+s11+$0x0], $0xffff;
	v56 =	vmul.f32 v46, v45;
	v31 =	vadd.f32 v52, v31  }
0x133: {  	v59 =	vor.u32 $0x1812, v1;
	v58 =	vld.idx.msk [tilespmem:v47+s12+$0x0], $0xffff  }
0x134: {  	v61 =	vld.idx.msk [tilespmem:v51+s11+$0x0], $0xffff;
	v60 =	vmul.f32 v50, v49;
	v31 =	vadd.f32 v56, v31  }
0x135: {  	v63 =	vor.u32 $0x1813, v1;
	v62 =	vld.idx.msk [tilespmem:v51+s12+$0x0], $0xffff  }
0x136: {  	v43 =	vmul.f32 v54, v53;
	v45 =	vld.idx.msk [tilespmem:v55+s12+$0x0], $0xffff;
	v31 =	vadd.f32 v60, v31  }
0x137: {  	v46 =	vor.u32 $0x1814, v1;
	v44 =	vld.idx.msk [tilespmem:v55+s11+$0x0], $0xffff  }
0x138: {  	v47 =	vmul.f32 v58, v57;
	v49 =	vld.idx.msk [tilespmem:v59+s12+$0x0], $0xffff;
	v31 =	vadd.f32 v43, v31  }
0x139: {  	v50 =	vor.u32 $0x1815, v1;
	v48 =	vld.idx.msk [tilespmem:v59+s11+$0x0], $0xffff  }
0x13a: {  	v53 =	vld.idx.msk [tilespmem:v63+s12+$0x0], $0xffff;
	v51 =	vmul.f32 v62, v61;
	v31 =	vadd.f32 v47, v31  }
0x13b: {  	v54 =	vor.u32 $0x1816, v1;
	v52 =	vld.idx.msk [tilespmem:v63+s11+$0x0], $0xffff  }
0x13c: {  	v57 =	vld.idx.msk [tilespmem:v46+s12+$0x0], $0xffff;
	v55 =	vmul.f32 v45, v44;
	v31 =	vadd.f32 v51, v31  }
0x13d: {  	v58 =	vor.u32 $0x1817, v1;
	v56 =	vld.idx.msk [tilespmem:v46+s11+$0x0], $0xffff  }
0x13e: {  	v61 =	vld.idx.msk [tilespmem:v50+s12+$0x0], $0xffff;
	v59 =	vmul.f32 v49, v48;
	v31 =	vadd.f32 v55, v31  }
0x13f: {  	v62 =	vor.u32 $0x1818, v1;
	v60 =	vld.idx.msk [tilespmem:v50+s11+$0x0], $0xffff  }
0x140: {  	v44 =	vld.idx.msk [tilespmem:v54+s11+$0x0], $0xffff;
	v63 =	vmul.f32 v53, v52;
	v31 =	vadd.f32 v59, v31  }
0x141: {  	v45 =	vld.idx.msk [tilespmem:v54+s12+$0x0], $0xffff;
	v46 =	vor.u32 $0x1819, v1  }
0x142: {  	v48 =	vld.idx.msk [tilespmem:v58+s11+$0x0], $0xffff;
	v47 =	vmul.f32 v57, v56;
	v31 =	vadd.f32 v63, v31  }
0x143: {  	v49 =	vld.idx.msk [tilespmem:v58+s12+$0x0], $0xffff;
	v50 =	vor.u32 $0x181A, v1  }
0x144: {  	v52 =	vld.idx.msk [tilespmem:v62+s11+$0x0], $0xffff;
	v51 =	vmul.f32 v61, v60;
	v31 =	vadd.f32 v47, v31  }
0x145: {  	v54 =	vor.u32 $0x181B, v1;
	v53 =	vld.idx.msk [tilespmem:v62+s12+$0x0], $0xffff  }
0x146: {  	v56 =	vld.idx.msk [tilespmem:v46+s11+$0x0], $0xffff;
	v55 =	vmul.f32 v45, v44;
	v31 =	vadd.f32 v51, v31  }
0x147: {  	v58 =	vor.u32 $0x181C, v1;
	v57 =	vld.idx.msk [tilespmem:v46+s12+$0x0], $0xffff  }
0x148: {  	v60 =	vld.idx.msk [tilespmem:v50+s11+$0x0], $0xffff;
	v59 =	vmul.f32 v49, v48;
	v31 =	vadd.f32 v55, v31  }
0x149: {  	v62 =	vor.u32 $0x181D, v1;
	v61 =	vld.idx.msk [tilespmem:v50+s12+$0x0], $0xffff  }
0x14a: {  	v44 =	vld.idx.msk [tilespmem:v54+s11+$0x0], $0xffff;
	v63 =	vmul.f32 v53, v52;
	v31 =	vadd.f32 v59, v31  }
0x14b: {  	v46 =	vor.u32 $0x181E, v1;
	v45 =	vld.idx.msk [tilespmem:v54+s12+$0x0], $0xffff  }
0x14c: {  	v48 =	vld.idx.msk [tilespmem:v58+s11+$0x0], $0xffff;
	v47 =	vmul.f32 v57, v56;
	v31 =	vadd.f32 v63, v31  }
0x14d: {  	v50 =	vor.u32 $0x181F, v1;
	v49 =	vld.idx.msk [tilespmem:v58+s12+$0x0], $0xffff  }
0x14e: {  	v52 =	vld.idx.msk [tilespmem:v62+s11+$0x0], $0xffff;
	v51 =	vmul.f32 v61, v60;
	v31 =	vadd.f32 v47, v31  }
0x14f: {  	v53 =	vld.idx.msk [tilespmem:v62+s12+$0x0], $0xffff  }
0x150: {  	v54 =	vmul.f32 v45, v44;
	v56 =	vld.idx.msk [tilespmem:v46+s12+$0x0], $0xffff;
	v31 =	vadd.f32 v51, v31  }
0x151: {  	v55 =	vld.idx.msk [tilespmem:v46+s11+$0x0], $0xffff  }
0x152: {  	v58 =	vld.idx.msk [tilespmem:v50+s11+$0x0], $0xffff;
	v57 =	vmul.f32 v49, v48;
	v31 =	vadd.f32 v54, v31  }
0x153: {  	v59 =	vld.idx.msk [tilespmem:v50+s12+$0x0], $0xffff  }
0x154: {  	v60 =	vmul.f32 v53, v52;
	v31 =	vadd.f32 v57, v31;
	_ =	sdelay $0x1  }
0x155: {  	v61 =	vmul.f32 v56, v55;
	v31 =	vadd.f32 v60, v31  }
0x156: {  	v62 =	vor.u32 $0x1F0, v0  }
0x157: {  	v63 =	vmul.f32 v59, v58;
	v31 =	vadd.f32 v61, v31;
	_ =	sdelay $0x1  }
0x158: {  	s14 =	sadd.s32 $0x1, s14;
	v31 =	vadd.f32 v63, v31  }
0x159: {  	p0 =	sne.s32 s14, s8  }
.Ltmp1:
0x15a: {  	[tilespmem:v62+s13+$0x0] =	vst.idx.msk $0xffff, v31;
	(pc) =	sbr.rel @!p0 .LBB2_6-.Ltmp1, $4  }
0x15b: {  	[hbm4b:s7+s2] =	stream.linear.scatter [tilespmem:s13], [sflag:$0x2], $0x200, $0x38;
	[tilespmem:$0x4600] =	vst v63  }
0x15c: {  	_ =	swait.ge [sflag:s9], $0x200  }
0x15d: {  	[sflag:s9] =	ssyncset.done $0x0  }
0x15e: {  	[sflag:s9] =	ssyncadd.s32 $0xFFFFFE00  }
.LBB2_1:
0x15f: {  	[tilespmem:s2], [sflag:$0x2] =	stream.linear.gather [hbm4b:s5+s2], $0x200, $0x38;
	[tilespmem:$0x4600] =	vst v63  }
0x160: {  	_ =	swait.ge [sflag:s9], $0x200  }
0x161: {  	[sflag:s9] =	ssyncset.done $0x0  }
.Ltmp2:
0x162: {  	s15 =	simm.s32 $0x200;
	[sflag:s9] =	ssyncadd.s32 $0xFFFFFE00;
	(pc) =	sbr.rel .LBB2_2-.Ltmp2, $4  }
0x163: {  	[tilespmem:s15], [sflag:$0x2] =	stream.linear.gather [hbm4b:s6+s2], $0x200, $0x38;
	[tilespmem:$0x4600] =	vst v63  }
0x164: {  	_ =	swait.ge [sflag:s9], $0x200  }
0x165: {  	s16 =	simm.s32 $0xFFFFFFE0;
	s17 =	simm.s32 $0x0;
	[sflag:s9] =	ssyncset.done $0x0  }
0x166: {  	s18 =	simm.s32 $0x0;
	s19 =	simm.s32 $0x0;
	[sflag:s9] =	ssyncadd.s32 $0xFFFFFE00  }
.LBB2_4:
0x167: {  	s16 =	sadd.s32 $0x10, s16  }
0x168: {  	p0 =	sne.s32 s16, $0x1E0  }
.Ltmp3:
0x169: {  	_ = 	snop;
	(pc) =	sbr.rel @!p0 .LBB2_5-.Ltmp3, $3  }
0x16a: {  	_ =	sdelay $0x1  }
0x16b: {  	s19 =	sadd.s32 $0x1, s19  }
0x16c: {  	s18 =	sadd.s32 $0x10, s18;
	s15 =	sadd.s32 $0x10, s15;
	s17 =	sadd.s32 $0x800, s17  }
.LBB2_2:
0x16d: {  	v31 =	vld [tilespmem:s18+$0x0];
	_ =	sdelay $0x1  }
0x16e: {  	v33 =	vld [tilespmem:s15+$0x0];
	_ =	sdelay $0x2  }
0x16f: {  	v32 =	vshll.u32 v31, $0x4  }
0x170: {  	(v2sf) =	vpush v32, $0x0  }
0x171: {  	v31 =	vshll.u32 v33, $0x4  }
0x172: {  	(v2sf) =	vpush v31, $0x0;
	_ =	sdelay $0x1  }
0x173: {  	(v2sf) =	vpush v32, $0x1;
	_ =	sdelay $0x2  }
0x174: {  	(v2sf) =	vpush v31, $0x1;
	_ =	sdelay $0x7  }
0x175: {  	s21 =	spop (v2sf);
	(v2sf) =	vpush v32, $0x2;
	_ =	sdelay $0x1  }
0x176: {  	s28 =	spop (v2sf);
	(v2sf) =	vpush v31, $0x2;
	_ =	sdelay $0x1  }
0x177: {  	s30 =	spop (v2sf);
	(v2sf) =	vpush v32, $0x3;
	_ =	sdelay $0x2  }
0x178: {  	s23 =	spop (v2sf);
	(v2sf) =	vpush v31, $0x3;
	_ =	sdelay $0x4  }
0x179: {  	s20 =	sand.u32 $0x1800, s17;
	s21 =	sand.u32 $0x1FFFFFF0, s21  }
0x17a: {  	s22 =	sor.u32 $0x400, s20;
	s21 =	sadd.s32 s3, s21  }
0x17b: {  	[tilespmem:s22], [sflag:$0x1] =	stream.linear.gather [hbm4b:s21+s2], $0x80, $0x38;
	[tilespmem:$0x4600] =	vst v63  }
0x17c: {  	s25 =	spop (v2sf);
	(v2sf) =	vpush v32, $0x4  }
0x17d: {  	s21 =	sand.u32 $0x1FFFFFF0, s28  }
0x17e: {  	s29 =	sor.u32 $0x2400, s20;
	s21 =	sadd.s32 s4, s21;
	s28 =	spop (v2sf);
	(v2sf) =	vpush v31, $0x4  }
0x17f: {  	[tilespmem:s29], [sflag:$0x1] =	stream.linear.gather [hbm4b:s21+s2], $0x80, $0x38;
	[tilespmem:$0x4600] =	vst v63  }
0x180: {  	s21 =	sand.u32 $0x1FFFFFF0, s30;
	s30 =	spop (v2sf);
	(v2sf) =	vpush v32, $0x5  }
0x181: {  	s31 =	sor.u32 $0x480, s20;
	s21 =	sadd.s32 s3, s21  }
0x182: {  	[tilespmem:s31], [sflag:$0x1] =	stream.linear.gather [hbm4b:s21+s2], $0x80, $0x38;
	[tilespmem:$0x4600] =	vst v63  }
0x183: {  	s21 =	sand.u32 $0x1FFFFFF0, s23;
	s23 =	spop (v2sf);
	(v2sf) =	vpush v31, $0x5;
	_ =	sdelay $0x1  }
0x184: {  	s24 =	sor.u32 $0x2480, s20;
	s21 =	sadd.s32 s4, s21  }
0x185: {  	[tilespmem:s24], [sflag:$0x1] =	stream.linear.gather [hbm4b:s21+s2], $0x80, $0x38;
	[tilespmem:$0x4600] =	vst v63  }
0x186: {  	s21 =	sand.u32 $0x1FFFFFF0, s25  }
0x187: {  	s26 =	sor.u32 $0x500, s20;
	s21 =	sadd.s32 s3, s21  }
0x188: {  	[tilespmem:s26], [sflag:$0x1] =	stream.linear.gather [hbm4b:s21+s2], $0x80, $0x38;
	[tilespmem:$0x4600] =	vst v63  }
0x189: {  	s21 =	sand.u32 $0x1FFFFFF0, s28  }
0x18a: {  	s29 =	sor.u32 $0x2500, s20;
	s21 =	sadd.s32 s4, s21;
	s25 =	spop (v2sf);
	(v2sf) =	vpush v32, $0x6  }
0x18b: {  	[tilespmem:s29], [sflag:$0x1] =	stream.linear.gather [hbm4b:s21+s2], $0x80, $0x38;
	[tilespmem:$0x4600] =	vst v63  }
0x18c: {  	s28 =	spop (v2sf);
	(v2sf) =	vpush v31, $0x6  }
0x18d: {  	s21 =	sand.u32 $0x1FFFFFF0, s30  }
0x18e: {  	s31 =	sor.u32 $0x580, s20;
	s21 =	sadd.s32 s3, s21;
	s30 =	spop (v2sf);
	(v2sf) =	vpush v32, $0x7  }
0x18f: {  	[tilespmem:s31], [sflag:$0x1] =	stream.linear.gather [hbm4b:s21+s2], $0x80, $0x38;
	[tilespmem:$0x4600] =	vst v63  }
0x190: {  	s21 =	sand.u32 $0x1FFFFFF0, s23  }
0x191: {  	s24 =	sor.u32 $0x2580, s20;
	s21 =	sadd.s32 s4, s21;
	s23 =	spop (v2sf);
	(v2sf) =	vpush v31, $0x7  }
0x192: {  	[tilespmem:s24], [sflag:$0x1] =	stream.linear.gather [hbm4b:s21+s2], $0x80, $0x38;
	[tilespmem:$0x4600] =	vst v63  }
0x193: {  	s21 =	sand.u32 $0x1FFFFFF0, s25  }
0x194: {  	s26 =	sor.u32 $0x600, s20;
	s21 =	sadd.s32 s3, s21  }
0x195: {  	[tilespmem:s26], [sflag:$0x1] =	stream.linear.gather [hbm4b:s21+s2], $0x80, $0x38;
	[tilespmem:$0x4600] =	vst v63  }
0x196: {  	s21 =	sand.u32 $0x1FFFFFF0, s28  }
0x197: {  	s29 =	sor.u32 $0x2600, s20;
	s21 =	sadd.s32 s4, s21  }
0x198: {  	[tilespmem:s29], [sflag:$0x1] =	stream.linear.gather [hbm4b:s21+s2], $0x80, $0x38;
	[tilespmem:$0x4600] =	vst v63  }
0x199: {  	s25 =	spop (v2sf);
	(v2sf) =	vpush v32, $0x8  }
0x19a: {  	s21 =	sand.u32 $0x1FFFFFF0, s30  }
0x19b: {  	s31 =	sor.u32 $0x680, s20;
	s21 =	sadd.s32 s3, s21;
	s28 =	spop (v2sf);
	(v2sf) =	vpush v31, $0x8  }
0x19c: {  	[tilespmem:s31], [sflag:$0x1] =	stream.linear.gather [hbm4b:s21+s2], $0x80, $0x38;
	[tilespmem:$0x4600] =	vst v63  }
0x19d: {  	s21 =	sand.u32 $0x1FFFFFF0, s23;
	s30 =	spop (v2sf);
	(v2sf) =	vpush v32, $0x9  }
0x19e: {  	s24 =	sor.u32 $0x2680, s20;
	s21 =	sadd.s32 s4, s21  }
0x19f: {  	[tilespmem:s24], [sflag:$0x1] =	stream.linear.gather [hbm4b:s21+s2], $0x80, $0x38;
	[tilespmem:$0x4600] =	vst v63  }
0x1a0: {  	s23 =	spop (v2sf);
	(v2sf) =	vpush v31, $0x9  }
0x1a1: {  	s21 =	sand.u32 $0x1FFFFFF0, s25  }
0x1a2: {  	s26 =	sor.u32 $0x700, s20;
	s21 =	sadd.s32 s3, s21  }
0x1a3: {  	[tilespmem:s26], [sflag:$0x1] =	stream.linear.gather [hbm4b:s21+s2], $0x80, $0x38;
	[tilespmem:$0x4600] =	vst v63  }
0x1a4: {  	s21 =	sand.u32 $0x1FFFFFF0, s28  }
0x1a5: {  	s29 =	sor.u32 $0x2700, s20;
	s21 =	sadd.s32 s4, s21  }
0x1a6: {  	[tilespmem:s29], [sflag:$0x1] =	stream.linear.gather [hbm4b:s21+s2], $0x80, $0x38;
	[tilespmem:$0x4600] =	vst v63  }
0x1a7: {  	s21 =	sand.u32 $0x1FFFFFF0, s30  }
0x1a8: {  	s31 =	sor.u32 $0x780, s20;
	s21 =	sadd.s32 s3, s21;
	s25 =	spop (v2sf);
	(v2sf) =	vpush v32, $0xA  }
0x1a9: {  	[tilespmem:s31], [sflag:$0x1] =	stream.linear.gather [hbm4b:s21+s2], $0x80, $0x38;
	[tilespmem:$0x4600] =	vst v63  }
0x1aa: {  	s28 =	spop (v2sf);
	(v2sf) =	vpush v31, $0xA  }
0x1ab: {  	s21 =	sand.u32 $0x1FFFFFF0, s23  }
0x1ac: {  	s24 =	sor.u32 $0x2780, s20;
	s21 =	sadd.s32 s4, s21;
	s30 =	spop (v2sf);
	(v2sf) =	vpush v32, $0xB  }
0x1ad: {  	[tilespmem:s24], [sflag:$0x1] =	stream.linear.gather [hbm4b:s21+s2], $0x80, $0x38;
	[tilespmem:$0x4600] =	vst v63  }
0x1ae: {  	s21 =	sand.u32 $0x1FFFFFF0, s25  }
0x1af: {  	s26 =	sadd.s32 $0x800, s20;
	s21 =	sadd.s32 s3, s21;
	s23 =	spop (v2sf);
	(v2sf) =	vpush v31, $0xB  }
0x1b0: {  	[tilespmem:s26], [sflag:$0x1] =	stream.linear.gather [hbm4b:s21+s2], $0x80, $0x38;
	[tilespmem:$0x4600] =	vst v63  }
0x1b1: {  	s21 =	sand.u32 $0x1FFFFFF0, s28  }
0x1b2: {  	s29 =	sadd.s32 $0x2800, s20;
	s21 =	sadd.s32 s4, s21  }
0x1b3: {  	[tilespmem:s29], [sflag:$0x1] =	stream.linear.gather [hbm4b:s21+s2], $0x80, $0x38;
	[tilespmem:$0x4600] =	vst v63  }
0x1b4: {  	s21 =	sand.u32 $0x1FFFFFF0, s30  }
0x1b5: {  	s31 =	sadd.s32 $0x880, s20;
	s21 =	sadd.s32 s3, s21  }
0x1b6: {  	[tilespmem:s31], [sflag:$0x1] =	stream.linear.gather [hbm4b:s21+s2], $0x80, $0x38;
	[tilespmem:$0x4600] =	vst v63  }
0x1b7: {  	s25 =	spop (v2sf);
	(v2sf) =	vpush v32, $0xC  }
0x1b8: {  	s21 =	sand.u32 $0x1FFFFFF0, s23  }
0x1b9: {  	s24 =	sadd.s32 $0x2880, s20;
	s21 =	sadd.s32 s4, s21;
	s28 =	spop (v2sf);
	(v2sf) =	vpush v31, $0xC  }
0x1ba: {  	[tilespmem:s24], [sflag:$0x1] =	stream.linear.gather [hbm4b:s21+s2], $0x80, $0x38;
	[tilespmem:$0x4600] =	vst v63  }
0x1bb: {  	s21 =	sand.u32 $0x1FFFFFF0, s25;
	s30 =	spop (v2sf);
	(v2sf) =	vpush v32, $0xD  }
0x1bc: {  	s26 =	sadd.s32 $0x900, s20;
	s21 =	sadd.s32 s3, s21  }
0x1bd: {  	[tilespmem:s26], [sflag:$0x1] =	stream.linear.gather [hbm4b:s21+s2], $0x80, $0x38;
	[tilespmem:$0x4600] =	vst v63  }
0x1be: {  	s23 =	spop (v2sf);
	(v2sf) =	vpush v31, $0xD  }
0x1bf: {  	s21 =	sand.u32 $0x1FFFFFF0, s28  }
0x1c0: {  	s29 =	sadd.s32 $0x2900, s20;
	s21 =	sadd.s32 s4, s21  }
0x1c1: {  	[tilespmem:s29], [sflag:$0x1] =	stream.linear.gather [hbm4b:s21+s2], $0x80, $0x38;
	[tilespmem:$0x4600] =	vst v63  }
0x1c2: {  	s21 =	sand.u32 $0x1FFFFFF0, s30  }
0x1c3: {  	s31 =	sadd.s32 $0x980, s20;
	s21 =	sadd.s32 s3, s21  }
0x1c4: {  	[tilespmem:s31], [sflag:$0x1] =	stream.linear.gather [hbm4b:s21+s2], $0x80, $0x38;
	[tilespmem:$0x4600] =	vst v63  }
0x1c5: {  	s21 =	sand.u32 $0x1FFFFFF0, s23  }
0x1c6: {  	s24 =	sadd.s32 $0x2980, s20;
	s21 =	sadd.s32 s4, s21;
	s25 =	spop (v2sf);
	(v2sf) =	vpush v32, $0xE  }
0x1c7: {  	[tilespmem:s24], [sflag:$0x1] =	stream.linear.gather [hbm4b:s21+s2], $0x80, $0x38;
	[tilespmem:$0x4600] =	vst v63  }
0x1c8: {  	s28 =	spop (v2sf);
	(v2sf) =	vpush v31, $0xE  }
0x1c9: {  	s21 =	sand.u32 $0x1FFFFFF0, s25  }
0x1ca: {  	s26 =	sadd.s32 $0xA00, s20;
	s21 =	sadd.s32 s3, s21;
	s30 =	spop (v2sf)  }
0x1cb: {  	(v2sf) =	vpush v32, $0xF;
	[tilespmem:s26], [sflag:$0x1] =	stream.linear.gather [hbm4b:s21+s2], $0x80, $0x38;
	[tilespmem:$0x4600] =	vst v63  }
0x1cc: {  	s21 =	sand.u32 $0x1FFFFFF0, s28  }
0x1cd: {  	s29 =	sadd.s32 $0x2A00, s20;
	s22 =	spop (v2sf);
	s21 =	sadd.s32 s4, s21  }
0x1ce: {  	(v2sf) =	vpush v31, $0xF;
	[tilespmem:s29], [sflag:$0x1] =	stream.linear.gather [hbm4b:s21+s2], $0x80, $0x38;
	[tilespmem:$0x4600] =	vst v63  }
0x1cf: {  	s21 =	sand.u32 $0x1FFFFFF0, s30  }
0x1d0: {  	s31 =	sadd.s32 $0xA80, s20;
	s21 =	sadd.s32 s3, s21  }
0x1d1: {  	[tilespmem:s31], [sflag:$0x1] =	stream.linear.gather [hbm4b:s21+s2], $0x80, $0x38;
	[tilespmem:$0x4600] =	vst v63  }
0x1d2: {  	s21 =	sand.u32 $0x1FFFFFF0, s22  }
0x1d3: {  	s23 =	sadd.s32 $0x2A80, s20;
	s21 =	sadd.s32 s4, s21  }
0x1d4: {  	[tilespmem:s23], [sflag:$0x1] =	stream.linear.gather [hbm4b:s21+s2], $0x80, $0x38;
	[tilespmem:$0x4600] =	vst v63  }
0x1d5: {  	s24 =	spop (v2sf)  }
0x1d6: {  	s21 =	sand.u32 $0x1FFFFFF0, s24  }
0x1d7: {  	s25 =	sadd.s32 $0xB00, s20;
	s26 =	spop (v2sf);
	s21 =	sadd.s32 s3, s21  }
0x1d8: {  	[tilespmem:s25], [sflag:$0x1] =	stream.linear.gather [hbm4b:s21+s2], $0x80, $0x38;
	[tilespmem:$0x4600] =	vst v63  }
0x1d9: {  	s21 =	sand.u32 $0x1FFFFFF0, s26  }
0x1da: {  	s28 =	sadd.s32 $0x2B00, s20;
	s29 =	spop (v2sf);
	s21 =	sadd.s32 s4, s21  }
0x1db: {  	[tilespmem:s28], [sflag:$0x1] =	stream.linear.gather [hbm4b:s21+s2], $0x80, $0x38;
	[tilespmem:$0x4600] =	vst v63  }
0x1dc: {  	p0 =	slt.u32 s19, $0x2;
	s30 =	sadd.s32 $0xB80, s20;
	s21 =	sand.u32 $0x1FFFFFF0, s29  }
.Ltmp4:
0x1dd: {  	s31 =	spop (v2sf);
	s21 =	sadd.s32 s3, s21;
	(pc) =	sbr.rel @p0 .LBB2_4-.Ltmp4, $4  }
0x1de: {  	[tilespmem:s30], [sflag:$0x1] =	stream.linear.gather [hbm4b:s21+s2], $0x80, $0x38;
	[tilespmem:$0x4600] =	vst v63  }
0x1df: {  	s21 =	sand.u32 $0x1FFFFFF0, s31  }
0x1e0: {  	s20 =	sadd.s32 $0x2B80, s20;
	s21 =	sadd.s32 s4, s21  }
0x1e1: {  	[tilespmem:s20], [sflag:$0x1] =	stream.linear.gather [hbm4b:s21+s2], $0x80, $0x38;
	[tilespmem:$0x4600] =	vst v63  }
0x1e2: {  	_ =	swait.ge [sflag:s10], $0x80  }
0x1e3: {  	[sflag:s10] =	ssyncset.done $0x0  }
0x1e4: {  	[sflag:s10] =	ssyncadd.s32 $0xFFFFFF80  }
0x1e5: {  	_ =	swait.ge [sflag:s10], $0x80  }
0x1e6: {  	[sflag:s10] =	ssyncset.done $0x0  }
0x1e7: {  	[sflag:s10] =	ssyncadd.s32 $0xFFFFFF80  }
0x1e8: {  	_ =	swait.ge [sflag:s10], $0x80  }
0x1e9: {  	[sflag:s10] =	ssyncset.done $0x0  }
0x1ea: {  	[sflag:s10] =	ssyncadd.s32 $0xFFFFFF80  }
0x1eb: {  	_ =	swait.ge [sflag:s10], $0x80  }
0x1ec: {  	[sflag:s10] =	ssyncset.done $0x0  }
0x1ed: {  	[sflag:s10] =	ssyncadd.s32 $0xFFFFFF80  }
0x1ee: {  	_ =	swait.ge [sflag:s10], $0x80  }
0x1ef: {  	[sflag:s10] =	ssyncset.done $0x0  }
0x1f0: {  	[sflag:s10] =	ssyncadd.s32 $0xFFFFFF80  }
0x1f1: {  	_ =	swait.ge [sflag:s10], $0x80  }
0x1f2: {  	[sflag:s10] =	ssyncset.done $0x0  }
0x1f3: {  	[sflag:s10] =	ssyncadd.s32 $0xFFFFFF80  }
0x1f4: {  	_ =	swait.ge [sflag:s10], $0x80  }
0x1f5: {  	[sflag:s10] =	ssyncset.done $0x0  }
0x1f6: {  	[sflag:s10] =	ssyncadd.s32 $0xFFFFFF80  }
0x1f7: {  	_ =	swait.ge [sflag:s10], $0x80  }
0x1f8: {  	[sflag:s10] =	ssyncset.done $0x0  }
0x1f9: {  	[sflag:s10] =	ssyncadd.s32 $0xFFFFFF80  }
0x1fa: {  	_ =	swait.ge [sflag:s10], $0x80  }
0x1fb: {  	[sflag:s10] =	ssyncset.done $0x0  }
0x1fc: {  	[sflag:s10] =	ssyncadd.s32 $0xFFFFFF80  }
0x1fd: {  	_ =	swait.ge [sflag:s10], $0x80  }
0x1fe: {  	[sflag:s10] =	ssyncset.done $0x0  }
0x1ff: {  	[sflag:s10] =	ssyncadd.s32 $0xFFFFFF80  }
0x200: {  	_ =	swait.ge [sflag:s10], $0x80  }
0x201: {  	[sflag:s10] =	ssyncset.done $0x0  }
0x202: {  	[sflag:s10] =	ssyncadd.s32 $0xFFFFFF80  }
0x203: {  	_ =	swait.ge [sflag:s10], $0x80  }
0x204: {  	[sflag:s10] =	ssyncset.done $0x0  }
0x205: {  	[sflag:s10] =	ssyncadd.s32 $0xFFFFFF80  }
0x206: {  	_ =	swait.ge [sflag:s10], $0x80  }
0x207: {  	[sflag:s10] =	ssyncset.done $0x0  }
0x208: {  	[sflag:s10] =	ssyncadd.s32 $0xFFFFFF80  }
0x209: {  	_ =	swait.ge [sflag:s10], $0x80  }
0x20a: {  	[sflag:s10] =	ssyncset.done $0x0  }
0x20b: {  	[sflag:s10] =	ssyncadd.s32 $0xFFFFFF80  }
0x20c: {  	_ =	swait.ge [sflag:s10], $0x80  }
0x20d: {  	[sflag:s10] =	ssyncset.done $0x0  }
0x20e: {  	[sflag:s10] =	ssyncadd.s32 $0xFFFFFF80  }
0x20f: {  	_ =	swait.ge [sflag:s10], $0x80  }
0x210: {  	[sflag:s10] =	ssyncset.done $0x0  }
0x211: {  	[sflag:s10] =	ssyncadd.s32 $0xFFFFFF80  }
0x212: {  	_ =	swait.ge [sflag:s10], $0x80  }
0x213: {  	[sflag:s10] =	ssyncset.done $0x0  }
0x214: {  	[sflag:s10] =	ssyncadd.s32 $0xFFFFFF80  }
0x215: {  	_ =	swait.ge [sflag:s10], $0x80  }
0x216: {  	[sflag:s10] =	ssyncset.done $0x0  }
0x217: {  	[sflag:s10] =	ssyncadd.s32 $0xFFFFFF80  }
0x218: {  	_ =	swait.ge [sflag:s10], $0x80  }
0x219: {  	[sflag:s10] =	ssyncset.done $0x0  }
0x21a: {  	[sflag:s10] =	ssyncadd.s32 $0xFFFFFF80  }
0x21b: {  	_ =	swait.ge [sflag:s10], $0x80  }
0x21c: {  	[sflag:s10] =	ssyncset.done $0x0  }
0x21d: {  	[sflag:s10] =	ssyncadd.s32 $0xFFFFFF80  }
0x21e: {  	_ =	swait.ge [sflag:s10], $0x80  }
0x21f: {  	[sflag:s10] =	ssyncset.done $0x0  }
0x220: {  	[sflag:s10] =	ssyncadd.s32 $0xFFFFFF80  }
0x221: {  	_ =	swait.ge [sflag:s10], $0x80  }
0x222: {  	[sflag:s10] =	ssyncset.done $0x0  }
0x223: {  	[sflag:s10] =	ssyncadd.s32 $0xFFFFFF80  }
0x224: {  	_ =	swait.ge [sflag:s10], $0x80  }
0x225: {  	[sflag:s10] =	ssyncset.done $0x0  }
0x226: {  	[sflag:s10] =	ssyncadd.s32 $0xFFFFFF80  }
0x227: {  	_ =	swait.ge [sflag:s10], $0x80  }
0x228: {  	[sflag:s10] =	ssyncset.done $0x0  }
0x229: {  	[sflag:s10] =	ssyncadd.s32 $0xFFFFFF80  }
0x22a: {  	_ =	swait.ge [sflag:s10], $0x80  }
0x22b: {  	[sflag:s10] =	ssyncset.done $0x0  }
0x22c: {  	[sflag:s10] =	ssyncadd.s32 $0xFFFFFF80  }
0x22d: {  	_ =	swait.ge [sflag:s10], $0x80  }
0x22e: {  	[sflag:s10] =	ssyncset.done $0x0  }
0x22f: {  	[sflag:s10] =	ssyncadd.s32 $0xFFFFFF80  }
0x230: {  	_ =	swait.ge [sflag:s10], $0x80  }
0x231: {  	[sflag:s10] =	ssyncset.done $0x0  }
0x232: {  	[sflag:s10] =	ssyncadd.s32 $0xFFFFFF80  }
0x233: {  	_ =	swait.ge [sflag:s10], $0x80  }
0x234: {  	[sflag:s10] =	ssyncset.done $0x0  }
0x235: {  	[sflag:s10] =	ssyncadd.s32 $0xFFFFFF80  }
0x236: {  	_ =	swait.ge [sflag:s10], $0x80  }
0x237: {  	[sflag:s10] =	ssyncset.done $0x0  }
0x238: {  	[sflag:s10] =	ssyncadd.s32 $0xFFFFFF80  }
0x239: {  	_ =	swait.ge [sflag:s10], $0x80  }
0x23a: {  	s20 =	sand.u32 $0x30, s16;
	[sflag:s10] =	ssyncset.done $0x0  }
0x23b: {  	v31 =	vmov s20;
	[sflag:s10] =	ssyncadd.s32 $0xFFFFFF80  }
0x23c: {  	v31 =	vshll.u32 v31, $0x7;
	_ =	swait.ge [sflag:s10], $0x80  }
0x23d: {  	v31 =	vor.u32 v1, v31;
	[sflag:s10] =	ssyncset.done $0x0  }
0x23e: {  	[sflag:s10] =	ssyncadd.s32 $0xFFFFFF80  }
0x23f: {  	v32 =	vor.u32 $0x1, v31;
	_ =	swait.ge [sflag:s10], $0x80  }
0x240: {  	[sflag:s10] =	ssyncset.done $0x0  }
0x241: {  	v33 =	vor.u32 $0x2, v31;
	[sflag:s10] =	ssyncadd.s32 $0xFFFFFF80  }
0x242: {  	v34 =	vld.idx.msk [tilespmem:v31+s11+$0x0], $0xffff  }
0x243: {  	v36 =	vor.u32 $0x3, v31;
	v35 =	vld.idx.msk [tilespmem:v31+s12+$0x0], $0xffff  }
0x244: {  	v37 =	vld.idx.msk [tilespmem:v32+s11+$0x0], $0xffff  }
0x245: {  	v38 =	vor.u32 $0x4, v31;
	v32 =	vld.idx.msk [tilespmem:v32+s12+$0x0], $0xffff  }
0x246: {  	v39 =	vld.idx.msk [tilespmem:v33+s11+$0x0], $0xffff  }
0x247: {  	v40 =	vor.u32 $0x5, v31;
	v33 =	vld.idx.msk [tilespmem:v33+s12+$0x0], $0xffff  }
0x248: {  	v54 =	vld.idx.msk [tilespmem:v36+s11+$0x0], $0xffff;
	v34 =	vmul.f32 v35, v34  }
0x249: {  	v41 =	vor.u32 $0x6, v31;
	v36 =	vld.idx.msk [tilespmem:v36+s12+$0x0], $0xffff  }
0x24a: {  	v55 =	vld.idx.msk [tilespmem:v38+s11+$0x0], $0xffff;
	v32 =	vmul.f32 v32, v37;
	v34 =	vadd.f32 $0.0e+00, v34  }
0x24b: {  	v42 =	vor.u32 $0x7, v31;
	v38 =	vld.idx.msk [tilespmem:v38+s12+$0x0], $0xffff  }
0x24c: {  	v56 =	vld.idx.msk [tilespmem:v40+s11+$0x0], $0xffff;
	v33 =	vmul.f32 v33, v39;
	v32 =	vadd.f32 v32, v34  }
0x24d: {  	v58 =	vor.u32 $0x8, v31;
	v57 =	vld.idx.msk [tilespmem:v40+s12+$0x0], $0xffff  }
0x24e: {  	v60 =	vld.idx.msk [tilespmem:v41+s11+$0x0], $0xffff;
	v59 =	vmul.f32 v36, v54;
	v32 =	vadd.f32 v33, v32  }
0x24f: {  	v62 =	vor.u32 $0x9, v31;
	v61 =	vld.idx.msk [tilespmem:v41+s12+$0x0], $0xffff  }
0x250: {  	v45 =	vld.idx.msk [tilespmem:v42+s11+$0x0], $0xffff;
	v63 =	vmul.f32 v38, v55;
	v32 =	vadd.f32 v59, v32  }
0x251: {  	v47 =	vor.u32 $0xA, v31;
	v46 =	vld.idx.msk [tilespmem:v42+s12+$0x0], $0xffff  }
0x252: {  	v49 =	vld.idx.msk [tilespmem:v58+s11+$0x0], $0xffff;
	v48 =	vmul.f32 v57, v56;
	v32 =	vadd.f32 v63, v32  }
0x253: {  	v51 =	vor.u32 $0xB, v31;
	v50 =	vld.idx.msk [tilespmem:v58+s12+$0x0], $0xffff  }
0x254: {  	v53 =	vld.idx.msk [tilespmem:v62+s11+$0x0], $0xffff;
	v52 =	vmul.f32 v61, v60;
	v32 =	vadd.f32 v48, v32  }
0x255: {  	v54 =	vld.idx.msk [tilespmem:v62+s12+$0x0], $0xffff;
	v55 =	vor.u32 $0xC, v31  }
0x256: {  	v58 =	vld.idx.msk [tilespmem:v47+s12+$0x0], $0xffff;
	v56 =	vmul.f32 v46, v45;
	v32 =	vadd.f32 v52, v32  }
0x257: {  	v57 =	vld.idx.msk [tilespmem:v47+s11+$0x0], $0xffff;
	v59 =	vor.u32 $0xD, v31  }
0x258: {  	v60 =	vmul.f32 v50, v49;
	v61 =	vld.idx.msk [tilespmem:v51+s11+$0x0], $0xffff;
	v32 =	vadd.f32 v56, v32  }
0x259: {  	v62 =	vld.idx.msk [tilespmem:v51+s12+$0x0], $0xffff;
	v63 =	vor.u32 $0xE, v31  }
0x25a: {  	v44 =	vmul.f32 v54, v53;
	v45 =	vld.idx.msk [tilespmem:v55+s11+$0x0], $0xffff;
	v32 =	vadd.f32 v60, v32  }
0x25b: {  	v47 =	vor.u32 $0xF, v31;
	v46 =	vld.idx.msk [tilespmem:v55+s12+$0x0], $0xffff  }
0x25c: {  	v48 =	vmul.f32 v58, v57;
	v49 =	vld.idx.msk [tilespmem:v59+s11+$0x0], $0xffff;
	v32 =	vadd.f32 v44, v32  }
0x25d: {  	v51 =	vor.u32 $0x10, v31;
	v50 =	vld.idx.msk [tilespmem:v59+s12+$0x0], $0xffff  }
0x25e: {  	v52 =	vmul.f32 v62, v61;
	v53 =	vld.idx.msk [tilespmem:v63+s11+$0x0], $0xffff;
	v32 =	vadd.f32 v48, v32  }
0x25f: {  	v55 =	vor.u32 $0x11, v31;
	v54 =	vld.idx.msk [tilespmem:v63+s12+$0x0], $0xffff  }
0x260: {  	v57 =	vld.idx.msk [tilespmem:v47+s11+$0x0], $0xffff;
	v56 =	vmul.f32 v46, v45;
	v32 =	vadd.f32 v52, v32  }
0x261: {  	v58 =	vld.idx.msk [tilespmem:v47+s12+$0x0], $0xffff;
	v59 =	vor.u32 $0x12, v31  }
0x262: {  	v61 =	vld.idx.msk [tilespmem:v51+s11+$0x0], $0xffff;
	v60 =	vmul.f32 v50, v49;
	v32 =	vadd.f32 v56, v32  }
0x263: {  	v62 =	vld.idx.msk [tilespmem:v51+s12+$0x0], $0xffff;
	v63 =	vor.u32 $0x13, v31  }
0x264: {  	v47 =	vld.idx.msk [tilespmem:v55+s12+$0x0], $0xffff;
	v45 =	vmul.f32 v54, v53;
	v32 =	vadd.f32 v60, v32  }
0x265: {  	v46 =	vld.idx.msk [tilespmem:v55+s11+$0x0], $0xffff;
	v48 =	vor.u32 $0x14, v31  }
0x266: {  	v49 =	vmul.f32 v58, v57;
	v50 =	vld.idx.msk [tilespmem:v59+s11+$0x0], $0xffff;
	v32 =	vadd.f32 v45, v32  }
0x267: {  	v51 =	vld.idx.msk [tilespmem:v59+s12+$0x0], $0xffff;
	v52 =	vor.u32 $0x15, v31  }
0x268: {  	v53 =	vmul.f32 v62, v61;
	v54 =	vld.idx.msk [tilespmem:v63+s11+$0x0], $0xffff;
	v32 =	vadd.f32 v49, v32  }
0x269: {  	v55 =	vld.idx.msk [tilespmem:v63+s12+$0x0], $0xffff;
	v56 =	vor.u32 $0x16, v31  }
0x26a: {  	v57 =	vmul.f32 v47, v46;
	v58 =	vld.idx.msk [tilespmem:v48+s11+$0x0], $0xffff;
	v32 =	vadd.f32 v53, v32  }
0x26b: {  	v59 =	vld.idx.msk [tilespmem:v48+s12+$0x0], $0xffff;
	v60 =	vor.u32 $0x17, v31  }
0x26c: {  	v61 =	vmul.f32 v51, v50;
	v62 =	vld.idx.msk [tilespmem:v52+s11+$0x0], $0xffff;
	v32 =	vadd.f32 v57, v32  }
0x26d: {  	v63 =	vld.idx.msk [tilespmem:v52+s12+$0x0], $0xffff;
	v45 =	vor.u32 $0x18, v31  }
0x26e: {  	v46 =	vmul.f32 v55, v54;
	v47 =	vld.idx.msk [tilespmem:v56+s11+$0x0], $0xffff;
	v32 =	vadd.f32 v61, v32  }
0x26f: {  	v48 =	vld.idx.msk [tilespmem:v56+s12+$0x0], $0xffff;
	v49 =	vor.u32 $0x19, v31  }
0x270: {  	v50 =	vmul.f32 v59, v58;
	v51 =	vld.idx.msk [tilespmem:v60+s11+$0x0], $0xffff;
	v32 =	vadd.f32 v46, v32  }
0x271: {  	v52 =	vld.idx.msk [tilespmem:v60+s12+$0x0], $0xffff;
	v53 =	vor.u32 $0x1A, v31  }
0x272: {  	v54 =	vmul.f32 v63, v62;
	v55 =	vld.idx.msk [tilespmem:v45+s11+$0x0], $0xffff;
	v32 =	vadd.f32 v50, v32  }
0x273: {  	v56 =	vld.idx.msk [tilespmem:v45+s12+$0x0], $0xffff;
	v57 =	vor.u32 $0x1B, v31  }
0x274: {  	v58 =	vmul.f32 v48, v47;
	v59 =	vld.idx.msk [tilespmem:v49+s11+$0x0], $0xffff;
	v32 =	vadd.f32 v54, v32  }
0x275: {  	v60 =	vld.idx.msk [tilespmem:v49+s12+$0x0], $0xffff;
	v61 =	vor.u32 $0x1C, v31  }
0x276: {  	v62 =	vmul.f32 v52, v51;
	v63 =	vld.idx.msk [tilespmem:v53+s11+$0x0], $0xffff;
	v32 =	vadd.f32 v58, v32  }
0x277: {  	v45 =	vor.u32 $0x1D, v31;
	v44 =	vld.idx.msk [tilespmem:v53+s12+$0x0], $0xffff  }
0x278: {  	v46 =	vmul.f32 v56, v55;
	v47 =	vld.idx.msk [tilespmem:v57+s11+$0x0], $0xffff;
	v32 =	vadd.f32 v62, v32  }
0x279: {  	v49 =	vor.u32 $0x1E, v31;
	v48 =	vld.idx.msk [tilespmem:v57+s12+$0x0], $0xffff  }
0x27a: {  	v50 =	vmul.f32 v60, v59;
	v51 =	vld.idx.msk [tilespmem:v61+s11+$0x0], $0xffff;
	v32 =	vadd.f32 v46, v32  }
0x27b: {  	v31 =	vor.u32 $0x1F, v31;
	v52 =	vld.idx.msk [tilespmem:v61+s12+$0x0], $0xffff  }
0x27c: {  	v55 =	vld.idx.msk [tilespmem:v45+s12+$0x0], $0xffff;
	v53 =	vmul.f32 v44, v63;
	v32 =	vadd.f32 v50, v32  }
0x27d: {  	v54 =	vld.idx.msk [tilespmem:v45+s11+$0x0], $0xffff  }
0x27e: {  	v57 =	vld.idx.msk [tilespmem:v49+s11+$0x0], $0xffff;
	v56 =	vmul.f32 v48, v47;
	v32 =	vadd.f32 v53, v32  }
0x27f: {  	v58 =	vld.idx.msk [tilespmem:v49+s12+$0x0], $0xffff  }
0x280: {  	v60 =	vld.idx.msk [tilespmem:v31+s11+$0x0], $0xffff;
	v59 =	vmul.f32 v52, v51;
	v32 =	vadd.f32 v56, v32  }
0x281: {  	v31 =	vld.idx.msk [tilespmem:v31+s12+$0x0], $0xffff  }
0x282: {  	v61 =	vmul.f32 v55, v54;
	v32 =	vadd.f32 v59, v32;
	_ =	sdelay $0x1  }
0x283: {  	v62 =	vmul.f32 v58, v57;
	v32 =	vadd.f32 v61, v32  }
0x284: {  	v63 =	vor.u32 s16, v0  }
.Ltmp5:
0x285: {  	v31 =	vmul.f32 v31, v60;
	v32 =	vadd.f32 v62, v32;
	(pc) =	sbr.rel .LBB2_4-.Ltmp5, $3  }
0x286: {  	_ = 	snop  }
0x287: {  	v31 =	vadd.f32 v31, v32;
	_ =	sdelay $0x1  }
0x288: {  	[tilespmem:v63+s13+$0x0] =	vst.idx.msk $0xffff, v31  }
.LBB2_6:
0x289: {  	_ =	sfence.sel $0x180000  }
0x28a: {  	[bflag:$0x0] =	sbarrier.arrive $0xFFFF  }
0x28b: {  	p0 =	sne.s32 s1, $0x0;
	_ =	strace $0x90000047  }
0x28c: {  	s0 =	sadd.s32 @!p0 $0x100000, s0;
	[bflag:$0x2] =	sbarrier.arrive $0xFFFF  }
0x28d: {  	[sflag:s0] =	ssyncadd.tile.s32 @!p0 $0x1;
	_ =	shalt  }
.Lfunc_end2:
_tile_overlayer_lowered:
.L_overlay_start_2:
0x28e: {  	(tag) =	ssettag $0x2  }
0x28f: {  	s0 =	rddreg [dreg:$0x0];
	s2 =	stileid.u32  }
0x290: {  	s1 =	rddreg [dreg:$0x1];
	p0 =	sne.s32 s2, $0x0  }
0x291: {  	s3 =	rddreg [dreg:$0x2];
	[bflag:$0x3] =	sbarrier.arrive $0xFFFF;
	s2 =	simm.s32 @!p0 $0x1C02  }
0x292: {  	[timem:s3], [sflag:s2] =	dma.local @!p0 [hbm:s0], s1  }
0x293: {  	s0 =	simm.s32 @!p0 $0x2  }
0x294: {  	_ =	swait.ge @!p0 [sflag:s0], s1  }
0x295: {  	s1 =	ssub.s32 @!p0 $0x0, s1;
	[sflag:s0] =	ssyncset.done @!p0 $0x0  }
0x296: {  	[sflag:s0] =	ssyncadd.s32 @!p0 s1  }
0x297: {  	[bflag:$0x3] =	sbarrier.arrive $0xFFFF  }
0x298: {  	_ =	shalt  }

</sc_bundles>
